<compile_context>
chip_gen: v7x
topology: tpu7x:2x2x1
jax: 0.10.2.dev20260603
libtpu: 0.0.44.dev20260713+nightly
codegen_flags: <defaults>
</compile_context>

<pallas_src>
import functools

import jax
import jax.numpy as jnp
from jax import lax
from jax.experimental import pallas as pl
from jax.experimental.pallas import tpu as pltpu
from jax.experimental.pallas import tpu_sc as plsc

NC = 2
NS = 16
NW = NC * NS
CHUNK = 64
NB = 5
GA = 3


def _relu_tc(x):
    def body(x_ref, o_ref):
        o_ref[...] = jnp.maximum(x_ref[...], 0.0)

    return pl.pallas_call(
        body, out_shape=jax.ShapeDtypeStruct(x.shape, x.dtype)
    )(x)


def _sc_agg(x, rx, src, dst):
    n, d = rx.shape
    e = src.shape[0]
    assert e % CHUNK == 0
    num_chunks = e // CHUNK
    rps = (n // NS) & ~7
    rps_last = n - (NS - 1) * rps
    assert rps > 0 and rps_last > 0

    mesh = plsc.VectorSubcoreMesh(core_axis_name="c", subcore_axis_name="s")

    @functools.partial(
        pl.kernel,
        out_type=jax.ShapeDtypeStruct((NC, n, d), jnp.float32),
        mesh=mesh,
        scratch_types=(
            [pltpu.VMEM((CHUNK,), jnp.int32)] * NB
            + [pltpu.VMEM((CHUNK,), jnp.int32)] * NB
            + [pltpu.VMEM((CHUNK, d), jnp.float32)] * NB
            + [pltpu.SemaphoreType.DMA] * NB
            + [pltpu.SemaphoreType.DMA] * NB
            + [pltpu.SemaphoreType.DMA]
            + [pltpu.VMEM_SHARED((n, d), jnp.float32)]
        ),
    )
    def k(x_hbm, src_hbm, dst_hbm, rx_hbm, out_hbm, *refs):
        sidx = refs[0:NB]
        didx = refs[NB:2 * NB]
        rows = refs[2 * NB:3 * NB]
        gsem = refs[3 * NB:4 * NB]
        csem = refs[4 * NB:5 * NB]
        semi = refs[5 * NB]
        acc = refs[5 * NB + 1]

        cid = lax.axis_index("c")
        sid = lax.axis_index("s")
        wid = sid * NC + cid

        row_base = pl.multiple_of(sid * rps, 8)
        r0 = rows[0]

        def blockwise(total, fn):
            off = 0
            while off < total:
                blk = min(CHUNK, total - off)
                fn(off, blk)
                off += blk

        @pl.when(cid == 0)
        def _():
            @pl.when(sid < NS - 1)
            def _():
                pltpu.sync_copy(x_hbm.at[pl.ds(row_base, rps)],
                                acc.at[pl.ds(row_base, rps)])

            @pl.when(sid == NS - 1)
            def _():
                pltpu.sync_copy(x_hbm.at[pl.ds((NS - 1) * rps, rps_last)],
                                acc.at[pl.ds((NS - 1) * rps, rps_last)])

        @pl.when(cid != 0)
        def _():
            @pl.loop(0, CHUNK)
            def _(i):
                for col in range(d // 16):
                    r0[i, pl.ds(col * 16, 16)] = jnp.zeros((16,), jnp.float32)

            @pl.when(sid < NS - 1)
            def _():
                blockwise(rps, lambda off, blk: pltpu.sync_copy(
                    r0.at[pl.ds(0, blk)],
                    acc.at[pl.ds(sid * rps + off, blk)]))

            @pl.when(sid == NS - 1)
            def _():
                blockwise(rps_last, lambda off, blk: pltpu.sync_copy(
                    r0.at[pl.ds(0, blk)],
                    acc.at[pl.ds((NS - 1) * rps + off, blk)]))

        plsc.subcore_barrier()

        nt = (num_chunks - wid + NW - 1) // NW

        def idx_base(j):
            return pl.multiple_of((wid + j * NW) * CHUNK, 8)

        def idx_copies(j, sidx_b, didx_b):
            base = idx_base(j)
            return (pltpu.make_async_copy(
                        src_hbm.at[pl.ds(base, CHUNK)], sidx_b, semi),
                    pltpu.make_async_copy(
                        dst_hbm.at[pl.ds(base, CHUNK)], didx_b, semi))

        def prime(j):
            @pl.when(nt > j)
            def _():
                base = idx_base(j)
                pltpu.sync_copy(src_hbm.at[pl.ds(base, CHUNK)], sidx[j])
                pltpu.sync_copy(dst_hbm.at[pl.ds(base, CHUNK)], didx[j])
                pltpu.make_async_copy(rx_hbm.at[sidx[j]], rows[j],
                                      gsem[j]).start()
                if j + 1 < GA:
                    prime(j + 1)
                else:
                    @pl.when(nt > GA)
                    def _():
                        for cpy in idx_copies(GA, sidx[GA], didx[GA]):
                            cpy.start()

        prime(0)

        @pl.loop(0, (nt + NB - 1) // NB)
        def _(p):
            for t in range(NB):
                j = NB * p + t
                cs = t
                gs = (t + GA) % NB
                ps = (t + NB - 1) % NB

                @pl.when(j < nt)
                def _():
                    @pl.when(j + GA < nt)
                    def _():
                        for cpy in idx_copies(j + GA, sidx[gs], didx[gs]):
                            cpy.wait()
                        pltpu.make_async_copy(
                            rx_hbm.at[sidx[gs]], rows[gs], gsem[gs]).start()

                    pltpu.make_async_copy(
                        rx_hbm.at[sidx[cs]], rows[cs], gsem[cs]).wait()
                    pltpu.make_async_copy(
                        rows[cs], acc.at[didx[cs]], csem[cs]).start(add=True)

                    @pl.when(j >= 1)
                    def _():
                        pltpu.make_async_copy(
                            rows[ps], acc.at[didx[ps]], csem[ps]).wait()

                    @pl.when(j + NB - 1 < nt)
                    def _():
                        for cpy in idx_copies(j + NB - 1, sidx[ps], didx[ps]):
                            cpy.start()

        for t in range(NB):
            @pl.when((nt > 0) & ((nt - 1) % NB == t))
            def _():
                pltpu.make_async_copy(
                    rows[t], acc.at[didx[t]], csem[t]).wait()

        plsc.subcore_barrier()

        @pl.when(sid < NS - 1)
        def _():
            pltpu.sync_copy(acc.at[pl.ds(row_base, rps)],
                            out_hbm.at[cid].at[pl.ds(row_base, rps)])

        @pl.when(sid == NS - 1)
        def _():
            pltpu.sync_copy(acc.at[pl.ds((NS - 1) * rps, rps_last)],
                            out_hbm.at[cid].at[pl.ds((NS - 1) * rps, rps_last)])

    return k(x, src, dst, rx)


def _mlp_tc(p0, p1, W1, b1, W2, b2):
    n, d = p0.shape
    bn = 2000
    assert n % bn == 0

    def body(p0_ref, p1_ref, w1_ref, b1_ref, w2_ref, b2_ref, o_ref):
        h = p0_ref[...] + p1_ref[...]
        h = jnp.dot(h, w1_ref[...], preferred_element_type=jnp.float32)
        h = jnp.maximum(h + b1_ref[...], 0.0)
        h = jnp.dot(h, w2_ref[...], preferred_element_type=jnp.float32)
        o_ref[...] = jnp.maximum(h + b2_ref[...], 0.0)

    row_spec = pl.BlockSpec((bn, d), lambda i: (i, 0))
    full_spec = pl.BlockSpec((d, d), lambda i: (0, 0))
    bias_spec = pl.BlockSpec((1, d), lambda i: (0, 0))
    return pl.pallas_call(
        body,
        grid=(n // bn,),
        in_specs=[row_spec, row_spec, full_spec, bias_spec,
                  full_spec, bias_spec],
        out_specs=row_spec,
        out_shape=jax.ShapeDtypeStruct((n, d), jnp.float32),
    )(p0, p1, W1, b1, W2, b2)


def kernel(x, edge_index, W1, b1, W2, b2):
    n, d = x.shape
    src = edge_index[0]
    dst = edge_index[1]
    rx = _relu_tc(x)
    partials = _sc_agg(x, rx, src, dst)
    return _mlp_tc(partials[0], partials[1], W1,
                   b1.reshape(1, d), W2, b2.reshape(1, d))

# --- scband reference (transcript-rebuilt; emitter-appended) ---
"""Pipeline reference for scband-gineconv-88364657148500 (READ-ONLY COPY).

The authoritative reference and input builder live on the scoring server;
editing this copy changes nothing except your own understanding.
"""

import jax, jax.numpy as jnp
import numpy as np

N = 10000
E = 320000
D = 128

def setup_inputs(seed: int = 0) -> dict:
    key = jax.random.key(seed)
    k1, k2, k3, k4, k5, k6 = jax.random.split(key, 6)
    x = jax.random.normal(k1, (N, D), dtype=jnp.float32)
    edge_index = jax.random.randint(k2, (2, E), 0, N, dtype=jnp.int32)
    # MLP params for gin_nn = Linear(D,D) -> ReLU -> Linear(D,D)
    W1 = jax.random.normal(k3, (D, D), dtype=jnp.float32) * 0.05
    b1 = jnp.zeros((D,), dtype=jnp.float32)
    W2 = jax.random.normal(k4, (D, D), dtype=jnp.float32) * 0.05
    b2 = jnp.zeros((D,), dtype=jnp.float32)
    return {"x": x, "edge_index": edge_index, "W1": W1, "b1": b1, "W2": W2, "b2": b2}

def reference(x, edge_index, W1, b1, W2, b2):
    # PyG GINEConv with edge_dim=None and no edge_attr supplied:
    # message m_ij = relu(x_j) (edge_attr treated as zero),
    # out = gin_nn((1 + eps) * x_i + sum_{j in N(i)} m_ij), eps = 0.0 (default, non-trainable)
    src = edge_index[0]
    dst = edge_index[1]
    m = jax.nn.relu(jnp.take(x, src, axis=0))          # gather x_j, [E, D]
    agg = jax.ops.segment_sum(m, dst, num_segments=N)  # scatter-add to dst nodes, [N, D]
    eps = 0.0
    h = (1.0 + eps) * x + agg
    # gin_nn MLP
    h = jax.nn.relu(h @ W1 + b1)
    h = h @ W2 + b2
    # outer forward: relu then dropout (identity at inference)
    out = jax.nn.relu(h)
    return out

if __name__ == "__main__":
    import jax
    _d = setup_inputs()
    print(jax.jit(kernel)(*tuple(_d.values())))

</pallas_src>

<mosaic_0001>
#map = affine_map<(d0, d1) -> (0, 0)>
#map1 = affine_map<(d0, d1) -> (0)>
#map2 = affine_map<(d0, d1) -> (0, 0, 0)>
module attributes {stable_mosaic.version = 14 : i64} {
  func.func @k(%arg0: i32, %arg1: i32, %arg2: memref<10000x128xf32, #tpu.memory_space<hbm>>, %arg3: memref<320000xi32, #tpu.memory_space<hbm>>, %arg4: memref<320000xi32, #tpu.memory_space<hbm>>, %arg5: memref<10000x128xf32, #tpu.memory_space<hbm>>, %arg6: memref<2x10000x128xf32, #tpu.memory_space<hbm>>, %arg7: memref<64xi32, #tpu.memory_space<vmem>>, %arg8: memref<64xi32, #tpu.memory_space<vmem>>, %arg9: memref<64xi32, #tpu.memory_space<vmem>>, %arg10: memref<64xi32, #tpu.memory_space<vmem>>, %arg11: memref<64xi32, #tpu.memory_space<vmem>>, %arg12: memref<64xi32, #tpu.memory_space<vmem>>, %arg13: memref<64xi32, #tpu.memory_space<vmem>>, %arg14: memref<64xi32, #tpu.memory_space<vmem>>, %arg15: memref<64xi32, #tpu.memory_space<vmem>>, %arg16: memref<64xi32, #tpu.memory_space<vmem>>, %arg17: memref<64x128xf32, #tpu.memory_space<vmem>>, %arg18: memref<64x128xf32, #tpu.memory_space<vmem>>, %arg19: memref<64x128xf32, #tpu.memory_space<vmem>>, %arg20: memref<64x128xf32, #tpu.memory_space<vmem>>, %arg21: memref<64x128xf32, #tpu.memory_space<vmem>>, %arg22: memref<!tpu.dma_semaphore, #tpu.memory_space<semaphore_mem>>, %arg23: memref<!tpu.dma_semaphore, #tpu.memory_space<semaphore_mem>>, %arg24: memref<!tpu.dma_semaphore, #tpu.memory_space<semaphore_mem>>, %arg25: memref<!tpu.dma_semaphore, #tpu.memory_space<semaphore_mem>>, %arg26: memref<!tpu.dma_semaphore, #tpu.memory_space<semaphore_mem>>, %arg27: memref<!tpu.dma_semaphore, #tpu.memory_space<semaphore_mem>>, %arg28: memref<!tpu.dma_semaphore, #tpu.memory_space<semaphore_mem>>, %arg29: memref<!tpu.dma_semaphore, #tpu.memory_space<semaphore_mem>>, %arg30: memref<!tpu.dma_semaphore, #tpu.memory_space<semaphore_mem>>, %arg31: memref<!tpu.dma_semaphore, #tpu.memory_space<semaphore_mem>>, %arg32: memref<!tpu.dma_semaphore, #tpu.memory_space<semaphore_mem>>, %arg33: memref<10000x128xf32, #tpu.memory_space<vmem_shared>>) attributes {dimension_semantics = [#tpu.dimension_semantics<core_parallel>, #tpu.dimension_semantics<subcore_parallel>], iteration_bounds = array<i64: 2, 16>, scalar_prefetch = 0 : i64, scratch_operands = 27 : i64, tpu.core_type = #tpu.core_type<sc_vector_subcore>, window_params = [{transform_indices = #map}, {transform_indices = #map1}, {transform_indices = #map1}, {transform_indices = #map}, {transform_indices = #map2}]} {
    %mul3A = arith.constant 2 : i32
    %mul3A_0 = arith.muli %arg1, %mul3A : i32
    %add3A = arith.addi %mul3A_0, %arg0 : i32
    %mul3A_1 = arith.constant 624 : i32
    %mul3A_2 = arith.muli %arg1, %mul3A_1 : i32
    %multiple_of3A = tpu.assume_multiple %mul3A_2, 8 : i32
    %eq3A = arith.constant 0 : i32
    %eq3A_3 = arith.cmpi eq, %arg0, %eq3A : i32
    %convert_element_type3A = arith.extui %eq3A_3 : i1 to i32
    %cond3A = arith.constant 0 : i32
    %cond3A_4 = arith.cmpi ne, %convert_element_type3A, %cond3A : i32
    scf.if %cond3A_4 {
      %lt3A_222 = arith.constant 15 : i32
      %lt3A_223 = arith.cmpi slt, %arg1, %lt3A_222 : i32
      %convert_element_type3A_224 = arith.extui %lt3A_223 : i1 to i32
      %cond3A_225 = arith.constant 0 : i32
      %cond3A_226 = arith.cmpi ne, %convert_element_type3A_224, %cond3A_225 : i32
      scf.if %cond3A_226 {
        "tpu.region"() ({
          %run_scoped3A = tpu.sem_alloc : memref<!tpu.dma_semaphore, #tpu.memory_space<semaphore_mem>>
          %dma_start3A = arith.constant 0 : i32
          %dma_start3A_232 = tpu.memref_slice %arg33[%multiple_of3A, %dma_start3A] : memref<10000x128xf32, #tpu.memory_space<vmem_shared>> -> memref<624x128xf32, #tpu.memory_space<vmem_shared>>
          %dma_start3A_233 = arith.constant 0 : i32
          %dma_start3A_234 = tpu.memref_slice %arg2[%multiple_of3A, %dma_start3A_233] : memref<10000x128xf32, #tpu.memory_space<hbm>> -> memref<624x128xf32, #tpu.memory_space<hbm>>
          tpu.enqueue_dma source(%dma_start3A_234 : memref<624x128xf32, #tpu.memory_space<hbm>>) target(%dma_start3A_232 : memref<624x128xf32, #tpu.memory_space<vmem_shared>>) target_semaphore(%run_scoped3A : memref<!tpu.dma_semaphore, #tpu.memory_space<semaphore_mem>>)
          %dma_wait3A = arith.constant 0 : i32
          %dma_wait3A_235 = tpu.memref_slice %arg33[%multiple_of3A, %dma_wait3A] : memref<10000x128xf32, #tpu.memory_space<vmem_shared>> -> memref<624x128xf32, #tpu.memory_space<vmem_shared>>
          %dma_wait3A_236 = arith.constant 0 : i32
          %dma_wait3A_237 = tpu.memref_slice %arg2[%multiple_of3A, %dma_wait3A_236] : memref<10000x128xf32, #tpu.memory_space<hbm>> -> memref<624x128xf32, #tpu.memory_space<hbm>>
          tpu.wait_dma2 semaphore(%run_scoped3A : memref<!tpu.dma_semaphore, #tpu.memory_space<semaphore_mem>>) src(%dma_wait3A_237 : memref<624x128xf32, #tpu.memory_space<hbm>>) dst(%dma_wait3A_235 : memref<624x128xf32, #tpu.memory_space<vmem_shared>>)
          tpu.yield
        }) : () -> ()
      } else {
      }
      %eq3A_227 = arith.constant 15 : i32
      %eq3A_228 = arith.cmpi eq, %arg1, %eq3A_227 : i32
      %convert_element_type3A_229 = arith.extui %eq3A_228 : i1 to i32
      %cond3A_230 = arith.constant 0 : i32
      %cond3A_231 = arith.cmpi ne, %convert_element_type3A_229, %cond3A_230 : i32
      scf.if %cond3A_231 {
        "tpu.region"() ({
          %run_scoped3A = tpu.sem_alloc : memref<!tpu.dma_semaphore, #tpu.memory_space<semaphore_mem>>
          %dma_start3A = arith.constant 9360 : i32
          %dma_start3A_232 = arith.constant 0 : i32
          %dma_start3A_233 = tpu.memref_slice %arg33[%dma_start3A, %dma_start3A_232] : memref<10000x128xf32, #tpu.memory_space<vmem_shared>> -> memref<640x128xf32, #tpu.memory_space<vmem_shared>>
          %dma_start3A_234 = arith.constant 9360 : i32
          %dma_start3A_235 = arith.constant 0 : i32
          %dma_start3A_236 = tpu.memref_slice %arg2[%dma_start3A_234, %dma_start3A_235] : memref<10000x128xf32, #tpu.memory_space<hbm>> -> memref<640x128xf32, #tpu.memory_space<hbm>>
          tpu.enqueue_dma source(%dma_start3A_236 : memref<640x128xf32, #tpu.memory_space<hbm>>) target(%dma_start3A_233 : memref<640x128xf32, #tpu.memory_space<vmem_shared>>) target_semaphore(%run_scoped3A : memref<!tpu.dma_semaphore, #tpu.memory_space<semaphore_mem>>)
          %dma_wait3A = arith.constant 9360 : i32
          %dma_wait3A_237 = arith.constant 0 : i32
          %dma_wait3A_238 = tpu.memref_slice %arg33[%dma_wait3A, %dma_wait3A_237] : memref<10000x128xf32, #tpu.memory_space<vmem_shared>> -> memref<640x128xf32, #tpu.memory_space<vmem_shared>>
          %dma_wait3A_239 = arith.constant 9360 : i32
          %dma_wait3A_240 = arith.constant 0 : i32
          %dma_wait3A_241 = tpu.memref_slice %arg2[%dma_wait3A_239, %dma_wait3A_240] : memref<10000x128xf32, #tpu.memory_space<hbm>> -> memref<640x128xf32, #tpu.memory_space<hbm>>
          tpu.wait_dma2 semaphore(%run_scoped3A : memref<!tpu.dma_semaphore, #tpu.memory_space<semaphore_mem>>) src(%dma_wait3A_241 : memref<640x128xf32, #tpu.memory_space<hbm>>) dst(%dma_wait3A_238 : memref<640x128xf32, #tpu.memory_space<vmem_shared>>)
          tpu.yield
        }) : () -> ()
      } else {
      }
    } else {
    }
    %ne3A = arith.constant 0 : i32
    %ne3A_5 = arith.cmpi ne, %arg0, %ne3A : i32
    %convert_element_type3A_6 = arith.extui %ne3A_5 : i1 to i32
    %cond3A_7 = arith.constant 0 : i32
    %cond3A_8 = arith.cmpi ne, %convert_element_type3A_6, %cond3A_7 : i32
    scf.if %cond3A_8 {
      %scan3A = arith.constant 0 : i32
      %scan3A_222 = arith.constant 64 : i32
      %scan3A_223 = arith.addi %scan3A, %scan3A_222 : i32
      %scan3A_224 = arith.constant 1 : i32
      scf.for %scan3A_236 = %scan3A to %scan3A_223 step %scan3A_224  : i32 {
        %mul3A_237 = arith.constant 1 : i32
        %mul3A_238 = arith.muli %scan3A_236, %mul3A_237 : i32
        %add3A_239 = arith.constant 0 : i32
        %add3A_240 = arith.addi %add3A_239, %mul3A_238 : i32
        %broadcast_in_dim3A = arith.constant 0.000000e+00 : f32
        %broadcast_in_dim3A_241 = vector.broadcast %broadcast_in_dim3A : f32 to vector<16xf32>
        %swap3A = arith.index_cast %add3A_240 : i32 to index
        %swap3A_242 = arith.constant 0 : index
        %swap3A_243 = tpu.vector_load %arg17[%swap3A, %swap3A_242] {strides = array<i32>} : memref<64x128xf32, #tpu.memory_space<vmem>>, vector<1x16xf32>,
        %swap3A_244 = vector.shape_cast %swap3A_243 : vector<1x16xf32> to vector<16xf32>
        %swap3A_245 = vector.shape_cast %broadcast_in_dim3A_241 : vector<16xf32> to vector<1x16xf32>
        tpu.vector_store %arg17[%swap3A, %swap3A_242], %swap3A_245 {strides = array<i32>} : memref<64x128xf32, #tpu.memory_space<vmem>>, vector<1x16xf32>,
        %broadcast_in_dim3A_246 = arith.constant 0.000000e+00 : f32
        %broadcast_in_dim3A_247 = vector.broadcast %broadcast_in_dim3A_246 : f32 to vector<16xf32>
        %swap3A_248 = arith.index_cast %add3A_240 : i32 to index
        %swap3A_249 = arith.constant 16 : index
        %swap3A_250 = tpu.vector_load %arg17[%swap3A_248, %swap3A_249] {strides = array<i32>} : memref<64x128xf32, #tpu.memory_space<vmem>>, vector<1x16xf32>,
        %swap3A_251 = vector.shape_cast %swap3A_250 : vector<1x16xf32> to vector<16xf32>
        %swap3A_252 = vector.shape_cast %broadcast_in_dim3A_247 : vector<16xf32> to vector<1x16xf32>
        tpu.vector_store %arg17[%swap3A_248, %swap3A_249], %swap3A_252 {strides = array<i32>} : memref<64x128xf32, #tpu.memory_space<vmem>>, vector<1x16xf32>,
        %broadcast_in_dim3A_253 = arith.constant 0.000000e+00 : f32
        %broadcast_in_dim3A_254 = vector.broadcast %broadcast_in_dim3A_253 : f32 to vector<16xf32>
        %swap3A_255 = arith.index_cast %add3A_240 : i32 to index
        %swap3A_256 = arith.constant 32 : index
        %swap3A_257 = tpu.vector_load %arg17[%swap3A_255, %swap3A_256] {strides = array<i32>} : memref<64x128xf32, #tpu.memory_space<vmem>>, vector<1x16xf32>,
        %swap3A_258 = vector.shape_cast %swap3A_257 : vector<1x16xf32> to vector<16xf32>
        %swap3A_259 = vector.shape_cast %broadcast_in_dim3A_254 : vector<16xf32> to vector<1x16xf32>
        tpu.vector_store %arg17[%swap3A_255, %swap3A_256], %swap3A_259 {strides = array<i32>} : memref<64x128xf32, #tpu.memory_space<vmem>>, vector<1x16xf32>,
        %broadcast_in_dim3A_260 = arith.constant 0.000000e+00 : f32
        %broadcast_in_dim3A_261 = vector.broadcast %broadcast_in_dim3A_260 : f32 to vector<16xf32>
        %swap3A_262 = arith.index_cast %add3A_240 : i32 to index
        %swap3A_263 = arith.constant 48 : index
        %swap3A_264 = tpu.vector_load %arg17[%swap3A_262, %swap3A_263] {strides = array<i32>} : memref<64x128xf32, #tpu.memory_space<vmem>>, vector<1x16xf32>,
        %swap3A_265 = vector.shape_cast %swap3A_264 : vector<1x16xf32> to vector<16xf32>
        %swap3A_266 = vector.shape_cast %broadcast_in_dim3A_261 : vector<16xf32> to vector<1x16xf32>
        tpu.vector_store %arg17[%swap3A_262, %swap3A_263], %swap3A_266 {strides = array<i32>} : memref<64x128xf32, #tpu.memory_space<vmem>>, vector<1x16xf32>,
        %broadcast_in_dim3A_267 = arith.constant 0.000000e+00 : f32
        %broadcast_in_dim3A_268 = vector.broadcast %broadcast_in_dim3A_267 : f32 to vector<16xf32>
        %swap3A_269 = arith.index_cast %add3A_240 : i32 to index
        %swap3A_270 = arith.constant 64 : index
        %swap3A_271 = tpu.vector_load %arg17[%swap3A_269, %swap3A_270] {strides = array<i32>} : memref<64x128xf32, #tpu.memory_space<vmem>>, vector<1x16xf32>,
        %swap3A_272 = vector.shape_cast %swap3A_271 : vector<1x16xf32> to vector<16xf32>
        %swap3A_273 = vector.shape_cast %broadcast_in_dim3A_268 : vector<16xf32> to vector<1x16xf32>
        tpu.vector_store %arg17[%swap3A_269, %swap3A_270], %swap3A_273 {strides = array<i32>} : memref<64x128xf32, #tpu.memory_space<vmem>>, vector<1x16xf32>,
        %broadcast_in_dim3A_274 = arith.constant 0.000000e+00 : f32
        %broadcast_in_dim3A_275 = vector.broadcast %broadcast_in_dim3A_274 : f32 to vector<16xf32>
        %swap3A_276 = arith.index_cast %add3A_240 : i32 to index
        %swap3A_277 = arith.constant 80 : index
        %swap3A_278 = tpu.vector_load %arg17[%swap3A_276, %swap3A_277] {strides = array<i32>} : memref<64x128xf32, #tpu.memory_space<vmem>>, vector<1x16xf32>,
        %swap3A_279 = vector.shape_cast %swap3A_278 : vector<1x16xf32> to vector<16xf32>
        %swap3A_280 = vector.shape_cast %broadcast_in_dim3A_275 : vector<16xf32> to vector<1x16xf32>
        tpu.vector_store %arg17[%swap3A_276, %swap3A_277], %swap3A_280 {strides = array<i32>} : memref<64x128xf32, #tpu.memory_space<vmem>>, vector<1x16xf32>,
        %broadcast_in_dim3A_281 = arith.constant 0.000000e+00 : f32
        %broadcast_in_dim3A_282 = vector.broadcast %broadcast_in_dim3A_281 : f32 to vector<16xf32>
        %swap3A_283 = arith.index_cast %add3A_240 : i32 to index
        %swap3A_284 = arith.constant 96 : index
        %swap3A_285 = tpu.vector_load %arg17[%swap3A_283, %swap3A_284] {strides = array<i32>} : memref<64x128xf32, #tpu.memory_space<vmem>>, vector<1x16xf32>,
        %swap3A_286 = vector.shape_cast %swap3A_285 : vector<1x16xf32> to vector<16xf32>
        %swap3A_287 = vector.shape_cast %broadcast_in_dim3A_282 : vector<16xf32> to vector<1x16xf32>
        tpu.vector_store %arg17[%swap3A_283, %swap3A_284], %swap3A_287 {strides = array<i32>} : memref<64x128xf32, #tpu.memory_space<vmem>>, vector<1x16xf32>,
        %broadcast_in_dim3A_288 = arith.constant 0.000000e+00 : f32
        %broadcast_in_dim3A_289 = vector.broadcast %broadcast_in_dim3A_288 : f32 to vector<16xf32>
        %swap3A_290 = arith.index_cast %add3A_240 : i32 to index
        %swap3A_291 = arith.constant 112 : index
        %swap3A_292 = tpu.vector_load %arg17[%swap3A_290, %swap3A_291] {strides = array<i32>} : memref<64x128xf32, #tpu.memory_space<vmem>>, vector<1x16xf32>,
        %swap3A_293 = vector.shape_cast %swap3A_292 : vector<1x16xf32> to vector<16xf32>
        %swap3A_294 = vector.shape_cast %broadcast_in_dim3A_289 : vector<16xf32> to vector<1x16xf32>
        tpu.vector_store %arg17[%swap3A_290, %swap3A_291], %swap3A_294 {strides = array<i32>} : memref<64x128xf32, #tpu.memory_space<vmem>>, vector<1x16xf32>,
      }
      %scan3A_225 = arith.constant 64 : i32
      %lt3A_226 = arith.constant 15 : i32
      %lt3A_227 = arith.cmpi slt, %arg1, %lt3A_226 : i32
      %convert_element_type3A_228 = arith.extui %lt3A_227 : i1 to i32
      %cond3A_229 = arith.constant 0 : i32
      %cond3A_230 = arith.cmpi ne, %convert_element_type3A_228, %cond3A_229 : i32
      scf.if %cond3A_230 {
        %mul3A_236 = arith.constant 624 : i32
        %mul3A_237 = arith.muli %arg1, %mul3A_236 : i32
        %add3A_238 = arith.constant 0 : i32
        %add3A_239 = arith.addi %mul3A_237, %add3A_238 : i32
        "tpu.region"() ({
          %run_scoped3A = tpu.sem_alloc : memref<!tpu.dma_semaphore, #tpu.memory_space<semaphore_mem>>
          %dma_start3A = arith.constant 0 : i32
          %dma_start3A_276 = arith.constant 0 : i32
          %dma_start3A_277 = tpu.memref_slice %arg17[%dma_start3A, %dma_start3A_276] : memref<64x128xf32, #tpu.memory_space<vmem>> -> memref<64x128xf32, #tpu.memory_space<vmem>>
          %dma_start3A_278 = arith.constant 0 : i32
          %dma_start3A_279 = tpu.memref_slice %arg33[%add3A_239, %dma_start3A_278] : memref<10000x128xf32, #tpu.memory_space<vmem_shared>> -> memref<64x128xf32, #tpu.memory_space<vmem_shared>>
          %dma_start3A_280 = arith.constant 0 : i32
          %dma_start3A_281 = tpu.memref_slice %arg33[%add3A_239, %dma_start3A_280] : memref<10000x128xf32, #tpu.memory_space<vmem_shared>> -> memref<64x128xf32, #tpu.memory_space<vmem_shared>>
          %dma_start3A_282 = arith.constant 0 : i32
          %dma_start3A_283 = arith.constant 0 : i32
          %dma_start3A_284 = tpu.memref_slice %arg17[%dma_start3A_282, %dma_start3A_283] : memref<64x128xf32, #tpu.memory_space<vmem>> -> memref<64x128xf32, #tpu.memory_space<vmem>>
          tpu.enqueue_dma source(%dma_start3A_284 : memref<64x128xf32, #tpu.memory_space<vmem>>) target(%dma_start3A_281 : memref<64x128xf32, #tpu.memory_space<vmem_shared>>) target_semaphore(%run_scoped3A : memref<!tpu.dma_semaphore, #tpu.memory_space<semaphore_mem>>)
          %dma_wait3A = arith.constant 0 : i32
          %dma_wait3A_285 = arith.constant 0 : i32
          %dma_wait3A_286 = tpu.memref_slice %arg17[%dma_wait3A, %dma_wait3A_285] : memref<64x128xf32, #tpu.memory_space<vmem>> -> memref<64x128xf32, #tpu.memory_space<vmem>>
          %dma_wait3A_287 = arith.constant 0 : i32
          %dma_wait3A_288 = tpu.memref_slice %arg33[%add3A_239, %dma_wait3A_287] : memref<10000x128xf32, #tpu.memory_space<vmem_shared>> -> memref<64x128xf32, #tpu.memory_space<vmem_shared>>
          %dma_wait3A_289 = arith.constant 0 : i32
          %dma_wait3A_290 = tpu.memref_slice %arg33[%add3A_239, %dma_wait3A_289] : memref<10000x128xf32, #tpu.memory_space<vmem_shared>> -> memref<64x128xf32, #tpu.memory_space<vmem_shared>>
          %dma_wait3A_291 = arith.constant 0 : i32
          %dma_wait3A_292 = arith.constant 0 : i32
          %dma_wait3A_293 = tpu.memref_slice %arg17[%dma_wait3A_291, %dma_wait3A_292] : memref<64x128xf32, #tpu.memory_space<vmem>> -> memref<64x128xf32, #tpu.memory_space<vmem>>
          tpu.wait_dma2 semaphore(%run_scoped3A : memref<!tpu.dma_semaphore, #tpu.memory_space<semaphore_mem>>) src(%dma_wait3A_293 : memref<64x128xf32, #tpu.memory_space<vmem>>) dst(%dma_wait3A_290 : memref<64x128xf32, #tpu.memory_space<vmem_shared>>)
          tpu.yield
        }) : () -> ()
        %mul3A_240 = arith.constant 624 : i32
        %mul3A_241 = arith.muli %arg1, %mul3A_240 : i32
        %add3A_242 = arith.constant 64 : i32
        %add3A_243 = arith.addi %mul3A_241, %add3A_242 : i32
        "tpu.region"() ({
          %run_scoped3A = tpu.sem_alloc : memref<!tpu.dma_semaphore, #tpu.memory_space<semaphore_mem>>
          %dma_start3A = arith.constant 0 : i32
          %dma_start3A_276 = arith.constant 0 : i32
          %dma_start3A_277 = tpu.memref_slice %arg17[%dma_start3A, %dma_start3A_276] : memref<64x128xf32, #tpu.memory_space<vmem>> -> memref<64x128xf32, #tpu.memory_space<vmem>>
          %dma_start3A_278 = arith.constant 0 : i32
          %dma_start3A_279 = tpu.memref_slice %arg33[%add3A_243, %dma_start3A_278] : memref<10000x128xf32, #tpu.memory_space<vmem_shared>> -> memref<64x128xf32, #tpu.memory_space<vmem_shared>>
          %dma_start3A_280 = arith.constant 0 : i32
          %dma_start3A_281 = tpu.memref_slice %arg33[%add3A_243, %dma_start3A_280] : memref<10000x128xf32, #tpu.memory_space<vmem_shared>> -> memref<64x128xf32, #tpu.memory_space<vmem_shared>>
          %dma_start3A_282 = arith.constant 0 : i32
          %dma_start3A_283 = arith.constant 0 : i32
          %dma_start3A_284 = tpu.memref_slice %arg17[%dma_start3A_282, %dma_start3A_283] : memref<64x128xf32, #tpu.memory_space<vmem>> -> memref<64x128xf32, #tpu.memory_space<vmem>>
          tpu.enqueue_dma source(%dma_start3A_284 : memref<64x128xf32, #tpu.memory_space<vmem>>) target(%dma_start3A_281 : memref<64x128xf32, #tpu.memory_space<vmem_shared>>) target_semaphore(%run_scoped3A : memref<!tpu.dma_semaphore, #tpu.memory_space<semaphore_mem>>)
          %dma_wait3A = arith.constant 0 : i32
          %dma_wait3A_285 = arith.constant 0 : i32
          %dma_wait3A_286 = tpu.memref_slice %arg17[%dma_wait3A, %dma_wait3A_285] : memref<64x128xf32, #tpu.memory_space<vmem>> -> memref<64x128xf32, #tpu.memory_space<vmem>>
          %dma_wait3A_287 = arith.constant 0 : i32
          %dma_wait3A_288 = tpu.memref_slice %arg33[%add3A_243, %dma_wait3A_287] : memref<10000x128xf32, #tpu.memory_space<vmem_shared>> -> memref<64x128xf32, #tpu.memory_space<vmem_shared>>
          %dma_wait3A_289 = arith.constant 0 : i32
          %dma_wait3A_290 = tpu.memref_slice %arg33[%add3A_243, %dma_wait3A_289] : memref<10000x128xf32, #tpu.memory_space<vmem_shared>> -> memref<64x128xf32, #tpu.memory_space<vmem_shared>>
          %dma_wait3A_291 = arith.constant 0 : i32
          %dma_wait3A_292 = arith.constant 0 : i32
          %dma_wait3A_293 = tpu.memref_slice %arg17[%dma_wait3A_291, %dma_wait3A_292] : memref<64x128xf32, #tpu.memory_space<vmem>> -> memref<64x128xf32, #tpu.memory_space<vmem>>
          tpu.wait_dma2 semaphore(%run_scoped3A : memref<!tpu.dma_semaphore, #tpu.memory_space<semaphore_mem>>) src(%dma_wait3A_293 : memref<64x128xf32, #tpu.memory_space<vmem>>) dst(%dma_wait3A_290 : memref<64x128xf32, #tpu.memory_space<vmem_shared>>)
          tpu.yield
        }) : () -> ()
        %mul3A_244 = arith.constant 624 : i32
        %mul3A_245 = arith.muli %arg1, %mul3A_244 : i32
        %add3A_246 = arith.constant 128 : i32
        %add3A_247 = arith.addi %mul3A_245, %add3A_246 : i32
        "tpu.region"() ({
          %run_scoped3A = tpu.sem_alloc : memref<!tpu.dma_semaphore, #tpu.memory_space<semaphore_mem>>
          %dma_start3A = arith.constant 0 : i32
          %dma_start3A_276 = arith.constant 0 : i32
          %dma_start3A_277 = tpu.memref_slice %arg17[%dma_start3A, %dma_start3A_276] : memref<64x128xf32, #tpu.memory_space<vmem>> -> memref<64x128xf32, #tpu.memory_space<vmem>>
          %dma_start3A_278 = arith.constant 0 : i32
          %dma_start3A_279 = tpu.memref_slice %arg33[%add3A_247, %dma_start3A_278] : memref<10000x128xf32, #tpu.memory_space<vmem_shared>> -> memref<64x128xf32, #tpu.memory_space<vmem_shared>>
          %dma_start3A_280 = arith.constant 0 : i32
          %dma_start3A_281 = tpu.memref_slice %arg33[%add3A_247, %dma_start3A_280] : memref<10000x128xf32, #tpu.memory_space<vmem_shared>> -> memref<64x128xf32, #tpu.memory_space<vmem_shared>>
          %dma_start3A_282 = arith.constant 0 : i32
          %dma_start3A_283 = arith.constant 0 : i32
          %dma_start3A_284 = tpu.memref_slice %arg17[%dma_start3A_282, %dma_start3A_283] : memref<64x128xf32, #tpu.memory_space<vmem>> -> memref<64x128xf32, #tpu.memory_space<vmem>>
          tpu.enqueue_dma source(%dma_start3A_284 : memref<64x128xf32, #tpu.memory_space<vmem>>) target(%dma_start3A_281 : memref<64x128xf32, #tpu.memory_space<vmem_shared>>) target_semaphore(%run_scoped3A : memref<!tpu.dma_semaphore, #tpu.memory_space<semaphore_mem>>)
          %dma_wait3A = arith.constant 0 : i32
          %dma_wait3A_285 = arith.constant 0 : i32
          %dma_wait3A_286 = tpu.memref_slice %arg17[%dma_wait3A, %dma_wait3A_285] : memref<64x128xf32, #tpu.memory_space<vmem>> -> memref<64x128xf32, #tpu.memory_space<vmem>>
          %dma_wait3A_287 = arith.constant 0 : i32
          %dma_wait3A_288 = tpu.memref_slice %arg33[%add3A_247, %dma_wait3A_287] : memref<10000x128xf32, #tpu.memory_space<vmem_shared>> -> memref<64x128xf32, #tpu.memory_space<vmem_shared>>
          %dma_wait3A_289 = arith.constant 0 : i32
          %dma_wait3A_290 = tpu.memref_slice %arg33[%add3A_247, %dma_wait3A_289] : memref<10000x128xf32, #tpu.memory_space<vmem_shared>> -> memref<64x128xf32, #tpu.memory_space<vmem_shared>>
          %dma_wait3A_291 = arith.constant 0 : i32
          %dma_wait3A_292 = arith.constant 0 : i32
          %dma_wait3A_293 = tpu.memref_slice %arg17[%dma_wait3A_291, %dma_wait3A_292] : memref<64x128xf32, #tpu.memory_space<vmem>> -> memref<64x128xf32, #tpu.memory_space<vmem>>
          tpu.wait_dma2 semaphore(%run_scoped3A : memref<!tpu.dma_semaphore, #tpu.memory_space<semaphore_mem>>) src(%dma_wait3A_293 : memref<64x128xf32, #tpu.memory_space<vmem>>) dst(%dma_wait3A_290 : memref<64x128xf32, #tpu.memory_space<vmem_shared>>)
          tpu.yield
        }) : () -> ()
        %mul3A_248 = arith.constant 624 : i32
        %mul3A_249 = arith.muli %arg1, %mul3A_248 : i32
        %add3A_250 = arith.constant 192 : i32
        %add3A_251 = arith.addi %mul3A_249, %add3A_250 : i32
        "tpu.region"() ({
          %run_scoped3A = tpu.sem_alloc : memref<!tpu.dma_semaphore, #tpu.memory_space<semaphore_mem>>
          %dma_start3A = arith.constant 0 : i32
          %dma_start3A_276 = arith.constant 0 : i32
          %dma_start3A_277 = tpu.memref_slice %arg17[%dma_start3A, %dma_start3A_276] : memref<64x128xf32, #tpu.memory_space<vmem>> -> memref<64x128xf32, #tpu.memory_space<vmem>>
          %dma_start3A_278 = arith.constant 0 : i32
          %dma_start3A_279 = tpu.memref_slice %arg33[%add3A_251, %dma_start3A_278] : memref<10000x128xf32, #tpu.memory_space<vmem_shared>> -> memref<64x128xf32, #tpu.memory_space<vmem_shared>>
          %dma_start3A_280 = arith.constant 0 : i32
          %dma_start3A_281 = tpu.memref_slice %arg33[%add3A_251, %dma_start3A_280] : memref<10000x128xf32, #tpu.memory_space<vmem_shared>> -> memref<64x128xf32, #tpu.memory_space<vmem_shared>>
          %dma_start3A_282 = arith.constant 0 : i32
          %dma_start3A_283 = arith.constant 0 : i32
          %dma_start3A_284 = tpu.memref_slice %arg17[%dma_start3A_282, %dma_start3A_283] : memref<64x128xf32, #tpu.memory_space<vmem>> -> memref<64x128xf32, #tpu.memory_space<vmem>>
          tpu.enqueue_dma source(%dma_start3A_284 : memref<64x128xf32, #tpu.memory_space<vmem>>) target(%dma_start3A_281 : memref<64x128xf32, #tpu.memory_space<vmem_shared>>) target_semaphore(%run_scoped3A : memref<!tpu.dma_semaphore, #tpu.memory_space<semaphore_mem>>)
          %dma_wait3A = arith.constant 0 : i32
          %dma_wait3A_285 = arith.constant 0 : i32
          %dma_wait3A_286 = tpu.memref_slice %arg17[%dma_wait3A, %dma_wait3A_285] : memref<64x128xf32, #tpu.memory_space<vmem>> -> memref<64x128xf32, #tpu.memory_space<vmem>>
          %dma_wait3A_287 = arith.constant 0 : i32
          %dma_wait3A_288 = tpu.memref_slice %arg33[%add3A_251, %dma_wait3A_287] : memref<10000x128xf32, #tpu.memory_space<vmem_shared>> -> memref<64x128xf32, #tpu.memory_space<vmem_shared>>
          %dma_wait3A_289 = arith.constant 0 : i32
          %dma_wait3A_290 = tpu.memref_slice %arg33[%add3A_251, %dma_wait3A_289] : memref<10000x128xf32, #tpu.memory_space<vmem_shared>> -> memref<64x128xf32, #tpu.memory_space<vmem_shared>>
          %dma_wait3A_291 = arith.constant 0 : i32
          %dma_wait3A_292 = arith.constant 0 : i32
          %dma_wait3A_293 = tpu.memref_slice %arg17[%dma_wait3A_291, %dma_wait3A_292] : memref<64x128xf32, #tpu.memory_space<vmem>> -> memref<64x128xf32, #tpu.memory_space<vmem>>
          tpu.wait_dma2 semaphore(%run_scoped3A : memref<!tpu.dma_semaphore, #tpu.memory_space<semaphore_mem>>) src(%dma_wait3A_293 : memref<64x128xf32, #tpu.memory_space<vmem>>) dst(%dma_wait3A_290 : memref<64x128xf32, #tpu.memory_space<vmem_shared>>)
          tpu.yield
        }) : () -> ()
        %mul3A_252 = arith.constant 624 : i32
        %mul3A_253 = arith.muli %arg1, %mul3A_252 : i32
        %add3A_254 = arith.constant 256 : i32
        %add3A_255 = arith.addi %mul3A_253, %add3A_254 : i32
        "tpu.region"() ({
          %run_scoped3A = tpu.sem_alloc : memref<!tpu.dma_semaphore, #tpu.memory_space<semaphore_mem>>
          %dma_start3A = arith.constant 0 : i32
          %dma_start3A_276 = arith.constant 0 : i32
          %dma_start3A_277 = tpu.memref_slice %arg17[%dma_start3A, %dma_start3A_276] : memref<64x128xf32, #tpu.memory_space<vmem>> -> memref<64x128xf32, #tpu.memory_space<vmem>>
          %dma_start3A_278 = arith.constant 0 : i32
          %dma_start3A_279 = tpu.memref_slice %arg33[%add3A_255, %dma_start3A_278] : memref<10000x128xf32, #tpu.memory_space<vmem_shared>> -> memref<64x128xf32, #tpu.memory_space<vmem_shared>>
          %dma_start3A_280 = arith.constant 0 : i32
          %dma_start3A_281 = tpu.memref_slice %arg33[%add3A_255, %dma_start3A_280] : memref<10000x128xf32, #tpu.memory_space<vmem_shared>> -> memref<64x128xf32, #tpu.memory_space<vmem_shared>>
          %dma_start3A_282 = arith.constant 0 : i32
          %dma_start3A_283 = arith.constant 0 : i32
          %dma_start3A_284 = tpu.memref_slice %arg17[%dma_start3A_282, %dma_start3A_283] : memref<64x128xf32, #tpu.memory_space<vmem>> -> memref<64x128xf32, #tpu.memory_space<vmem>>
          tpu.enqueue_dma source(%dma_start3A_284 : memref<64x128xf32, #tpu.memory_space<vmem>>) target(%dma_start3A_281 : memref<64x128xf32, #tpu.memory_space<vmem_shared>>) target_semaphore(%run_scoped3A : memref<!tpu.dma_semaphore, #tpu.memory_space<semaphore_mem>>)
          %dma_wait3A = arith.constant 0 : i32
          %dma_wait3A_285 = arith.constant 0 : i32
          %dma_wait3A_286 = tpu.memref_slice %arg17[%dma_wait3A, %dma_wait3A_285] : memref<64x128xf32, #tpu.memory_space<vmem>> -> memref<64x128xf32, #tpu.memory_space<vmem>>
          %dma_wait3A_287 = arith.constant 0 : i32
          %dma_wait3A_288 = tpu.memref_slice %arg33[%add3A_255, %dma_wait3A_287] : memref<10000x128xf32, #tpu.memory_space<vmem_shared>> -> memref<64x128xf32, #tpu.memory_space<vmem_shared>>
          %dma_wait3A_289 = arith.constant 0 : i32
          %dma_wait3A_290 = tpu.memref_slice %arg33[%add3A_255, %dma_wait3A_289] : memref<10000x128xf32, #tpu.memory_space<vmem_shared>> -> memref<64x128xf32, #tpu.memory_space<vmem_shared>>
          %dma_wait3A_291 = arith.constant 0 : i32
          %dma_wait3A_292 = arith.constant 0 : i32
          %dma_wait3A_293 = tpu.memref_slice %arg17[%dma_wait3A_291, %dma_wait3A_292] : memref<64x128xf32, #tpu.memory_space<vmem>> -> memref<64x128xf32, #tpu.memory_space<vmem>>
          tpu.wait_dma2 semaphore(%run_scoped3A : memref<!tpu.dma_semaphore, #tpu.memory_space<semaphore_mem>>) src(%dma_wait3A_293 : memref<64x128xf32, #tpu.memory_space<vmem>>) dst(%dma_wait3A_290 : memref<64x128xf32, #tpu.memory_space<vmem_shared>>)
          tpu.yield
        }) : () -> ()
        %mul3A_256 = arith.constant 624 : i32
        %mul3A_257 = arith.muli %arg1, %mul3A_256 : i32
        %add3A_258 = arith.constant 320 : i32
        %add3A_259 = arith.addi %mul3A_257, %add3A_258 : i32
        "tpu.region"() ({
          %run_scoped3A = tpu.sem_alloc : memref<!tpu.dma_semaphore, #tpu.memory_space<semaphore_mem>>
          %dma_start3A = arith.constant 0 : i32
          %dma_start3A_276 = arith.constant 0 : i32
          %dma_start3A_277 = tpu.memref_slice %arg17[%dma_start3A, %dma_start3A_276] : memref<64x128xf32, #tpu.memory_space<vmem>> -> memref<64x128xf32, #tpu.memory_space<vmem>>
          %dma_start3A_278 = arith.constant 0 : i32
          %dma_start3A_279 = tpu.memref_slice %arg33[%add3A_259, %dma_start3A_278] : memref<10000x128xf32, #tpu.memory_space<vmem_shared>> -> memref<64x128xf32, #tpu.memory_space<vmem_shared>>
          %dma_start3A_280 = arith.constant 0 : i32
          %dma_start3A_281 = tpu.memref_slice %arg33[%add3A_259, %dma_start3A_280] : memref<10000x128xf32, #tpu.memory_space<vmem_shared>> -> memref<64x128xf32, #tpu.memory_space<vmem_shared>>
          %dma_start3A_282 = arith.constant 0 : i32
          %dma_start3A_283 = arith.constant 0 : i32
          %dma_start3A_284 = tpu.memref_slice %arg17[%dma_start3A_282, %dma_start3A_283] : memref<64x128xf32, #tpu.memory_space<vmem>> -> memref<64x128xf32, #tpu.memory_space<vmem>>
          tpu.enqueue_dma source(%dma_start3A_284 : memref<64x128xf32, #tpu.memory_space<vmem>>) target(%dma_start3A_281 : memref<64x128xf32, #tpu.memory_space<vmem_shared>>) target_semaphore(%run_scoped3A : memref<!tpu.dma_semaphore, #tpu.memory_space<semaphore_mem>>)
          %dma_wait3A = arith.constant 0 : i32
          %dma_wait3A_285 = arith.constant 0 : i32
          %dma_wait3A_286 = tpu.memref_slice %arg17[%dma_wait3A, %dma_wait3A_285] : memref<64x128xf32, #tpu.memory_space<vmem>> -> memref<64x128xf32, #tpu.memory_space<vmem>>
          %dma_wait3A_287 = arith.constant 0 : i32
          %dma_wait3A_288 = tpu.memref_slice %arg33[%add3A_259, %dma_wait3A_287] : memref<10000x128xf32, #tpu.memory_space<vmem_shared>> -> memref<64x128xf32, #tpu.memory_space<vmem_shared>>
          %dma_wait3A_289 = arith.constant 0 : i32
          %dma_wait3A_290 = tpu.memref_slice %arg33[%add3A_259, %dma_wait3A_289] : memref<10000x128xf32, #tpu.memory_space<vmem_shared>> -> memref<64x128xf32, #tpu.memory_space<vmem_shared>>
          %dma_wait3A_291 = arith.constant 0 : i32
          %dma_wait3A_292 = arith.constant 0 : i32
          %dma_wait3A_293 = tpu.memref_slice %arg17[%dma_wait3A_291, %dma_wait3A_292] : memref<64x128xf32, #tpu.memory_space<vmem>> -> memref<64x128xf32, #tpu.memory_space<vmem>>
          tpu.wait_dma2 semaphore(%run_scoped3A : memref<!tpu.dma_semaphore, #tpu.memory_space<semaphore_mem>>) src(%dma_wait3A_293 : memref<64x128xf32, #tpu.memory_space<vmem>>) dst(%dma_wait3A_290 : memref<64x128xf32, #tpu.memory_space<vmem_shared>>)
          tpu.yield
        }) : () -> ()
        %mul3A_260 = arith.constant 624 : i32
        %mul3A_261 = arith.muli %arg1, %mul3A_260 : i32
        %add3A_262 = arith.constant 384 : i32
        %add3A_263 = arith.addi %mul3A_261, %add3A_262 : i32
        "tpu.region"() ({
          %run_scoped3A = tpu.sem_alloc : memref<!tpu.dma_semaphore, #tpu.memory_space<semaphore_mem>>
          %dma_start3A = arith.constant 0 : i32
          %dma_start3A_276 = arith.constant 0 : i32
          %dma_start3A_277 = tpu.memref_slice %arg17[%dma_start3A, %dma_start3A_276] : memref<64x128xf32, #tpu.memory_space<vmem>> -> memref<64x128xf32, #tpu.memory_space<vmem>>
          %dma_start3A_278 = arith.constant 0 : i32
          %dma_start3A_279 = tpu.memref_slice %arg33[%add3A_263, %dma_start3A_278] : memref<10000x128xf32, #tpu.memory_space<vmem_shared>> -> memref<64x128xf32, #tpu.memory_space<vmem_shared>>
          %dma_start3A_280 = arith.constant 0 : i32
          %dma_start3A_281 = tpu.memref_slice %arg33[%add3A_263, %dma_start3A_280] : memref<10000x128xf32, #tpu.memory_space<vmem_shared>> -> memref<64x128xf32, #tpu.memory_space<vmem_shared>>
          %dma_start3A_282 = arith.constant 0 : i32
          %dma_start3A_283 = arith.constant 0 : i32
          %dma_start3A_284 = tpu.memref_slice %arg17[%dma_start3A_282, %dma_start3A_283] : memref<64x128xf32, #tpu.memory_space<vmem>> -> memref<64x128xf32, #tpu.memory_space<vmem>>
          tpu.enqueue_dma source(%dma_start3A_284 : memref<64x128xf32, #tpu.memory_space<vmem>>) target(%dma_start3A_281 : memref<64x128xf32, #tpu.memory_space<vmem_shared>>) target_semaphore(%run_scoped3A : memref<!tpu.dma_semaphore, #tpu.memory_space<semaphore_mem>>)
          %dma_wait3A = arith.constant 0 : i32
          %dma_wait3A_285 = arith.constant 0 : i32
          %dma_wait3A_286 = tpu.memref_slice %arg17[%dma_wait3A, %dma_wait3A_285] : memref<64x128xf32, #tpu.memory_space<vmem>> -> memref<64x128xf32, #tpu.memory_space<vmem>>
          %dma_wait3A_287 = arith.constant 0 : i32
          %dma_wait3A_288 = tpu.memref_slice %arg33[%add3A_263, %dma_wait3A_287] : memref<10000x128xf32, #tpu.memory_space<vmem_shared>> -> memref<64x128xf32, #tpu.memory_space<vmem_shared>>
          %dma_wait3A_289 = arith.constant 0 : i32
          %dma_wait3A_290 = tpu.memref_slice %arg33[%add3A_263, %dma_wait3A_289] : memref<10000x128xf32, #tpu.memory_space<vmem_shared>> -> memref<64x128xf32, #tpu.memory_space<vmem_shared>>
          %dma_wait3A_291 = arith.constant 0 : i32
          %dma_wait3A_292 = arith.constant 0 : i32
          %dma_wait3A_293 = tpu.memref_slice %arg17[%dma_wait3A_291, %dma_wait3A_292] : memref<64x128xf32, #tpu.memory_space<vmem>> -> memref<64x128xf32, #tpu.memory_space<vmem>>
          tpu.wait_dma2 semaphore(%run_scoped3A : memref<!tpu.dma_semaphore, #tpu.memory_space<semaphore_mem>>) src(%dma_wait3A_293 : memref<64x128xf32, #tpu.memory_space<vmem>>) dst(%dma_wait3A_290 : memref<64x128xf32, #tpu.memory_space<vmem_shared>>)
          tpu.yield
        }) : () -> ()
        %mul3A_264 = arith.constant 624 : i32
        %mul3A_265 = arith.muli %arg1, %mul3A_264 : i32
        %add3A_266 = arith.constant 448 : i32
        %add3A_267 = arith.addi %mul3A_265, %add3A_266 : i32
        "tpu.region"() ({
          %run_scoped3A = tpu.sem_alloc : memref<!tpu.dma_semaphore, #tpu.memory_space<semaphore_mem>>
          %dma_start3A = arith.constant 0 : i32
          %dma_start3A_276 = arith.constant 0 : i32
          %dma_start3A_277 = tpu.memref_slice %arg17[%dma_start3A, %dma_start3A_276] : memref<64x128xf32, #tpu.memory_space<vmem>> -> memref<64x128xf32, #tpu.memory_space<vmem>>
          %dma_start3A_278 = arith.constant 0 : i32
          %dma_start3A_279 = tpu.memref_slice %arg33[%add3A_267, %dma_start3A_278] : memref<10000x128xf32, #tpu.memory_space<vmem_shared>> -> memref<64x128xf32, #tpu.memory_space<vmem_shared>>
          %dma_start3A_280 = arith.constant 0 : i32
          %dma_start3A_281 = tpu.memref_slice %arg33[%add3A_267, %dma_start3A_280] : memref<10000x128xf32, #tpu.memory_space<vmem_shared>> -> memref<64x128xf32, #tpu.memory_space<vmem_shared>>
          %dma_start3A_282 = arith.constant 0 : i32
          %dma_start3A_283 = arith.constant 0 : i32
          %dma_start3A_284 = tpu.memref_slice %arg17[%dma_start3A_282, %dma_start3A_283] : memref<64x128xf32, #tpu.memory_space<vmem>> -> memref<64x128xf32, #tpu.memory_space<vmem>>
          tpu.enqueue_dma source(%dma_start3A_284 : memref<64x128xf32, #tpu.memory_space<vmem>>) target(%dma_start3A_281 : memref<64x128xf32, #tpu.memory_space<vmem_shared>>) target_semaphore(%run_scoped3A : memref<!tpu.dma_semaphore, #tpu.memory_space<semaphore_mem>>)
          %dma_wait3A = arith.constant 0 : i32
          %dma_wait3A_285 = arith.constant 0 : i32
          %dma_wait3A_286 = tpu.memref_slice %arg17[%dma_wait3A, %dma_wait3A_285] : memref<64x128xf32, #tpu.memory_space<vmem>> -> memref<64x128xf32, #tpu.memory_space<vmem>>
          %dma_wait3A_287 = arith.constant 0 : i32
          %dma_wait3A_288 = tpu.memref_slice %arg33[%add3A_267, %dma_wait3A_287] : memref<10000x128xf32, #tpu.memory_space<vmem_shared>> -> memref<64x128xf32, #tpu.memory_space<vmem_shared>>
          %dma_wait3A_289 = arith.constant 0 : i32
          %dma_wait3A_290 = tpu.memref_slice %arg33[%add3A_267, %dma_wait3A_289] : memref<10000x128xf32, #tpu.memory_space<vmem_shared>> -> memref<64x128xf32, #tpu.memory_space<vmem_shared>>
          %dma_wait3A_291 = arith.constant 0 : i32
          %dma_wait3A_292 = arith.constant 0 : i32
          %dma_wait3A_293 = tpu.memref_slice %arg17[%dma_wait3A_291, %dma_wait3A_292] : memref<64x128xf32, #tpu.memory_space<vmem>> -> memref<64x128xf32, #tpu.memory_space<vmem>>
          tpu.wait_dma2 semaphore(%run_scoped3A : memref<!tpu.dma_semaphore, #tpu.memory_space<semaphore_mem>>) src(%dma_wait3A_293 : memref<64x128xf32, #tpu.memory_space<vmem>>) dst(%dma_wait3A_290 : memref<64x128xf32, #tpu.memory_space<vmem_shared>>)
          tpu.yield
        }) : () -> ()
        %mul3A_268 = arith.constant 624 : i32
        %mul3A_269 = arith.muli %arg1, %mul3A_268 : i32
        %add3A_270 = arith.constant 512 : i32
        %add3A_271 = arith.addi %mul3A_269, %add3A_270 : i32
        "tpu.region"() ({
          %run_scoped3A = tpu.sem_alloc : memref<!tpu.dma_semaphore, #tpu.memory_space<semaphore_mem>>
          %dma_start3A = arith.constant 0 : i32
          %dma_start3A_276 = arith.constant 0 : i32
          %dma_start3A_277 = tpu.memref_slice %arg17[%dma_start3A, %dma_start3A_276] : memref<64x128xf32, #tpu.memory_space<vmem>> -> memref<64x128xf32, #tpu.memory_space<vmem>>
          %dma_start3A_278 = arith.constant 0 : i32
          %dma_start3A_279 = tpu.memref_slice %arg33[%add3A_271, %dma_start3A_278] : memref<10000x128xf32, #tpu.memory_space<vmem_shared>> -> memref<64x128xf32, #tpu.memory_space<vmem_shared>>
          %dma_start3A_280 = arith.constant 0 : i32
          %dma_start3A_281 = tpu.memref_slice %arg33[%add3A_271, %dma_start3A_280] : memref<10000x128xf32, #tpu.memory_space<vmem_shared>> -> memref<64x128xf32, #tpu.memory_space<vmem_shared>>
          %dma_start3A_282 = arith.constant 0 : i32
          %dma_start3A_283 = arith.constant 0 : i32
          %dma_start3A_284 = tpu.memref_slice %arg17[%dma_start3A_282, %dma_start3A_283] : memref<64x128xf32, #tpu.memory_space<vmem>> -> memref<64x128xf32, #tpu.memory_space<vmem>>
          tpu.enqueue_dma source(%dma_start3A_284 : memref<64x128xf32, #tpu.memory_space<vmem>>) target(%dma_start3A_281 : memref<64x128xf32, #tpu.memory_space<vmem_shared>>) target_semaphore(%run_scoped3A : memref<!tpu.dma_semaphore, #tpu.memory_space<semaphore_mem>>)
          %dma_wait3A = arith.constant 0 : i32
          %dma_wait3A_285 = arith.constant 0 : i32
          %dma_wait3A_286 = tpu.memref_slice %arg17[%dma_wait3A, %dma_wait3A_285] : memref<64x128xf32, #tpu.memory_space<vmem>> -> memref<64x128xf32, #tpu.memory_space<vmem>>
          %dma_wait3A_287 = arith.constant 0 : i32
          %dma_wait3A_288 = tpu.memref_slice %arg33[%add3A_271, %dma_wait3A_287] : memref<10000x128xf32, #tpu.memory_space<vmem_shared>> -> memref<64x128xf32, #tpu.memory_space<vmem_shared>>
          %dma_wait3A_289 = arith.constant 0 : i32
          %dma_wait3A_290 = tpu.memref_slice %arg33[%add3A_271, %dma_wait3A_289] : memref<10000x128xf32, #tpu.memory_space<vmem_shared>> -> memref<64x128xf32, #tpu.memory_space<vmem_shared>>
          %dma_wait3A_291 = arith.constant 0 : i32
          %dma_wait3A_292 = arith.constant 0 : i32
          %dma_wait3A_293 = tpu.memref_slice %arg17[%dma_wait3A_291, %dma_wait3A_292] : memref<64x128xf32, #tpu.memory_space<vmem>> -> memref<64x128xf32, #tpu.memory_space<vmem>>
          tpu.wait_dma2 semaphore(%run_scoped3A : memref<!tpu.dma_semaphore, #tpu.memory_space<semaphore_mem>>) src(%dma_wait3A_293 : memref<64x128xf32, #tpu.memory_space<vmem>>) dst(%dma_wait3A_290 : memref<64x128xf32, #tpu.memory_space<vmem_shared>>)
          tpu.yield
        }) : () -> ()
        %mul3A_272 = arith.constant 624 : i32
        %mul3A_273 = arith.muli %arg1, %mul3A_272 : i32
        %add3A_274 = arith.constant 576 : i32
        %add3A_275 = arith.addi %mul3A_273, %add3A_274 : i32
        "tpu.region"() ({
          %run_scoped3A = tpu.sem_alloc : memref<!tpu.dma_semaphore, #tpu.memory_space<semaphore_mem>>
          %dma_start3A = arith.constant 0 : i32
          %dma_start3A_276 = arith.constant 0 : i32
          %dma_start3A_277 = tpu.memref_slice %arg17[%dma_start3A, %dma_start3A_276] : memref<64x128xf32, #tpu.memory_space<vmem>> -> memref<48x128xf32, #tpu.memory_space<vmem>>
          %dma_start3A_278 = arith.constant 0 : i32
          %dma_start3A_279 = tpu.memref_slice %arg33[%add3A_275, %dma_start3A_278] : memref<10000x128xf32, #tpu.memory_space<vmem_shared>> -> memref<48x128xf32, #tpu.memory_space<vmem_shared>>
          %dma_start3A_280 = arith.constant 0 : i32
          %dma_start3A_281 = tpu.memref_slice %arg33[%add3A_275, %dma_start3A_280] : memref<10000x128xf32, #tpu.memory_space<vmem_shared>> -> memref<48x128xf32, #tpu.memory_space<vmem_shared>>
          %dma_start3A_282 = arith.constant 0 : i32
          %dma_start3A_283 = arith.constant 0 : i32
          %dma_start3A_284 = tpu.memref_slice %arg17[%dma_start3A_282, %dma_start3A_283] : memref<64x128xf32, #tpu.memory_space<vmem>> -> memref<48x128xf32, #tpu.memory_space<vmem>>
          tpu.enqueue_dma source(%dma_start3A_284 : memref<48x128xf32, #tpu.memory_space<vmem>>) target(%dma_start3A_281 : memref<48x128xf32, #tpu.memory_space<vmem_shared>>) target_semaphore(%run_scoped3A : memref<!tpu.dma_semaphore, #tpu.memory_space<semaphore_mem>>)
          %dma_wait3A = arith.constant 0 : i32
          %dma_wait3A_285 = arith.constant 0 : i32
          %dma_wait3A_286 = tpu.memref_slice %arg17[%dma_wait3A, %dma_wait3A_285] : memref<64x128xf32, #tpu.memory_space<vmem>> -> memref<48x128xf32, #tpu.memory_space<vmem>>
          %dma_wait3A_287 = arith.constant 0 : i32
          %dma_wait3A_288 = tpu.memref_slice %arg33[%add3A_275, %dma_wait3A_287] : memref<10000x128xf32, #tpu.memory_space<vmem_shared>> -> memref<48x128xf32, #tpu.memory_space<vmem_shared>>
          %dma_wait3A_289 = arith.constant 0 : i32
          %dma_wait3A_290 = tpu.memref_slice %arg33[%add3A_275, %dma_wait3A_289] : memref<10000x128xf32, #tpu.memory_space<vmem_shared>> -> memref<48x128xf32, #tpu.memory_space<vmem_shared>>
          %dma_wait3A_291 = arith.constant 0 : i32
          %dma_wait3A_292 = arith.constant 0 : i32
          %dma_wait3A_293 = tpu.memref_slice %arg17[%dma_wait3A_291, %dma_wait3A_292] : memref<64x128xf32, #tpu.memory_space<vmem>> -> memref<48x128xf32, #tpu.memory_space<vmem>>
          tpu.wait_dma2 semaphore(%run_scoped3A : memref<!tpu.dma_semaphore, #tpu.memory_space<semaphore_mem>>) src(%dma_wait3A_293 : memref<48x128xf32, #tpu.memory_space<vmem>>) dst(%dma_wait3A_290 : memref<48x128xf32, #tpu.memory_space<vmem_shared>>)
          tpu.yield
        }) : () -> ()
      } else {
      }
      %eq3A_231 = arith.constant 15 : i32
      %eq3A_232 = arith.cmpi eq, %arg1, %eq3A_231 : i32
      %convert_element_type3A_233 = arith.extui %eq3A_232 : i1 to i32
      %cond3A_234 = arith.constant 0 : i32
      %cond3A_235 = arith.cmpi ne, %convert_element_type3A_233, %cond3A_234 : i32
      scf.if %cond3A_235 {
        "tpu.region"() ({
          %run_scoped3A = tpu.sem_alloc : memref<!tpu.dma_semaphore, #tpu.memory_space<semaphore_mem>>
          %dma_start3A = arith.constant 0 : i32
          %dma_start3A_236 = arith.constant 0 : i32
          %dma_start3A_237 = tpu.memref_slice %arg17[%dma_start3A, %dma_start3A_236] : memref<64x128xf32, #tpu.memory_space<vmem>> -> memref<64x128xf32, #tpu.memory_space<vmem>>
          %dma_start3A_238 = arith.constant 9360 : i32
          %dma_start3A_239 = arith.constant 0 : i32
          %dma_start3A_240 = tpu.memref_slice %arg33[%dma_start3A_238, %dma_start3A_239] : memref<10000x128xf32, #tpu.memory_space<vmem_shared>> -> memref<64x128xf32, #tpu.memory_space<vmem_shared>>
          %dma_start3A_241 = arith.constant 9360 : i32
          %dma_start3A_242 = arith.constant 0 : i32
          %dma_start3A_243 = tpu.memref_slice %arg33[%dma_start3A_241, %dma_start3A_242] : memref<10000x128xf32, #tpu.memory_space<vmem_shared>> -> memref<64x128xf32, #tpu.memory_space<vmem_shared>>
          %dma_start3A_244 = arith.constant 0 : i32
          %dma_start3A_245 = arith.constant 0 : i32
          %dma_start3A_246 = tpu.memref_slice %arg17[%dma_start3A_244, %dma_start3A_245] : memref<64x128xf32, #tpu.memory_space<vmem>> -> memref<64x128xf32, #tpu.memory_space<vmem>>
          tpu.enqueue_dma source(%dma_start3A_246 : memref<64x128xf32, #tpu.memory_space<vmem>>) target(%dma_start3A_243 : memref<64x128xf32, #tpu.memory_space<vmem_shared>>) target_semaphore(%run_scoped3A : memref<!tpu.dma_semaphore, #tpu.memory_space<semaphore_mem>>)
          %dma_wait3A = arith.constant 0 : i32
          %dma_wait3A_247 = arith.constant 0 : i32
          %dma_wait3A_248 = tpu.memref_slice %arg17[%dma_wait3A, %dma_wait3A_247] : memref<64x128xf32, #tpu.memory_space<vmem>> -> memref<64x128xf32, #tpu.memory_space<vmem>>
          %dma_wait3A_249 = arith.constant 9360 : i32
          %dma_wait3A_250 = arith.constant 0 : i32
          %dma_wait3A_251 = tpu.memref_slice %arg33[%dma_wait3A_249, %dma_wait3A_250] : memref<10000x128xf32, #tpu.memory_space<vmem_shared>> -> memref<64x128xf32, #tpu.memory_space<vmem_shared>>
          %dma_wait3A_252 = arith.constant 9360 : i32
          %dma_wait3A_253 = arith.constant 0 : i32
          %dma_wait3A_254 = tpu.memref_slice %arg33[%dma_wait3A_252, %dma_wait3A_253] : memref<10000x128xf32, #tpu.memory_space<vmem_shared>> -> memref<64x128xf32, #tpu.memory_space<vmem_shared>>
          %dma_wait3A_255 = arith.constant 0 : i32
          %dma_wait3A_256 = arith.constant 0 : i32
          %dma_wait3A_257 = tpu.memref_slice %arg17[%dma_wait3A_255, %dma_wait3A_256] : memref<64x128xf32, #tpu.memory_space<vmem>> -> memref<64x128xf32, #tpu.memory_space<vmem>>
          tpu.wait_dma2 semaphore(%run_scoped3A : memref<!tpu.dma_semaphore, #tpu.memory_space<semaphore_mem>>) src(%dma_wait3A_257 : memref<64x128xf32, #tpu.memory_space<vmem>>) dst(%dma_wait3A_254 : memref<64x128xf32, #tpu.memory_space<vmem_shared>>)
          tpu.yield
        }) : () -> ()
        "tpu.region"() ({
          %run_scoped3A = tpu.sem_alloc : memref<!tpu.dma_semaphore, #tpu.memory_space<semaphore_mem>>
          %dma_start3A = arith.constant 0 : i32
          %dma_start3A_236 = arith.constant 0 : i32
          %dma_start3A_237 = tpu.memref_slice %arg17[%dma_start3A, %dma_start3A_236] : memref<64x128xf32, #tpu.memory_space<vmem>> -> memref<64x128xf32, #tpu.memory_space<vmem>>
          %dma_start3A_238 = arith.constant 9424 : i32
          %dma_start3A_239 = arith.constant 0 : i32
          %dma_start3A_240 = tpu.memref_slice %arg33[%dma_start3A_238, %dma_start3A_239] : memref<10000x128xf32, #tpu.memory_space<vmem_shared>> -> memref<64x128xf32, #tpu.memory_space<vmem_shared>>
          %dma_start3A_241 = arith.constant 9424 : i32
          %dma_start3A_242 = arith.constant 0 : i32
          %dma_start3A_243 = tpu.memref_slice %arg33[%dma_start3A_241, %dma_start3A_242] : memref<10000x128xf32, #tpu.memory_space<vmem_shared>> -> memref<64x128xf32, #tpu.memory_space<vmem_shared>>
          %dma_start3A_244 = arith.constant 0 : i32
          %dma_start3A_245 = arith.constant 0 : i32
          %dma_start3A_246 = tpu.memref_slice %arg17[%dma_start3A_244, %dma_start3A_245] : memref<64x128xf32, #tpu.memory_space<vmem>> -> memref<64x128xf32, #tpu.memory_space<vmem>>
          tpu.enqueue_dma source(%dma_start3A_246 : memref<64x128xf32, #tpu.memory_space<vmem>>) target(%dma_start3A_243 : memref<64x128xf32, #tpu.memory_space<vmem_shared>>) target_semaphore(%run_scoped3A : memref<!tpu.dma_semaphore, #tpu.memory_space<semaphore_mem>>)
          %dma_wait3A = arith.constant 0 : i32
          %dma_wait3A_247 = arith.constant 0 : i32
          %dma_wait3A_248 = tpu.memref_slice %arg17[%dma_wait3A, %dma_wait3A_247] : memref<64x128xf32, #tpu.memory_space<vmem>> -> memref<64x128xf32, #tpu.memory_space<vmem>>
          %dma_wait3A_249 = arith.constant 9424 : i32
          %dma_wait3A_250 = arith.constant 0 : i32
          %dma_wait3A_251 = tpu.memref_slice %arg33[%dma_wait3A_249, %dma_wait3A_250] : memref<10000x128xf32, #tpu.memory_space<vmem_shared>> -> memref<64x128xf32, #tpu.memory_space<vmem_shared>>
          %dma_wait3A_252 = arith.constant 9424 : i32
          %dma_wait3A_253 = arith.constant 0 : i32
          %dma_wait3A_254 = tpu.memref_slice %arg33[%dma_wait3A_252, %dma_wait3A_253] : memref<10000x128xf32, #tpu.memory_space<vmem_shared>> -> memref<64x128xf32, #tpu.memory_space<vmem_shared>>
          %dma_wait3A_255 = arith.constant 0 : i32
          %dma_wait3A_256 = arith.constant 0 : i32
          %dma_wait3A_257 = tpu.memref_slice %arg17[%dma_wait3A_255, %dma_wait3A_256] : memref<64x128xf32, #tpu.memory_space<vmem>> -> memref<64x128xf32, #tpu.memory_space<vmem>>
          tpu.wait_dma2 semaphore(%run_scoped3A : memref<!tpu.dma_semaphore, #tpu.memory_space<semaphore_mem>>) src(%dma_wait3A_257 : memref<64x128xf32, #tpu.memory_space<vmem>>) dst(%dma_wait3A_254 : memref<64x128xf32, #tpu.memory_space<vmem_shared>>)
          tpu.yield
        }) : () -> ()
        "tpu.region"() ({
          %run_scoped3A = tpu.sem_alloc : memref<!tpu.dma_semaphore, #tpu.memory_space<semaphore_mem>>
          %dma_start3A = arith.constant 0 : i32
          %dma_start3A_236 = arith.constant 0 : i32
          %dma_start3A_237 = tpu.memref_slice %arg17[%dma_start3A, %dma_start3A_236] : memref<64x128xf32, #tpu.memory_space<vmem>> -> memref<64x128xf32, #tpu.memory_space<vmem>>
          %dma_start3A_238 = arith.constant 9488 : i32
          %dma_start3A_239 = arith.constant 0 : i32
          %dma_start3A_240 = tpu.memref_slice %arg33[%dma_start3A_238, %dma_start3A_239] : memref<10000x128xf32, #tpu.memory_space<vmem_shared>> -> memref<64x128xf32, #tpu.memory_space<vmem_shared>>
          %dma_start3A_241 = arith.constant 9488 : i32
          %dma_start3A_242 = arith.constant 0 : i32
          %dma_start3A_243 = tpu.memref_slice %arg33[%dma_start3A_241, %dma_start3A_242] : memref<10000x128xf32, #tpu.memory_space<vmem_shared>> -> memref<64x128xf32, #tpu.memory_space<vmem_shared>>
          %dma_start3A_244 = arith.constant 0 : i32
          %dma_start3A_245 = arith.constant 0 : i32
          %dma_start3A_246 = tpu.memref_slice %arg17[%dma_start3A_244, %dma_start3A_245] : memref<64x128xf32, #tpu.memory_space<vmem>> -> memref<64x128xf32, #tpu.memory_space<vmem>>
          tpu.enqueue_dma source(%dma_start3A_246 : memref<64x128xf32, #tpu.memory_space<vmem>>) target(%dma_start3A_243 : memref<64x128xf32, #tpu.memory_space<vmem_shared>>) target_semaphore(%run_scoped3A : memref<!tpu.dma_semaphore, #tpu.memory_space<semaphore_mem>>)
          %dma_wait3A = arith.constant 0 : i32
          %dma_wait3A_247 = arith.constant 0 : i32
          %dma_wait3A_248 = tpu.memref_slice %arg17[%dma_wait3A, %dma_wait3A_247] : memref<64x128xf32, #tpu.memory_space<vmem>> -> memref<64x128xf32, #tpu.memory_space<vmem>>
          %dma_wait3A_249 = arith.constant 9488 : i32
          %dma_wait3A_250 = arith.constant 0 : i32
          %dma_wait3A_251 = tpu.memref_slice %arg33[%dma_wait3A_249, %dma_wait3A_250] : memref<10000x128xf32, #tpu.memory_space<vmem_shared>> -> memref<64x128xf32, #tpu.memory_space<vmem_shared>>
          %dma_wait3A_252 = arith.constant 9488 : i32
          %dma_wait3A_253 = arith.constant 0 : i32
          %dma_wait3A_254 = tpu.memref_slice %arg33[%dma_wait3A_252, %dma_wait3A_253] : memref<10000x128xf32, #tpu.memory_space<vmem_shared>> -> memref<64x128xf32, #tpu.memory_space<vmem_shared>>
          %dma_wait3A_255 = arith.constant 0 : i32
          %dma_wait3A_256 = arith.constant 0 : i32
          %dma_wait3A_257 = tpu.memref_slice %arg17[%dma_wait3A_255, %dma_wait3A_256] : memref<64x128xf32, #tpu.memory_space<vmem>> -> memref<64x128xf32, #tpu.memory_space<vmem>>
          tpu.wait_dma2 semaphore(%run_scoped3A : memref<!tpu.dma_semaphore, #tpu.memory_space<semaphore_mem>>) src(%dma_wait3A_257 : memref<64x128xf32, #tpu.memory_space<vmem>>) dst(%dma_wait3A_254 : memref<64x128xf32, #tpu.memory_space<vmem_shared>>)
          tpu.yield
        }) : () -> ()
        "tpu.region"() ({
          %run_scoped3A = tpu.sem_alloc : memref<!tpu.dma_semaphore, #tpu.memory_space<semaphore_mem>>
          %dma_start3A = arith.constant 0 : i32
          %dma_start3A_236 = arith.constant 0 : i32
          %dma_start3A_237 = tpu.memref_slice %arg17[%dma_start3A, %dma_start3A_236] : memref<64x128xf32, #tpu.memory_space<vmem>> -> memref<64x128xf32, #tpu.memory_space<vmem>>
          %dma_start3A_238 = arith.constant 9552 : i32
          %dma_start3A_239 = arith.constant 0 : i32
          %dma_start3A_240 = tpu.memref_slice %arg33[%dma_start3A_238, %dma_start3A_239] : memref<10000x128xf32, #tpu.memory_space<vmem_shared>> -> memref<64x128xf32, #tpu.memory_space<vmem_shared>>
          %dma_start3A_241 = arith.constant 9552 : i32
          %dma_start3A_242 = arith.constant 0 : i32
          %dma_start3A_243 = tpu.memref_slice %arg33[%dma_start3A_241, %dma_start3A_242] : memref<10000x128xf32, #tpu.memory_space<vmem_shared>> -> memref<64x128xf32, #tpu.memory_space<vmem_shared>>
          %dma_start3A_244 = arith.constant 0 : i32
          %dma_start3A_245 = arith.constant 0 : i32
          %dma_start3A_246 = tpu.memref_slice %arg17[%dma_start3A_244, %dma_start3A_245] : memref<64x128xf32, #tpu.memory_space<vmem>> -> memref<64x128xf32, #tpu.memory_space<vmem>>
          tpu.enqueue_dma source(%dma_start3A_246 : memref<64x128xf32, #tpu.memory_space<vmem>>) target(%dma_start3A_243 : memref<64x128xf32, #tpu.memory_space<vmem_shared>>) target_semaphore(%run_scoped3A : memref<!tpu.dma_semaphore, #tpu.memory_space<semaphore_mem>>)
          %dma_wait3A = arith.constant 0 : i32
          %dma_wait3A_247 = arith.constant 0 : i32
          %dma_wait3A_248 = tpu.memref_slice %arg17[%dma_wait3A, %dma_wait3A_247] : memref<64x128xf32, #tpu.memory_space<vmem>> -> memref<64x128xf32, #tpu.memory_space<vmem>>
          %dma_wait3A_249 = arith.constant 9552 : i32
          %dma_wait3A_250 = arith.constant 0 : i32
          %dma_wait3A_251 = tpu.memref_slice %arg33[%dma_wait3A_249, %dma_wait3A_250] : memref<10000x128xf32, #tpu.memory_space<vmem_shared>> -> memref<64x128xf32, #tpu.memory_space<vmem_shared>>
          %dma_wait3A_252 = arith.constant 9552 : i32
          %dma_wait3A_253 = arith.constant 0 : i32
          %dma_wait3A_254 = tpu.memref_slice %arg33[%dma_wait3A_252, %dma_wait3A_253] : memref<10000x128xf32, #tpu.memory_space<vmem_shared>> -> memref<64x128xf32, #tpu.memory_space<vmem_shared>>
          %dma_wait3A_255 = arith.constant 0 : i32
          %dma_wait3A_256 = arith.constant 0 : i32
          %dma_wait3A_257 = tpu.memref_slice %arg17[%dma_wait3A_255, %dma_wait3A_256] : memref<64x128xf32, #tpu.memory_space<vmem>> -> memref<64x128xf32, #tpu.memory_space<vmem>>
          tpu.wait_dma2 semaphore(%run_scoped3A : memref<!tpu.dma_semaphore, #tpu.memory_space<semaphore_mem>>) src(%dma_wait3A_257 : memref<64x128xf32, #tpu.memory_space<vmem>>) dst(%dma_wait3A_254 : memref<64x128xf32, #tpu.memory_space<vmem_shared>>)
          tpu.yield
        }) : () -> ()
        "tpu.region"() ({
          %run_scoped3A = tpu.sem_alloc : memref<!tpu.dma_semaphore, #tpu.memory_space<semaphore_mem>>
          %dma_start3A = arith.constant 0 : i32
          %dma_start3A_236 = arith.constant 0 : i32
          %dma_start3A_237 = tpu.memref_slice %arg17[%dma_start3A, %dma_start3A_236] : memref<64x128xf32, #tpu.memory_space<vmem>> -> memref<64x128xf32, #tpu.memory_space<vmem>>
          %dma_start3A_238 = arith.constant 9616 : i32
          %dma_start3A_239 = arith.constant 0 : i32
          %dma_start3A_240 = tpu.memref_slice %arg33[%dma_start3A_238, %dma_start3A_239] : memref<10000x128xf32, #tpu.memory_space<vmem_shared>> -> memref<64x128xf32, #tpu.memory_space<vmem_shared>>
          %dma_start3A_241 = arith.constant 9616 : i32
          %dma_start3A_242 = arith.constant 0 : i32
          %dma_start3A_243 = tpu.memref_slice %arg33[%dma_start3A_241, %dma_start3A_242] : memref<10000x128xf32, #tpu.memory_space<vmem_shared>> -> memref<64x128xf32, #tpu.memory_space<vmem_shared>>
          %dma_start3A_244 = arith.constant 0 : i32
          %dma_start3A_245 = arith.constant 0 : i32
          %dma_start3A_246 = tpu.memref_slice %arg17[%dma_start3A_244, %dma_start3A_245] : memref<64x128xf32, #tpu.memory_space<vmem>> -> memref<64x128xf32, #tpu.memory_space<vmem>>
          tpu.enqueue_dma source(%dma_start3A_246 : memref<64x128xf32, #tpu.memory_space<vmem>>) target(%dma_start3A_243 : memref<64x128xf32, #tpu.memory_space<vmem_shared>>) target_semaphore(%run_scoped3A : memref<!tpu.dma_semaphore, #tpu.memory_space<semaphore_mem>>)
          %dma_wait3A = arith.constant 0 : i32
          %dma_wait3A_247 = arith.constant 0 : i32
          %dma_wait3A_248 = tpu.memref_slice %arg17[%dma_wait3A, %dma_wait3A_247] : memref<64x128xf32, #tpu.memory_space<vmem>> -> memref<64x128xf32, #tpu.memory_space<vmem>>
          %dma_wait3A_249 = arith.constant 9616 : i32
          %dma_wait3A_250 = arith.constant 0 : i32
          %dma_wait3A_251 = tpu.memref_slice %arg33[%dma_wait3A_249, %dma_wait3A_250] : memref<10000x128xf32, #tpu.memory_space<vmem_shared>> -> memref<64x128xf32, #tpu.memory_space<vmem_shared>>
          %dma_wait3A_252 = arith.constant 9616 : i32
          %dma_wait3A_253 = arith.constant 0 : i32
          %dma_wait3A_254 = tpu.memref_slice %arg33[%dma_wait3A_252, %dma_wait3A_253] : memref<10000x128xf32, #tpu.memory_space<vmem_shared>> -> memref<64x128xf32, #tpu.memory_space<vmem_shared>>
          %dma_wait3A_255 = arith.constant 0 : i32
          %dma_wait3A_256 = arith.constant 0 : i32
          %dma_wait3A_257 = tpu.memref_slice %arg17[%dma_wait3A_255, %dma_wait3A_256] : memref<64x128xf32, #tpu.memory_space<vmem>> -> memref<64x128xf32, #tpu.memory_space<vmem>>
          tpu.wait_dma2 semaphore(%run_scoped3A : memref<!tpu.dma_semaphore, #tpu.memory_space<semaphore_mem>>) src(%dma_wait3A_257 : memref<64x128xf32, #tpu.memory_space<vmem>>) dst(%dma_wait3A_254 : memref<64x128xf32, #tpu.memory_space<vmem_shared>>)
          tpu.yield
        }) : () -> ()
        "tpu.region"() ({
          %run_scoped3A = tpu.sem_alloc : memref<!tpu.dma_semaphore, #tpu.memory_space<semaphore_mem>>
          %dma_start3A = arith.constant 0 : i32
          %dma_start3A_236 = arith.constant 0 : i32
          %dma_start3A_237 = tpu.memref_slice %arg17[%dma_start3A, %dma_start3A_236] : memref<64x128xf32, #tpu.memory_space<vmem>> -> memref<64x128xf32, #tpu.memory_space<vmem>>
          %dma_start3A_238 = arith.constant 9680 : i32
          %dma_start3A_239 = arith.constant 0 : i32
          %dma_start3A_240 = tpu.memref_slice %arg33[%dma_start3A_238, %dma_start3A_239] : memref<10000x128xf32, #tpu.memory_space<vmem_shared>> -> memref<64x128xf32, #tpu.memory_space<vmem_shared>>
          %dma_start3A_241 = arith.constant 9680 : i32
          %dma_start3A_242 = arith.constant 0 : i32
          %dma_start3A_243 = tpu.memref_slice %arg33[%dma_start3A_241, %dma_start3A_242] : memref<10000x128xf32, #tpu.memory_space<vmem_shared>> -> memref<64x128xf32, #tpu.memory_space<vmem_shared>>
          %dma_start3A_244 = arith.constant 0 : i32
          %dma_start3A_245 = arith.constant 0 : i32
          %dma_start3A_246 = tpu.memref_slice %arg17[%dma_start3A_244, %dma_start3A_245] : memref<64x128xf32, #tpu.memory_space<vmem>> -> memref<64x128xf32, #tpu.memory_space<vmem>>
          tpu.enqueue_dma source(%dma_start3A_246 : memref<64x128xf32, #tpu.memory_space<vmem>>) target(%dma_start3A_243 : memref<64x128xf32, #tpu.memory_space<vmem_shared>>) target_semaphore(%run_scoped3A : memref<!tpu.dma_semaphore, #tpu.memory_space<semaphore_mem>>)
          %dma_wait3A = arith.constant 0 : i32
          %dma_wait3A_247 = arith.constant 0 : i32
          %dma_wait3A_248 = tpu.memref_slice %arg17[%dma_wait3A, %dma_wait3A_247] : memref<64x128xf32, #tpu.memory_space<vmem>> -> memref<64x128xf32, #tpu.memory_space<vmem>>
          %dma_wait3A_249 = arith.constant 9680 : i32
          %dma_wait3A_250 = arith.constant 0 : i32
          %dma_wait3A_251 = tpu.memref_slice %arg33[%dma_wait3A_249, %dma_wait3A_250] : memref<10000x128xf32, #tpu.memory_space<vmem_shared>> -> memref<64x128xf32, #tpu.memory_space<vmem_shared>>
          %dma_wait3A_252 = arith.constant 9680 : i32
          %dma_wait3A_253 = arith.constant 0 : i32
          %dma_wait3A_254 = tpu.memref_slice %arg33[%dma_wait3A_252, %dma_wait3A_253] : memref<10000x128xf32, #tpu.memory_space<vmem_shared>> -> memref<64x128xf32, #tpu.memory_space<vmem_shared>>
          %dma_wait3A_255 = arith.constant 0 : i32
          %dma_wait3A_256 = arith.constant 0 : i32
          %dma_wait3A_257 = tpu.memref_slice %arg17[%dma_wait3A_255, %dma_wait3A_256] : memref<64x128xf32, #tpu.memory_space<vmem>> -> memref<64x128xf32, #tpu.memory_space<vmem>>
          tpu.wait_dma2 semaphore(%run_scoped3A : memref<!tpu.dma_semaphore, #tpu.memory_space<semaphore_mem>>) src(%dma_wait3A_257 : memref<64x128xf32, #tpu.memory_space<vmem>>) dst(%dma_wait3A_254 : memref<64x128xf32, #tpu.memory_space<vmem_shared>>)
          tpu.yield
        }) : () -> ()
        "tpu.region"() ({
          %run_scoped3A = tpu.sem_alloc : memref<!tpu.dma_semaphore, #tpu.memory_space<semaphore_mem>>
          %dma_start3A = arith.constant 0 : i32
          %dma_start3A_236 = arith.constant 0 : i32
          %dma_start3A_237 = tpu.memref_slice %arg17[%dma_start3A, %dma_start3A_236] : memref<64x128xf32, #tpu.memory_space<vmem>> -> memref<64x128xf32, #tpu.memory_space<vmem>>
          %dma_start3A_238 = arith.constant 9744 : i32
          %dma_start3A_239 = arith.constant 0 : i32
          %dma_start3A_240 = tpu.memref_slice %arg33[%dma_start3A_238, %dma_start3A_239] : memref<10000x128xf32, #tpu.memory_space<vmem_shared>> -> memref<64x128xf32, #tpu.memory_space<vmem_shared>>
          %dma_start3A_241 = arith.constant 9744 : i32
          %dma_start3A_242 = arith.constant 0 : i32
          %dma_start3A_243 = tpu.memref_slice %arg33[%dma_start3A_241, %dma_start3A_242] : memref<10000x128xf32, #tpu.memory_space<vmem_shared>> -> memref<64x128xf32, #tpu.memory_space<vmem_shared>>
          %dma_start3A_244 = arith.constant 0 : i32
          %dma_start3A_245 = arith.constant 0 : i32
          %dma_start3A_246 = tpu.memref_slice %arg17[%dma_start3A_244, %dma_start3A_245] : memref<64x128xf32, #tpu.memory_space<vmem>> -> memref<64x128xf32, #tpu.memory_space<vmem>>
          tpu.enqueue_dma source(%dma_start3A_246 : memref<64x128xf32, #tpu.memory_space<vmem>>) target(%dma_start3A_243 : memref<64x128xf32, #tpu.memory_space<vmem_shared>>) target_semaphore(%run_scoped3A : memref<!tpu.dma_semaphore, #tpu.memory_space<semaphore_mem>>)
          %dma_wait3A = arith.constant 0 : i32
          %dma_wait3A_247 = arith.constant 0 : i32
          %dma_wait3A_248 = tpu.memref_slice %arg17[%dma_wait3A, %dma_wait3A_247] : memref<64x128xf32, #tpu.memory_space<vmem>> -> memref<64x128xf32, #tpu.memory_space<vmem>>
          %dma_wait3A_249 = arith.constant 9744 : i32
          %dma_wait3A_250 = arith.constant 0 : i32
          %dma_wait3A_251 = tpu.memref_slice %arg33[%dma_wait3A_249, %dma_wait3A_250] : memref<10000x128xf32, #tpu.memory_space<vmem_shared>> -> memref<64x128xf32, #tpu.memory_space<vmem_shared>>
          %dma_wait3A_252 = arith.constant 9744 : i32
          %dma_wait3A_253 = arith.constant 0 : i32
          %dma_wait3A_254 = tpu.memref_slice %arg33[%dma_wait3A_252, %dma_wait3A_253] : memref<10000x128xf32, #tpu.memory_space<vmem_shared>> -> memref<64x128xf32, #tpu.memory_space<vmem_shared>>
          %dma_wait3A_255 = arith.constant 0 : i32
          %dma_wait3A_256 = arith.constant 0 : i32
          %dma_wait3A_257 = tpu.memref_slice %arg17[%dma_wait3A_255, %dma_wait3A_256] : memref<64x128xf32, #tpu.memory_space<vmem>> -> memref<64x128xf32, #tpu.memory_space<vmem>>
          tpu.wait_dma2 semaphore(%run_scoped3A : memref<!tpu.dma_semaphore, #tpu.memory_space<semaphore_mem>>) src(%dma_wait3A_257 : memref<64x128xf32, #tpu.memory_space<vmem>>) dst(%dma_wait3A_254 : memref<64x128xf32, #tpu.memory_space<vmem_shared>>)
          tpu.yield
        }) : () -> ()
        "tpu.region"() ({
          %run_scoped3A = tpu.sem_alloc : memref<!tpu.dma_semaphore, #tpu.memory_space<semaphore_mem>>
          %dma_start3A = arith.constant 0 : i32
          %dma_start3A_236 = arith.constant 0 : i32
          %dma_start3A_237 = tpu.memref_slice %arg17[%dma_start3A, %dma_start3A_236] : memref<64x128xf32, #tpu.memory_space<vmem>> -> memref<64x128xf32, #tpu.memory_space<vmem>>
          %dma_start3A_238 = arith.constant 9808 : i32
          %dma_start3A_239 = arith.constant 0 : i32
          %dma_start3A_240 = tpu.memref_slice %arg33[%dma_start3A_238, %dma_start3A_239] : memref<10000x128xf32, #tpu.memory_space<vmem_shared>> -> memref<64x128xf32, #tpu.memory_space<vmem_shared>>
          %dma_start3A_241 = arith.constant 9808 : i32
          %dma_start3A_242 = arith.constant 0 : i32
          %dma_start3A_243 = tpu.memref_slice %arg33[%dma_start3A_241, %dma_start3A_242] : memref<10000x128xf32, #tpu.memory_space<vmem_shared>> -> memref<64x128xf32, #tpu.memory_space<vmem_shared>>
          %dma_start3A_244 = arith.constant 0 : i32
          %dma_start3A_245 = arith.constant 0 : i32
          %dma_start3A_246 = tpu.memref_slice %arg17[%dma_start3A_244, %dma_start3A_245] : memref<64x128xf32, #tpu.memory_space<vmem>> -> memref<64x128xf32, #tpu.memory_space<vmem>>
          tpu.enqueue_dma source(%dma_start3A_246 : memref<64x128xf32, #tpu.memory_space<vmem>>) target(%dma_start3A_243 : memref<64x128xf32, #tpu.memory_space<vmem_shared>>) target_semaphore(%run_scoped3A : memref<!tpu.dma_semaphore, #tpu.memory_space<semaphore_mem>>)
          %dma_wait3A = arith.constant 0 : i32
          %dma_wait3A_247 = arith.constant 0 : i32
          %dma_wait3A_248 = tpu.memref_slice %arg17[%dma_wait3A, %dma_wait3A_247] : memref<64x128xf32, #tpu.memory_space<vmem>> -> memref<64x128xf32, #tpu.memory_space<vmem>>
          %dma_wait3A_249 = arith.constant 9808 : i32
          %dma_wait3A_250 = arith.constant 0 : i32
          %dma_wait3A_251 = tpu.memref_slice %arg33[%dma_wait3A_249, %dma_wait3A_250] : memref<10000x128xf32, #tpu.memory_space<vmem_shared>> -> memref<64x128xf32, #tpu.memory_space<vmem_shared>>
          %dma_wait3A_252 = arith.constant 9808 : i32
          %dma_wait3A_253 = arith.constant 0 : i32
          %dma_wait3A_254 = tpu.memref_slice %arg33[%dma_wait3A_252, %dma_wait3A_253] : memref<10000x128xf32, #tpu.memory_space<vmem_shared>> -> memref<64x128xf32, #tpu.memory_space<vmem_shared>>
          %dma_wait3A_255 = arith.constant 0 : i32
          %dma_wait3A_256 = arith.constant 0 : i32
          %dma_wait3A_257 = tpu.memref_slice %arg17[%dma_wait3A_255, %dma_wait3A_256] : memref<64x128xf32, #tpu.memory_space<vmem>> -> memref<64x128xf32, #tpu.memory_space<vmem>>
          tpu.wait_dma2 semaphore(%run_scoped3A : memref<!tpu.dma_semaphore, #tpu.memory_space<semaphore_mem>>) src(%dma_wait3A_257 : memref<64x128xf32, #tpu.memory_space<vmem>>) dst(%dma_wait3A_254 : memref<64x128xf32, #tpu.memory_space<vmem_shared>>)
          tpu.yield
        }) : () -> ()
        "tpu.region"() ({
          %run_scoped3A = tpu.sem_alloc : memref<!tpu.dma_semaphore, #tpu.memory_space<semaphore_mem>>
          %dma_start3A = arith.constant 0 : i32
          %dma_start3A_236 = arith.constant 0 : i32
          %dma_start3A_237 = tpu.memref_slice %arg17[%dma_start3A, %dma_start3A_236] : memref<64x128xf32, #tpu.memory_space<vmem>> -> memref<64x128xf32, #tpu.memory_space<vmem>>
          %dma_start3A_238 = arith.constant 9872 : i32
          %dma_start3A_239 = arith.constant 0 : i32
          %dma_start3A_240 = tpu.memref_slice %arg33[%dma_start3A_238, %dma_start3A_239] : memref<10000x128xf32, #tpu.memory_space<vmem_shared>> -> memref<64x128xf32, #tpu.memory_space<vmem_shared>>
          %dma_start3A_241 = arith.constant 9872 : i32
          %dma_start3A_242 = arith.constant 0 : i32
          %dma_start3A_243 = tpu.memref_slice %arg33[%dma_start3A_241, %dma_start3A_242] : memref<10000x128xf32, #tpu.memory_space<vmem_shared>> -> memref<64x128xf32, #tpu.memory_space<vmem_shared>>
          %dma_start3A_244 = arith.constant 0 : i32
          %dma_start3A_245 = arith.constant 0 : i32
          %dma_start3A_246 = tpu.memref_slice %arg17[%dma_start3A_244, %dma_start3A_245] : memref<64x128xf32, #tpu.memory_space<vmem>> -> memref<64x128xf32, #tpu.memory_space<vmem>>
          tpu.enqueue_dma source(%dma_start3A_246 : memref<64x128xf32, #tpu.memory_space<vmem>>) target(%dma_start3A_243 : memref<64x128xf32, #tpu.memory_space<vmem_shared>>) target_semaphore(%run_scoped3A : memref<!tpu.dma_semaphore, #tpu.memory_space<semaphore_mem>>)
          %dma_wait3A = arith.constant 0 : i32
          %dma_wait3A_247 = arith.constant 0 : i32
          %dma_wait3A_248 = tpu.memref_slice %arg17[%dma_wait3A, %dma_wait3A_247] : memref<64x128xf32, #tpu.memory_space<vmem>> -> memref<64x128xf32, #tpu.memory_space<vmem>>
          %dma_wait3A_249 = arith.constant 9872 : i32
          %dma_wait3A_250 = arith.constant 0 : i32
          %dma_wait3A_251 = tpu.memref_slice %arg33[%dma_wait3A_249, %dma_wait3A_250] : memref<10000x128xf32, #tpu.memory_space<vmem_shared>> -> memref<64x128xf32, #tpu.memory_space<vmem_shared>>
          %dma_wait3A_252 = arith.constant 9872 : i32
          %dma_wait3A_253 = arith.constant 0 : i32
          %dma_wait3A_254 = tpu.memref_slice %arg33[%dma_wait3A_252, %dma_wait3A_253] : memref<10000x128xf32, #tpu.memory_space<vmem_shared>> -> memref<64x128xf32, #tpu.memory_space<vmem_shared>>
          %dma_wait3A_255 = arith.constant 0 : i32
          %dma_wait3A_256 = arith.constant 0 : i32
          %dma_wait3A_257 = tpu.memref_slice %arg17[%dma_wait3A_255, %dma_wait3A_256] : memref<64x128xf32, #tpu.memory_space<vmem>> -> memref<64x128xf32, #tpu.memory_space<vmem>>
          tpu.wait_dma2 semaphore(%run_scoped3A : memref<!tpu.dma_semaphore, #tpu.memory_space<semaphore_mem>>) src(%dma_wait3A_257 : memref<64x128xf32, #tpu.memory_space<vmem>>) dst(%dma_wait3A_254 : memref<64x128xf32, #tpu.memory_space<vmem_shared>>)
          tpu.yield
        }) : () -> ()
        "tpu.region"() ({
          %run_scoped3A = tpu.sem_alloc : memref<!tpu.dma_semaphore, #tpu.memory_space<semaphore_mem>>
          %dma_start3A = arith.constant 0 : i32
          %dma_start3A_236 = arith.constant 0 : i32
          %dma_start3A_237 = tpu.memref_slice %arg17[%dma_start3A, %dma_start3A_236] : memref<64x128xf32, #tpu.memory_space<vmem>> -> memref<64x128xf32, #tpu.memory_space<vmem>>
          %dma_start3A_238 = arith.constant 9936 : i32
          %dma_start3A_239 = arith.constant 0 : i32
          %dma_start3A_240 = tpu.memref_slice %arg33[%dma_start3A_238, %dma_start3A_239] : memref<10000x128xf32, #tpu.memory_space<vmem_shared>> -> memref<64x128xf32, #tpu.memory_space<vmem_shared>>
          %dma_start3A_241 = arith.constant 9936 : i32
          %dma_start3A_242 = arith.constant 0 : i32
          %dma_start3A_243 = tpu.memref_slice %arg33[%dma_start3A_241, %dma_start3A_242] : memref<10000x128xf32, #tpu.memory_space<vmem_shared>> -> memref<64x128xf32, #tpu.memory_space<vmem_shared>>
          %dma_start3A_244 = arith.constant 0 : i32
          %dma_start3A_245 = arith.constant 0 : i32
          %dma_start3A_246 = tpu.memref_slice %arg17[%dma_start3A_244, %dma_start3A_245] : memref<64x128xf32, #tpu.memory_space<vmem>> -> memref<64x128xf32, #tpu.memory_space<vmem>>
          tpu.enqueue_dma source(%dma_start3A_246 : memref<64x128xf32, #tpu.memory_space<vmem>>) target(%dma_start3A_243 : memref<64x128xf32, #tpu.memory_space<vmem_shared>>) target_semaphore(%run_scoped3A : memref<!tpu.dma_semaphore, #tpu.memory_space<semaphore_mem>>)
          %dma_wait3A = arith.constant 0 : i32
          %dma_wait3A_247 = arith.constant 0 : i32
          %dma_wait3A_248 = tpu.memref_slice %arg17[%dma_wait3A, %dma_wait3A_247] : memref<64x128xf32, #tpu.memory_space<vmem>> -> memref<64x128xf32, #tpu.memory_space<vmem>>
          %dma_wait3A_249 = arith.constant 9936 : i32
          %dma_wait3A_250 = arith.constant 0 : i32
          %dma_wait3A_251 = tpu.memref_slice %arg33[%dma_wait3A_249, %dma_wait3A_250] : memref<10000x128xf32, #tpu.memory_space<vmem_shared>> -> memref<64x128xf32, #tpu.memory_space<vmem_shared>>
          %dma_wait3A_252 = arith.constant 9936 : i32
          %dma_wait3A_253 = arith.constant 0 : i32
          %dma_wait3A_254 = tpu.memref_slice %arg33[%dma_wait3A_252, %dma_wait3A_253] : memref<10000x128xf32, #tpu.memory_space<vmem_shared>> -> memref<64x128xf32, #tpu.memory_space<vmem_shared>>
          %dma_wait3A_255 = arith.constant 0 : i32
          %dma_wait3A_256 = arith.constant 0 : i32
          %dma_wait3A_257 = tpu.memref_slice %arg17[%dma_wait3A_255, %dma_wait3A_256] : memref<64x128xf32, #tpu.memory_space<vmem>> -> memref<64x128xf32, #tpu.memory_space<vmem>>
          tpu.wait_dma2 semaphore(%run_scoped3A : memref<!tpu.dma_semaphore, #tpu.memory_space<semaphore_mem>>) src(%dma_wait3A_257 : memref<64x128xf32, #tpu.memory_space<vmem>>) dst(%dma_wait3A_254 : memref<64x128xf32, #tpu.memory_space<vmem_shared>>)
          tpu.yield
        }) : () -> ()
      } else {
      }
    } else {
    }
    %barrier3A = arith.constant 0 : index
    tpu.barrier barrier_id(%barrier3A)
    %sub3A = arith.constant 5000 : i32
    %sub3A_9 = arith.subi %sub3A, %add3A : i32
    %add3A_10 = arith.constant 32 : i32
    %add3A_11 = arith.addi %sub3A_9, %add3A_10 : i32
    %sub3A_12 = arith.constant 1 : i32
    %sub3A_13 = arith.subi %add3A_11, %sub3A_12 : i32
    %jit3A = arith.constant 32 : i32
    %div3A = arith.divsi %sub3A_13, %jit3A : i32
    %sign3A = arith.constant 0 : i32
    %sign3A_14 = arith.cmpi sgt, %sub3A_13, %sign3A : i32
    %sign3A_15 = arith.extui %sign3A_14 : i1 to i32
    %sign3A_16 = arith.constant 0 : i32
    %sign3A_17 = arith.cmpi slt, %sub3A_13, %sign3A_16 : i32
    %sign3A_18 = arith.extui %sign3A_17 : i1 to i32
    %sign3A_19 = arith.subi %sign3A_15, %sign3A_18 : i32
    %sign3A_20 = arith.constant 0 : i32
    %sign3A_21 = arith.cmpi sgt, %jit3A, %sign3A_20 : i32
    %sign3A_22 = arith.extui %sign3A_21 : i1 to i32
    %sign3A_23 = arith.constant 0 : i32
    %sign3A_24 = arith.cmpi slt, %jit3A, %sign3A_23 : i32
    %sign3A_25 = arith.extui %sign3A_24 : i1 to i32
    %sign3A_26 = arith.subi %sign3A_22, %sign3A_25 : i32
    %ne3A_27 = arith.cmpi ne, %sign3A_19, %sign3A_26 : i32
    %rem3A = arith.remsi %sub3A_13, %jit3A : i32
    %ne3A_28 = arith.constant 0 : i32
    %ne3A_29 = arith.cmpi ne, %rem3A, %ne3A_28 : i32
    %and3A = arith.andi %ne3A_27, %ne3A_29 : i1
    %sub3A_30 = arith.constant 1 : i32
    %sub3A_31 = arith.subi %div3A, %sub3A_30 : i32
    %select_n3A = arith.select %and3A, %sub3A_31, %div3A : i32
    %gt3A = arith.constant 0 : i32
    %gt3A_32 = arith.cmpi sgt, %select_n3A, %gt3A : i32
    %convert_element_type3A_33 = arith.extui %gt3A_32 : i1 to i32
    %cond3A_34 = arith.constant 0 : i32
    %cond3A_35 = arith.cmpi ne, %convert_element_type3A_33, %cond3A_34 : i32
    scf.if %cond3A_35 {
      %add3A_222 = arith.constant 0 : i32
      %add3A_223 = arith.addi %add3A, %add3A_222 : i32
      %mul3A_224 = arith.constant 64 : i32
      %mul3A_225 = arith.muli %add3A_223, %mul3A_224 : i32
      %multiple_of3A_226 = tpu.assume_multiple %mul3A_225, 8 : i32
      "tpu.region"() ({
        %run_scoped3A = tpu.sem_alloc : memref<!tpu.dma_semaphore, #tpu.memory_space<semaphore_mem>>
        %dma_start3A_234 = tpu.memref_slice %arg3[%multiple_of3A_226] : memref<320000xi32, #tpu.memory_space<hbm>> -> memref<64xi32, #tpu.memory_space<hbm>>
        %dma_start3A_235 = tpu.memref_slice %arg3[%multiple_of3A_226] : memref<320000xi32, #tpu.memory_space<hbm>> -> memref<64xi32, #tpu.memory_space<hbm>>
        tpu.enqueue_dma source(%dma_start3A_235 : memref<64xi32, #tpu.memory_space<hbm>>) target(%arg7 : memref<64xi32, #tpu.memory_space<vmem>>) target_semaphore(%run_scoped3A : memref<!tpu.dma_semaphore, #tpu.memory_space<semaphore_mem>>)
        %dma_wait3A = tpu.memref_slice %arg3[%multiple_of3A_226] : memref<320000xi32, #tpu.memory_space<hbm>> -> memref<64xi32, #tpu.memory_space<hbm>>
        %dma_wait3A_236 = tpu.memref_slice %arg3[%multiple_of3A_226] : memref<320000xi32, #tpu.memory_space<hbm>> -> memref<64xi32, #tpu.memory_space<hbm>>
        tpu.wait_dma2 semaphore(%run_scoped3A : memref<!tpu.dma_semaphore, #tpu.memory_space<semaphore_mem>>) src(%dma_wait3A_236 : memref<64xi32, #tpu.memory_space<hbm>>) dst(%arg7 : memref<64xi32, #tpu.memory_space<vmem>>)
        tpu.yield
      }) : () -> ()
      "tpu.region"() ({
        %run_scoped3A = tpu.sem_alloc : memref<!tpu.dma_semaphore, #tpu.memory_space<semaphore_mem>>
        %dma_start3A_234 = tpu.memref_slice %arg4[%multiple_of3A_226] : memref<320000xi32, #tpu.memory_space<hbm>> -> memref<64xi32, #tpu.memory_space<hbm>>
        %dma_start3A_235 = tpu.memref_slice %arg4[%multiple_of3A_226] : memref<320000xi32, #tpu.memory_space<hbm>> -> memref<64xi32, #tpu.memory_space<hbm>>
        tpu.enqueue_dma source(%dma_start3A_235 : memref<64xi32, #tpu.memory_space<hbm>>) target(%arg12 : memref<64xi32, #tpu.memory_space<vmem>>) target_semaphore(%run_scoped3A : memref<!tpu.dma_semaphore, #tpu.memory_space<semaphore_mem>>)
        %dma_wait3A = tpu.memref_slice %arg4[%multiple_of3A_226] : memref<320000xi32, #tpu.memory_space<hbm>> -> memref<64xi32, #tpu.memory_space<hbm>>
        %dma_wait3A_236 = tpu.memref_slice %arg4[%multiple_of3A_226] : memref<320000xi32, #tpu.memory_space<hbm>> -> memref<64xi32, #tpu.memory_space<hbm>>
        tpu.wait_dma2 semaphore(%run_scoped3A : memref<!tpu.dma_semaphore, #tpu.memory_space<semaphore_mem>>) src(%dma_wait3A_236 : memref<64xi32, #tpu.memory_space<hbm>>) dst(%arg12 : memref<64xi32, #tpu.memory_space<vmem>>)
        tpu.yield
      }) : () -> ()
      %dma_start3A = arith.constant 0 : i32
      %dma_start3A_227 = arith.constant 0 : i32
      %dma_start3A_228 = tpu.memref_slice %arg5[%dma_start3A, %dma_start3A_227] : memref<10000x128xf32, #tpu.memory_space<hbm>> -> memref<10000x128xf32, #tpu.memory_space<hbm>>
      tpu.enqueue_indirect_dma source(%dma_start3A_228 : memref<10000x128xf32, #tpu.memory_space<hbm>>) target(%arg17 : memref<64x128xf32, #tpu.memory_space<vmem>>) offsets(%arg7 : memref<64xi32, #tpu.memory_space<vmem>>) semaphore(%arg22 : memref<!tpu.dma_semaphore, #tpu.memory_space<semaphore_mem>>)
      %gt3A_229 = arith.constant 1 : i32
      %gt3A_230 = arith.cmpi sgt, %select_n3A, %gt3A_229 : i32
      %convert_element_type3A_231 = arith.extui %gt3A_230 : i1 to i32
      %cond3A_232 = arith.constant 0 : i32
      %cond3A_233 = arith.cmpi ne, %convert_element_type3A_231, %cond3A_232 : i32
      scf.if %cond3A_233 {
        %add3A_234 = arith.constant 32 : i32
        %add3A_235 = arith.addi %add3A, %add3A_234 : i32
        %mul3A_236 = arith.constant 64 : i32
        %mul3A_237 = arith.muli %add3A_235, %mul3A_236 : i32
        %multiple_of3A_238 = tpu.assume_multiple %mul3A_237, 8 : i32
        "tpu.region"() ({
          %run_scoped3A = tpu.sem_alloc : memref<!tpu.dma_semaphore, #tpu.memory_space<semaphore_mem>>
          %dma_start3A_247 = tpu.memref_slice %arg3[%multiple_of3A_238] : memref<320000xi32, #tpu.memory_space<hbm>> -> memref<64xi32, #tpu.memory_space<hbm>>
          %dma_start3A_248 = tpu.memref_slice %arg3[%multiple_of3A_238] : memref<320000xi32, #tpu.memory_space<hbm>> -> memref<64xi32, #tpu.memory_space<hbm>>
          tpu.enqueue_dma source(%dma_start3A_248 : memref<64xi32, #tpu.memory_space<hbm>>) target(%arg8 : memref<64xi32, #tpu.memory_space<vmem>>) target_semaphore(%run_scoped3A : memref<!tpu.dma_semaphore, #tpu.memory_space<semaphore_mem>>)
          %dma_wait3A = tpu.memref_slice %arg3[%multiple_of3A_238] : memref<320000xi32, #tpu.memory_space<hbm>> -> memref<64xi32, #tpu.memory_space<hbm>>
          %dma_wait3A_249 = tpu.memref_slice %arg3[%multiple_of3A_238] : memref<320000xi32, #tpu.memory_space<hbm>> -> memref<64xi32, #tpu.memory_space<hbm>>
          tpu.wait_dma2 semaphore(%run_scoped3A : memref<!tpu.dma_semaphore, #tpu.memory_space<semaphore_mem>>) src(%dma_wait3A_249 : memref<64xi32, #tpu.memory_space<hbm>>) dst(%arg8 : memref<64xi32, #tpu.memory_space<vmem>>)
          tpu.yield
        }) : () -> ()
        "tpu.region"() ({
          %run_scoped3A = tpu.sem_alloc : memref<!tpu.dma_semaphore, #tpu.memory_space<semaphore_mem>>
          %dma_start3A_247 = tpu.memref_slice %arg4[%multiple_of3A_238] : memref<320000xi32, #tpu.memory_space<hbm>> -> memref<64xi32, #tpu.memory_space<hbm>>
          %dma_start3A_248 = tpu.memref_slice %arg4[%multiple_of3A_238] : memref<320000xi32, #tpu.memory_space<hbm>> -> memref<64xi32, #tpu.memory_space<hbm>>
          tpu.enqueue_dma source(%dma_start3A_248 : memref<64xi32, #tpu.memory_space<hbm>>) target(%arg13 : memref<64xi32, #tpu.memory_space<vmem>>) target_semaphore(%run_scoped3A : memref<!tpu.dma_semaphore, #tpu.memory_space<semaphore_mem>>)
          %dma_wait3A = tpu.memref_slice %arg4[%multiple_of3A_238] : memref<320000xi32, #tpu.memory_space<hbm>> -> memref<64xi32, #tpu.memory_space<hbm>>
          %dma_wait3A_249 = tpu.memref_slice %arg4[%multiple_of3A_238] : memref<320000xi32, #tpu.memory_space<hbm>> -> memref<64xi32, #tpu.memory_space<hbm>>
          tpu.wait_dma2 semaphore(%run_scoped3A : memref<!tpu.dma_semaphore, #tpu.memory_space<semaphore_mem>>) src(%dma_wait3A_249 : memref<64xi32, #tpu.memory_space<hbm>>) dst(%arg13 : memref<64xi32, #tpu.memory_space<vmem>>)
          tpu.yield
        }) : () -> ()
        %dma_start3A_239 = arith.constant 0 : i32
        %dma_start3A_240 = arith.constant 0 : i32
        %dma_start3A_241 = tpu.memref_slice %arg5[%dma_start3A_239, %dma_start3A_240] : memref<10000x128xf32, #tpu.memory_space<hbm>> -> memref<10000x128xf32, #tpu.memory_space<hbm>>
        tpu.enqueue_indirect_dma source(%dma_start3A_241 : memref<10000x128xf32, #tpu.memory_space<hbm>>) target(%arg18 : memref<64x128xf32, #tpu.memory_space<vmem>>) offsets(%arg8 : memref<64xi32, #tpu.memory_space<vmem>>) semaphore(%arg23 : memref<!tpu.dma_semaphore, #tpu.memory_space<semaphore_mem>>)
        %gt3A_242 = arith.constant 2 : i32
        %gt3A_243 = arith.cmpi sgt, %select_n3A, %gt3A_242 : i32
        %convert_element_type3A_244 = arith.extui %gt3A_243 : i1 to i32
        %cond3A_245 = arith.constant 0 : i32
        %cond3A_246 = arith.cmpi ne, %convert_element_type3A_244, %cond3A_245 : i32
        scf.if %cond3A_246 {
          %add3A_247 = arith.constant 64 : i32
          %add3A_248 = arith.addi %add3A, %add3A_247 : i32
          %mul3A_249 = arith.constant 64 : i32
          %mul3A_250 = arith.muli %add3A_248, %mul3A_249 : i32
          %multiple_of3A_251 = tpu.assume_multiple %mul3A_250, 8 : i32
          "tpu.region"() ({
            %run_scoped3A = tpu.sem_alloc : memref<!tpu.dma_semaphore, #tpu.memory_space<semaphore_mem>>
            %dma_start3A_260 = tpu.memref_slice %arg3[%multiple_of3A_251] : memref<320000xi32, #tpu.memory_space<hbm>> -> memref<64xi32, #tpu.memory_space<hbm>>
            %dma_start3A_261 = tpu.memref_slice %arg3[%multiple_of3A_251] : memref<320000xi32, #tpu.memory_space<hbm>> -> memref<64xi32, #tpu.memory_space<hbm>>
            tpu.enqueue_dma source(%dma_start3A_261 : memref<64xi32, #tpu.memory_space<hbm>>) target(%arg9 : memref<64xi32, #tpu.memory_space<vmem>>) target_semaphore(%run_scoped3A : memref<!tpu.dma_semaphore, #tpu.memory_space<semaphore_mem>>)
            %dma_wait3A = tpu.memref_slice %arg3[%multiple_of3A_251] : memref<320000xi32, #tpu.memory_space<hbm>> -> memref<64xi32, #tpu.memory_space<hbm>>
            %dma_wait3A_262 = tpu.memref_slice %arg3[%multiple_of3A_251] : memref<320000xi32, #tpu.memory_space<hbm>> -> memref<64xi32, #tpu.memory_space<hbm>>
            tpu.wait_dma2 semaphore(%run_scoped3A : memref<!tpu.dma_semaphore, #tpu.memory_space<semaphore_mem>>) src(%dma_wait3A_262 : memref<64xi32, #tpu.memory_space<hbm>>) dst(%arg9 : memref<64xi32, #tpu.memory_space<vmem>>)
            tpu.yield
          }) : () -> ()
          "tpu.region"() ({
            %run_scoped3A = tpu.sem_alloc : memref<!tpu.dma_semaphore, #tpu.memory_space<semaphore_mem>>
            %dma_start3A_260 = tpu.memref_slice %arg4[%multiple_of3A_251] : memref<320000xi32, #tpu.memory_space<hbm>> -> memref<64xi32, #tpu.memory_space<hbm>>
            %dma_start3A_261 = tpu.memref_slice %arg4[%multiple_of3A_251] : memref<320000xi32, #tpu.memory_space<hbm>> -> memref<64xi32, #tpu.memory_space<hbm>>
            tpu.enqueue_dma source(%dma_start3A_261 : memref<64xi32, #tpu.memory_space<hbm>>) target(%arg14 : memref<64xi32, #tpu.memory_space<vmem>>) target_semaphore(%run_scoped3A : memref<!tpu.dma_semaphore, #tpu.memory_space<semaphore_mem>>)
            %dma_wait3A = tpu.memref_slice %arg4[%multiple_of3A_251] : memref<320000xi32, #tpu.memory_space<hbm>> -> memref<64xi32, #tpu.memory_space<hbm>>
            %dma_wait3A_262 = tpu.memref_slice %arg4[%multiple_of3A_251] : memref<320000xi32, #tpu.memory_space<hbm>> -> memref<64xi32, #tpu.memory_space<hbm>>
            tpu.wait_dma2 semaphore(%run_scoped3A : memref<!tpu.dma_semaphore, #tpu.memory_space<semaphore_mem>>) src(%dma_wait3A_262 : memref<64xi32, #tpu.memory_space<hbm>>) dst(%arg14 : memref<64xi32, #tpu.memory_space<vmem>>)
            tpu.yield
          }) : () -> ()
          %dma_start3A_252 = arith.constant 0 : i32
          %dma_start3A_253 = arith.constant 0 : i32
          %dma_start3A_254 = tpu.memref_slice %arg5[%dma_start3A_252, %dma_start3A_253] : memref<10000x128xf32, #tpu.memory_space<hbm>> -> memref<10000x128xf32, #tpu.memory_space<hbm>>
          tpu.enqueue_indirect_dma source(%dma_start3A_254 : memref<10000x128xf32, #tpu.memory_space<hbm>>) target(%arg19 : memref<64x128xf32, #tpu.memory_space<vmem>>) offsets(%arg9 : memref<64xi32, #tpu.memory_space<vmem>>) semaphore(%arg24 : memref<!tpu.dma_semaphore, #tpu.memory_space<semaphore_mem>>)
          %gt3A_255 = arith.constant 3 : i32
          %gt3A_256 = arith.cmpi sgt, %select_n3A, %gt3A_255 : i32
          %convert_element_type3A_257 = arith.extui %gt3A_256 : i1 to i32
          %cond3A_258 = arith.constant 0 : i32
          %cond3A_259 = arith.cmpi ne, %convert_element_type3A_257, %cond3A_258 : i32
          scf.if %cond3A_259 {
            %add3A_260 = arith.constant 96 : i32
            %add3A_261 = arith.addi %add3A, %add3A_260 : i32
            %mul3A_262 = arith.constant 64 : i32
            %mul3A_263 = arith.muli %add3A_261, %mul3A_262 : i32
            %multiple_of3A_264 = tpu.assume_multiple %mul3A_263, 8 : i32
            %dma_start3A_265 = tpu.memref_slice %arg3[%multiple_of3A_264] : memref<320000xi32, #tpu.memory_space<hbm>> -> memref<64xi32, #tpu.memory_space<hbm>>
            %dma_start3A_266 = tpu.memref_slice %arg3[%multiple_of3A_264] : memref<320000xi32, #tpu.memory_space<hbm>> -> memref<64xi32, #tpu.memory_space<hbm>>
            tpu.enqueue_dma source(%dma_start3A_266 : memref<64xi32, #tpu.memory_space<hbm>>) target(%arg10 : memref<64xi32, #tpu.memory_space<vmem>>) target_semaphore(%arg32 : memref<!tpu.dma_semaphore, #tpu.memory_space<semaphore_mem>>)
            %dma_start3A_267 = tpu.memref_slice %arg4[%multiple_of3A_264] : memref<320000xi32, #tpu.memory_space<hbm>> -> memref<64xi32, #tpu.memory_space<hbm>>
            %dma_start3A_268 = tpu.memref_slice %arg4[%multiple_of3A_264] : memref<320000xi32, #tpu.memory_space<hbm>> -> memref<64xi32, #tpu.memory_space<hbm>>
            tpu.enqueue_dma source(%dma_start3A_268 : memref<64xi32, #tpu.memory_space<hbm>>) target(%arg15 : memref<64xi32, #tpu.memory_space<vmem>>) target_semaphore(%arg32 : memref<!tpu.dma_semaphore, #tpu.memory_space<semaphore_mem>>)
          } else {
          }
        } else {
        }
      } else {
      }
    } else {
    }
    %add3A_36 = arith.constant 5 : i32
    %add3A_37 = arith.addi %select_n3A, %add3A_36 : i32
    %sub3A_38 = arith.constant 1 : i32
    %sub3A_39 = arith.subi %add3A_37, %sub3A_38 : i32
    %jit3A_40 = arith.constant 5 : i32
    %div3A_41 = arith.divsi %sub3A_39, %jit3A_40 : i32
    %sign3A_42 = arith.constant 0 : i32
    %sign3A_43 = arith.cmpi sgt, %sub3A_39, %sign3A_42 : i32
    %sign3A_44 = arith.extui %sign3A_43 : i1 to i32
    %sign3A_45 = arith.constant 0 : i32
    %sign3A_46 = arith.cmpi slt, %sub3A_39, %sign3A_45 : i32
    %sign3A_47 = arith.extui %sign3A_46 : i1 to i32
    %sign3A_48 = arith.subi %sign3A_44, %sign3A_47 : i32
    %sign3A_49 = arith.constant 0 : i32
    %sign3A_50 = arith.cmpi sgt, %jit3A_40, %sign3A_49 : i32
    %sign3A_51 = arith.extui %sign3A_50 : i1 to i32
    %sign3A_52 = arith.constant 0 : i32
    %sign3A_53 = arith.cmpi slt, %jit3A_40, %sign3A_52 : i32
    %sign3A_54 = arith.extui %sign3A_53 : i1 to i32
    %sign3A_55 = arith.subi %sign3A_51, %sign3A_54 : i32
    %ne3A_56 = arith.cmpi ne, %sign3A_48, %sign3A_55 : i32
    %rem3A_57 = arith.remsi %sub3A_39, %jit3A_40 : i32
    %ne3A_58 = arith.constant 0 : i32
    %ne3A_59 = arith.cmpi ne, %rem3A_57, %ne3A_58 : i32
    %and3A_60 = arith.andi %ne3A_56, %ne3A_59 : i1
    %sub3A_61 = arith.constant 1 : i32
    %sub3A_62 = arith.subi %div3A_41, %sub3A_61 : i32
    %select_n3A_63 = arith.select %and3A_60, %sub3A_62, %div3A_41 : i32
    %sub3A_64 = arith.constant 0 : i32
    %sub3A_65 = arith.subi %select_n3A_63, %sub3A_64 : i32
    %sub3A_66 = arith.constant 1 : i32
    %sub3A_67 = arith.constant 1 : i32
    %sub3A_68 = arith.subi %sub3A_66, %sub3A_67 : i32
    %add3A_69 = arith.addi %sub3A_65, %sub3A_68 : i32
    %div3A_70 = arith.constant 1 : i32
    %div3A_71 = arith.divsi %add3A_69, %div3A_70 : i32
    %while3A = arith.constant 1 : i32
    %while3A_72 = arith.constant 0 : i32
    %while3A_73 = arith.constant 0 : i32
    %while3A_74 = arith.subi %div3A_71, %while3A_73 : i32
    %while3A_75 = arith.addi %while3A_73, %while3A_74 : i32
    %while3A_76 = arith.constant 1 : i32
    %while3A_77 = arith.divsi %while3A_74, %while3A_76 : i32
    %while3A_78 = arith.muli %while3A_77, %while3A_76 : i32
    %while3A_79 = arith.addi %while3A_73, %while3A_78 : i32
    %while3A_80 = arith.constant 1 : i32
    scf.for %while3A_222 = %while3A_73 to %while3A_79 step %while3A_80  : i32 {
      %mul3A_223 = arith.muli %while3A_222, %while3A : i32
      %add3A_224 = arith.addi %while3A_72, %mul3A_223 : i32
      %mul3A_225 = arith.constant 5 : i32
      %mul3A_226 = arith.muli %mul3A_225, %add3A_224 : i32
      %add3A_227 = arith.constant 0 : i32
      %add3A_228 = arith.addi %mul3A_226, %add3A_227 : i32
      %lt3A_229 = arith.cmpi slt, %add3A_228, %select_n3A : i32
      %convert_element_type3A_230 = arith.extui %lt3A_229 : i1 to i32
      %cond3A_231 = arith.constant 0 : i32
      %cond3A_232 = arith.cmpi ne, %convert_element_type3A_230, %cond3A_231 : i32
      scf.if %cond3A_232 {
        %add3A_265 = arith.constant 3 : i32
        %add3A_266 = arith.addi %add3A_228, %add3A_265 : i32
        %lt3A_267 = arith.cmpi slt, %add3A_266, %select_n3A : i32
        %convert_element_type3A_268 = arith.extui %lt3A_267 : i1 to i32
        %cond3A_269 = arith.constant 0 : i32
        %cond3A_270 = arith.cmpi ne, %convert_element_type3A_268, %cond3A_269 : i32
        scf.if %cond3A_270 {
          %add3A_287 = arith.constant 3 : i32
          %add3A_288 = arith.addi %add3A_228, %add3A_287 : i32
          %mul3A_289 = arith.constant 32 : i32
          %mul3A_290 = arith.muli %add3A_288, %mul3A_289 : i32
          %add3A_291 = arith.addi %add3A, %mul3A_290 : i32
          %mul3A_292 = arith.constant 64 : i32
          %mul3A_293 = arith.muli %add3A_291, %mul3A_292 : i32
          %multiple_of3A_294 = tpu.assume_multiple %mul3A_293, 8 : i32
          %dma_wait3A_295 = tpu.memref_slice %arg3[%multiple_of3A_294] : memref<320000xi32, #tpu.memory_space<hbm>> -> memref<64xi32, #tpu.memory_space<hbm>>
          %dma_wait3A_296 = tpu.memref_slice %arg3[%multiple_of3A_294] : memref<320000xi32, #tpu.memory_space<hbm>> -> memref<64xi32, #tpu.memory_space<hbm>>
          tpu.wait_dma2 semaphore(%arg32 : memref<!tpu.dma_semaphore, #tpu.memory_space<semaphore_mem>>) src(%dma_wait3A_296 : memref<64xi32, #tpu.memory_space<hbm>>) dst(%arg10 : memref<64xi32, #tpu.memory_space<vmem>>)
          %dma_wait3A_297 = tpu.memref_slice %arg4[%multiple_of3A_294] : memref<320000xi32, #tpu.memory_space<hbm>> -> memref<64xi32, #tpu.memory_space<hbm>>
          %dma_wait3A_298 = tpu.memref_slice %arg4[%multiple_of3A_294] : memref<320000xi32, #tpu.memory_space<hbm>> -> memref<64xi32, #tpu.memory_space<hbm>>
          tpu.wait_dma2 semaphore(%arg32 : memref<!tpu.dma_semaphore, #tpu.memory_space<semaphore_mem>>) src(%dma_wait3A_298 : memref<64xi32, #tpu.memory_space<hbm>>) dst(%arg15 : memref<64xi32, #tpu.memory_space<vmem>>)
          %dma_start3A_299 = arith.constant 0 : i32
          %dma_start3A_300 = arith.constant 0 : i32
          %dma_start3A_301 = tpu.memref_slice %arg5[%dma_start3A_299, %dma_start3A_300] : memref<10000x128xf32, #tpu.memory_space<hbm>> -> memref<10000x128xf32, #tpu.memory_space<hbm>>
          tpu.enqueue_indirect_dma source(%dma_start3A_301 : memref<10000x128xf32, #tpu.memory_space<hbm>>) target(%arg20 : memref<64x128xf32, #tpu.memory_space<vmem>>) offsets(%arg10 : memref<64xi32, #tpu.memory_space<vmem>>) semaphore(%arg25 : memref<!tpu.dma_semaphore, #tpu.memory_space<semaphore_mem>>)
        } else {
        }
        %dma_wait3A = arith.constant 0 : i32
        %dma_wait3A_271 = arith.constant 0 : i32
        %dma_wait3A_272 = tpu.memref_slice %arg5[%dma_wait3A, %dma_wait3A_271] : memref<10000x128xf32, #tpu.memory_space<hbm>> -> memref<10000x128xf32, #tpu.memory_space<hbm>>
        tpu.wait_indirect_dma semaphore(%arg22 : memref<!tpu.dma_semaphore, #tpu.memory_space<semaphore_mem>>) src(%dma_wait3A_272 : memref<10000x128xf32, #tpu.memory_space<hbm>>) dst(%arg17 : memref<64x128xf32, #tpu.memory_space<vmem>>)
        %dma_start3A = arith.constant 0 : i32
        %dma_start3A_273 = arith.constant 0 : i32
        %dma_start3A_274 = tpu.memref_slice %arg33[%dma_start3A, %dma_start3A_273] : memref<10000x128xf32, #tpu.memory_space<vmem_shared>> -> memref<10000x128xf32, #tpu.memory_space<vmem_shared>>
        tpu.enqueue_indirect_dma source(%arg17 : memref<64x128xf32, #tpu.memory_space<vmem>>) target(%dma_start3A_274 : memref<10000x128xf32, #tpu.memory_space<vmem_shared>>) offsets(%arg12 : memref<64xi32, #tpu.memory_space<vmem>>) semaphore(%arg27 : memref<!tpu.dma_semaphore, #tpu.memory_space<semaphore_mem>>) {add = true}
        %ge3A = arith.constant 1 : i32
        %ge3A_275 = arith.cmpi sge, %add3A_228, %ge3A : i32
        %convert_element_type3A_276 = arith.extui %ge3A_275 : i1 to i32
        %cond3A_277 = arith.constant 0 : i32
        %cond3A_278 = arith.cmpi ne, %convert_element_type3A_276, %cond3A_277 : i32
        scf.if %cond3A_278 {
          %dma_wait3A_287 = arith.constant 0 : i32
          %dma_wait3A_288 = arith.constant 0 : i32
          %dma_wait3A_289 = tpu.memref_slice %arg33[%dma_wait3A_287, %dma_wait3A_288] : memref<10000x128xf32, #tpu.memory_space<vmem_shared>> -> memref<10000x128xf32, #tpu.memory_space<vmem_shared>>
          tpu.wait_indirect_dma semaphore(%arg31 : memref<!tpu.dma_semaphore, #tpu.memory_space<semaphore_mem>>) src(%arg21 : memref<64x128xf32, #tpu.memory_space<vmem>>) dst(%dma_wait3A_289 : memref<10000x128xf32, #tpu.memory_space<vmem_shared>>)
        } else {
        }
        %add3A_279 = arith.constant 5 : i32
        %add3A_280 = arith.addi %add3A_228, %add3A_279 : i32
        %sub3A_281 = arith.constant 1 : i32
        %sub3A_282 = arith.subi %add3A_280, %sub3A_281 : i32
        %lt3A_283 = arith.cmpi slt, %sub3A_282, %select_n3A : i32
        %convert_element_type3A_284 = arith.extui %lt3A_283 : i1 to i32
        %cond3A_285 = arith.constant 0 : i32
        %cond3A_286 = arith.cmpi ne, %convert_element_type3A_284, %cond3A_285 : i32
        scf.if %cond3A_286 {
          %add3A_287 = arith.constant 5 : i32
          %add3A_288 = arith.addi %add3A_228, %add3A_287 : i32
          %sub3A_289 = arith.constant 1 : i32
          %sub3A_290 = arith.subi %add3A_288, %sub3A_289 : i32
          %mul3A_291 = arith.constant 32 : i32
          %mul3A_292 = arith.muli %sub3A_290, %mul3A_291 : i32
          %add3A_293 = arith.addi %add3A, %mul3A_292 : i32
          %mul3A_294 = arith.constant 64 : i32
          %mul3A_295 = arith.muli %add3A_293, %mul3A_294 : i32
          %multiple_of3A_296 = tpu.assume_multiple %mul3A_295, 8 : i32
          %dma_start3A_297 = tpu.memref_slice %arg3[%multiple_of3A_296] : memref<320000xi32, #tpu.memory_space<hbm>> -> memref<64xi32, #tpu.memory_space<hbm>>
          %dma_start3A_298 = tpu.memref_slice %arg3[%multiple_of3A_296] : memref<320000xi32, #tpu.memory_space<hbm>> -> memref<64xi32, #tpu.memory_space<hbm>>
          tpu.enqueue_dma source(%dma_start3A_298 : memref<64xi32, #tpu.memory_space<hbm>>) target(%arg11 : memref<64xi32, #tpu.memory_space<vmem>>) target_semaphore(%arg32 : memref<!tpu.dma_semaphore, #tpu.memory_space<semaphore_mem>>)
          %dma_start3A_299 = tpu.memref_slice %arg4[%multiple_of3A_296] : memref<320000xi32, #tpu.memory_space<hbm>> -> memref<64xi32, #tpu.memory_space<hbm>>
          %dma_start3A_300 = tpu.memref_slice %arg4[%multiple_of3A_296] : memref<320000xi32, #tpu.memory_space<hbm>> -> memref<64xi32, #tpu.memory_space<hbm>>
          tpu.enqueue_dma source(%dma_start3A_300 : memref<64xi32, #tpu.memory_space<hbm>>) target(%arg16 : memref<64xi32, #tpu.memory_space<vmem>>) target_semaphore(%arg32 : memref<!tpu.dma_semaphore, #tpu.memory_space<semaphore_mem>>)
        } else {
        }
      } else {
      }
      %mul3A_233 = arith.constant 5 : i32
      %mul3A_234 = arith.muli %mul3A_233, %add3A_224 : i32
      %add3A_235 = arith.constant 1 : i32
      %add3A_236 = arith.addi %mul3A_234, %add3A_235 : i32
      %lt3A_237 = arith.cmpi slt, %add3A_236, %select_n3A : i32
      %convert_element_type3A_238 = arith.extui %lt3A_237 : i1 to i32
      %cond3A_239 = arith.constant 0 : i32
      %cond3A_240 = arith.cmpi ne, %convert_element_type3A_238, %cond3A_239 : i32
      scf.if %cond3A_240 {
        %add3A_265 = arith.constant 3 : i32
        %add3A_266 = arith.addi %add3A_236, %add3A_265 : i32
        %lt3A_267 = arith.cmpi slt, %add3A_266, %select_n3A : i32
        %convert_element_type3A_268 = arith.extui %lt3A_267 : i1 to i32
        %cond3A_269 = arith.constant 0 : i32
        %cond3A_270 = arith.cmpi ne, %convert_element_type3A_268, %cond3A_269 : i32
        scf.if %cond3A_270 {
          %add3A_287 = arith.constant 3 : i32
          %add3A_288 = arith.addi %add3A_236, %add3A_287 : i32
          %mul3A_289 = arith.constant 32 : i32
          %mul3A_290 = arith.muli %add3A_288, %mul3A_289 : i32
          %add3A_291 = arith.addi %add3A, %mul3A_290 : i32
          %mul3A_292 = arith.constant 64 : i32
          %mul3A_293 = arith.muli %add3A_291, %mul3A_292 : i32
          %multiple_of3A_294 = tpu.assume_multiple %mul3A_293, 8 : i32
          %dma_wait3A_295 = tpu.memref_slice %arg3[%multiple_of3A_294] : memref<320000xi32, #tpu.memory_space<hbm>> -> memref<64xi32, #tpu.memory_space<hbm>>
          %dma_wait3A_296 = tpu.memref_slice %arg3[%multiple_of3A_294] : memref<320000xi32, #tpu.memory_space<hbm>> -> memref<64xi32, #tpu.memory_space<hbm>>
          tpu.wait_dma2 semaphore(%arg32 : memref<!tpu.dma_semaphore, #tpu.memory_space<semaphore_mem>>) src(%dma_wait3A_296 : memref<64xi32, #tpu.memory_space<hbm>>) dst(%arg11 : memref<64xi32, #tpu.memory_space<vmem>>)
          %dma_wait3A_297 = tpu.memref_slice %arg4[%multiple_of3A_294] : memref<320000xi32, #tpu.memory_space<hbm>> -> memref<64xi32, #tpu.memory_space<hbm>>
          %dma_wait3A_298 = tpu.memref_slice %arg4[%multiple_of3A_294] : memref<320000xi32, #tpu.memory_space<hbm>> -> memref<64xi32, #tpu.memory_space<hbm>>
          tpu.wait_dma2 semaphore(%arg32 : memref<!tpu.dma_semaphore, #tpu.memory_space<semaphore_mem>>) src(%dma_wait3A_298 : memref<64xi32, #tpu.memory_space<hbm>>) dst(%arg16 : memref<64xi32, #tpu.memory_space<vmem>>)
          %dma_start3A_299 = arith.constant 0 : i32
          %dma_start3A_300 = arith.constant 0 : i32
          %dma_start3A_301 = tpu.memref_slice %arg5[%dma_start3A_299, %dma_start3A_300] : memref<10000x128xf32, #tpu.memory_space<hbm>> -> memref<10000x128xf32, #tpu.memory_space<hbm>>
          tpu.enqueue_indirect_dma source(%dma_start3A_301 : memref<10000x128xf32, #tpu.memory_space<hbm>>) target(%arg21 : memref<64x128xf32, #tpu.memory_space<vmem>>) offsets(%arg11 : memref<64xi32, #tpu.memory_space<vmem>>) semaphore(%arg26 : memref<!tpu.dma_semaphore, #tpu.memory_space<semaphore_mem>>)
        } else {
        }
        %dma_wait3A = arith.constant 0 : i32
        %dma_wait3A_271 = arith.constant 0 : i32
        %dma_wait3A_272 = tpu.memref_slice %arg5[%dma_wait3A, %dma_wait3A_271] : memref<10000x128xf32, #tpu.memory_space<hbm>> -> memref<10000x128xf32, #tpu.memory_space<hbm>>
        tpu.wait_indirect_dma semaphore(%arg23 : memref<!tpu.dma_semaphore, #tpu.memory_space<semaphore_mem>>) src(%dma_wait3A_272 : memref<10000x128xf32, #tpu.memory_space<hbm>>) dst(%arg18 : memref<64x128xf32, #tpu.memory_space<vmem>>)
        %dma_start3A = arith.constant 0 : i32
        %dma_start3A_273 = arith.constant 0 : i32
        %dma_start3A_274 = tpu.memref_slice %arg33[%dma_start3A, %dma_start3A_273] : memref<10000x128xf32, #tpu.memory_space<vmem_shared>> -> memref<10000x128xf32, #tpu.memory_space<vmem_shared>>
        tpu.enqueue_indirect_dma source(%arg18 : memref<64x128xf32, #tpu.memory_space<vmem>>) target(%dma_start3A_274 : memref<10000x128xf32, #tpu.memory_space<vmem_shared>>) offsets(%arg13 : memref<64xi32, #tpu.memory_space<vmem>>) semaphore(%arg28 : memref<!tpu.dma_semaphore, #tpu.memory_space<semaphore_mem>>) {add = true}
        %ge3A = arith.constant 1 : i32
        %ge3A_275 = arith.cmpi sge, %add3A_236, %ge3A : i32
        %convert_element_type3A_276 = arith.extui %ge3A_275 : i1 to i32
        %cond3A_277 = arith.constant 0 : i32
        %cond3A_278 = arith.cmpi ne, %convert_element_type3A_276, %cond3A_277 : i32
        scf.if %cond3A_278 {
          %dma_wait3A_287 = arith.constant 0 : i32
          %dma_wait3A_288 = arith.constant 0 : i32
          %dma_wait3A_289 = tpu.memref_slice %arg33[%dma_wait3A_287, %dma_wait3A_288] : memref<10000x128xf32, #tpu.memory_space<vmem_shared>> -> memref<10000x128xf32, #tpu.memory_space<vmem_shared>>
          tpu.wait_indirect_dma semaphore(%arg27 : memref<!tpu.dma_semaphore, #tpu.memory_space<semaphore_mem>>) src(%arg17 : memref<64x128xf32, #tpu.memory_space<vmem>>) dst(%dma_wait3A_289 : memref<10000x128xf32, #tpu.memory_space<vmem_shared>>)
        } else {
        }
        %add3A_279 = arith.constant 5 : i32
        %add3A_280 = arith.addi %add3A_236, %add3A_279 : i32
        %sub3A_281 = arith.constant 1 : i32
        %sub3A_282 = arith.subi %add3A_280, %sub3A_281 : i32
        %lt3A_283 = arith.cmpi slt, %sub3A_282, %select_n3A : i32
        %convert_element_type3A_284 = arith.extui %lt3A_283 : i1 to i32
        %cond3A_285 = arith.constant 0 : i32
        %cond3A_286 = arith.cmpi ne, %convert_element_type3A_284, %cond3A_285 : i32
        scf.if %cond3A_286 {
          %add3A_287 = arith.constant 5 : i32
          %add3A_288 = arith.addi %add3A_236, %add3A_287 : i32
          %sub3A_289 = arith.constant 1 : i32
          %sub3A_290 = arith.subi %add3A_288, %sub3A_289 : i32
          %mul3A_291 = arith.constant 32 : i32
          %mul3A_292 = arith.muli %sub3A_290, %mul3A_291 : i32
          %add3A_293 = arith.addi %add3A, %mul3A_292 : i32
          %mul3A_294 = arith.constant 64 : i32
          %mul3A_295 = arith.muli %add3A_293, %mul3A_294 : i32
          %multiple_of3A_296 = tpu.assume_multiple %mul3A_295, 8 : i32
          %dma_start3A_297 = tpu.memref_slice %arg3[%multiple_of3A_296] : memref<320000xi32, #tpu.memory_space<hbm>> -> memref<64xi32, #tpu.memory_space<hbm>>
          %dma_start3A_298 = tpu.memref_slice %arg3[%multiple_of3A_296] : memref<320000xi32, #tpu.memory_space<hbm>> -> memref<64xi32, #tpu.memory_space<hbm>>
          tpu.enqueue_dma source(%dma_start3A_298 : memref<64xi32, #tpu.memory_space<hbm>>) target(%arg7 : memref<64xi32, #tpu.memory_space<vmem>>) target_semaphore(%arg32 : memref<!tpu.dma_semaphore, #tpu.memory_space<semaphore_mem>>)
          %dma_start3A_299 = tpu.memref_slice %arg4[%multiple_of3A_296] : memref<320000xi32, #tpu.memory_space<hbm>> -> memref<64xi32, #tpu.memory_space<hbm>>
          %dma_start3A_300 = tpu.memref_slice %arg4[%multiple_of3A_296] : memref<320000xi32, #tpu.memory_space<hbm>> -> memref<64xi32, #tpu.memory_space<hbm>>
          tpu.enqueue_dma source(%dma_start3A_300 : memref<64xi32, #tpu.memory_space<hbm>>) target(%arg12 : memref<64xi32, #tpu.memory_space<vmem>>) target_semaphore(%arg32 : memref<!tpu.dma_semaphore, #tpu.memory_space<semaphore_mem>>)
        } else {
        }
      } else {
      }
      %mul3A_241 = arith.constant 5 : i32
      %mul3A_242 = arith.muli %mul3A_241, %add3A_224 : i32
      %add3A_243 = arith.constant 2 : i32
      %add3A_244 = arith.addi %mul3A_242, %add3A_243 : i32
      %lt3A_245 = arith.cmpi slt, %add3A_244, %select_n3A : i32
      %convert_element_type3A_246 = arith.extui %lt3A_245 : i1 to i32
      %cond3A_247 = arith.constant 0 : i32
      %cond3A_248 = arith.cmpi ne, %convert_element_type3A_246, %cond3A_247 : i32
      scf.if %cond3A_248 {
        %add3A_265 = arith.constant 3 : i32
        %add3A_266 = arith.addi %add3A_244, %add3A_265 : i32
        %lt3A_267 = arith.cmpi slt, %add3A_266, %select_n3A : i32
        %convert_element_type3A_268 = arith.extui %lt3A_267 : i1 to i32
        %cond3A_269 = arith.constant 0 : i32
        %cond3A_270 = arith.cmpi ne, %convert_element_type3A_268, %cond3A_269 : i32
        scf.if %cond3A_270 {
          %add3A_287 = arith.constant 3 : i32
          %add3A_288 = arith.addi %add3A_244, %add3A_287 : i32
          %mul3A_289 = arith.constant 32 : i32
          %mul3A_290 = arith.muli %add3A_288, %mul3A_289 : i32
          %add3A_291 = arith.addi %add3A, %mul3A_290 : i32
          %mul3A_292 = arith.constant 64 : i32
          %mul3A_293 = arith.muli %add3A_291, %mul3A_292 : i32
          %multiple_of3A_294 = tpu.assume_multiple %mul3A_293, 8 : i32
          %dma_wait3A_295 = tpu.memref_slice %arg3[%multiple_of3A_294] : memref<320000xi32, #tpu.memory_space<hbm>> -> memref<64xi32, #tpu.memory_space<hbm>>
          %dma_wait3A_296 = tpu.memref_slice %arg3[%multiple_of3A_294] : memref<320000xi32, #tpu.memory_space<hbm>> -> memref<64xi32, #tpu.memory_space<hbm>>
          tpu.wait_dma2 semaphore(%arg32 : memref<!tpu.dma_semaphore, #tpu.memory_space<semaphore_mem>>) src(%dma_wait3A_296 : memref<64xi32, #tpu.memory_space<hbm>>) dst(%arg7 : memref<64xi32, #tpu.memory_space<vmem>>)
          %dma_wait3A_297 = tpu.memref_slice %arg4[%multiple_of3A_294] : memref<320000xi32, #tpu.memory_space<hbm>> -> memref<64xi32, #tpu.memory_space<hbm>>
          %dma_wait3A_298 = tpu.memref_slice %arg4[%multiple_of3A_294] : memref<320000xi32, #tpu.memory_space<hbm>> -> memref<64xi32, #tpu.memory_space<hbm>>
          tpu.wait_dma2 semaphore(%arg32 : memref<!tpu.dma_semaphore, #tpu.memory_space<semaphore_mem>>) src(%dma_wait3A_298 : memref<64xi32, #tpu.memory_space<hbm>>) dst(%arg12 : memref<64xi32, #tpu.memory_space<vmem>>)
          %dma_start3A_299 = arith.constant 0 : i32
          %dma_start3A_300 = arith.constant 0 : i32
          %dma_start3A_301 = tpu.memref_slice %arg5[%dma_start3A_299, %dma_start3A_300] : memref<10000x128xf32, #tpu.memory_space<hbm>> -> memref<10000x128xf32, #tpu.memory_space<hbm>>
          tpu.enqueue_indirect_dma source(%dma_start3A_301 : memref<10000x128xf32, #tpu.memory_space<hbm>>) target(%arg17 : memref<64x128xf32, #tpu.memory_space<vmem>>) offsets(%arg7 : memref<64xi32, #tpu.memory_space<vmem>>) semaphore(%arg22 : memref<!tpu.dma_semaphore, #tpu.memory_space<semaphore_mem>>)
        } else {
        }
        %dma_wait3A = arith.constant 0 : i32
        %dma_wait3A_271 = arith.constant 0 : i32
        %dma_wait3A_272 = tpu.memref_slice %arg5[%dma_wait3A, %dma_wait3A_271] : memref<10000x128xf32, #tpu.memory_space<hbm>> -> memref<10000x128xf32, #tpu.memory_space<hbm>>
        tpu.wait_indirect_dma semaphore(%arg24 : memref<!tpu.dma_semaphore, #tpu.memory_space<semaphore_mem>>) src(%dma_wait3A_272 : memref<10000x128xf32, #tpu.memory_space<hbm>>) dst(%arg19 : memref<64x128xf32, #tpu.memory_space<vmem>>)
        %dma_start3A = arith.constant 0 : i32
        %dma_start3A_273 = arith.constant 0 : i32
        %dma_start3A_274 = tpu.memref_slice %arg33[%dma_start3A, %dma_start3A_273] : memref<10000x128xf32, #tpu.memory_space<vmem_shared>> -> memref<10000x128xf32, #tpu.memory_space<vmem_shared>>
        tpu.enqueue_indirect_dma source(%arg19 : memref<64x128xf32, #tpu.memory_space<vmem>>) target(%dma_start3A_274 : memref<10000x128xf32, #tpu.memory_space<vmem_shared>>) offsets(%arg14 : memref<64xi32, #tpu.memory_space<vmem>>) semaphore(%arg29 : memref<!tpu.dma_semaphore, #tpu.memory_space<semaphore_mem>>) {add = true}
        %ge3A = arith.constant 1 : i32
        %ge3A_275 = arith.cmpi sge, %add3A_244, %ge3A : i32
        %convert_element_type3A_276 = arith.extui %ge3A_275 : i1 to i32
        %cond3A_277 = arith.constant 0 : i32
        %cond3A_278 = arith.cmpi ne, %convert_element_type3A_276, %cond3A_277 : i32
        scf.if %cond3A_278 {
          %dma_wait3A_287 = arith.constant 0 : i32
          %dma_wait3A_288 = arith.constant 0 : i32
          %dma_wait3A_289 = tpu.memref_slice %arg33[%dma_wait3A_287, %dma_wait3A_288] : memref<10000x128xf32, #tpu.memory_space<vmem_shared>> -> memref<10000x128xf32, #tpu.memory_space<vmem_shared>>
          tpu.wait_indirect_dma semaphore(%arg28 : memref<!tpu.dma_semaphore, #tpu.memory_space<semaphore_mem>>) src(%arg18 : memref<64x128xf32, #tpu.memory_space<vmem>>) dst(%dma_wait3A_289 : memref<10000x128xf32, #tpu.memory_space<vmem_shared>>)
        } else {
        }
        %add3A_279 = arith.constant 5 : i32
        %add3A_280 = arith.addi %add3A_244, %add3A_279 : i32
        %sub3A_281 = arith.constant 1 : i32
        %sub3A_282 = arith.subi %add3A_280, %sub3A_281 : i32
        %lt3A_283 = arith.cmpi slt, %sub3A_282, %select_n3A : i32
        %convert_element_type3A_284 = arith.extui %lt3A_283 : i1 to i32
        %cond3A_285 = arith.constant 0 : i32
        %cond3A_286 = arith.cmpi ne, %convert_element_type3A_284, %cond3A_285 : i32
        scf.if %cond3A_286 {
          %add3A_287 = arith.constant 5 : i32
          %add3A_288 = arith.addi %add3A_244, %add3A_287 : i32
          %sub3A_289 = arith.constant 1 : i32
          %sub3A_290 = arith.subi %add3A_288, %sub3A_289 : i32
          %mul3A_291 = arith.constant 32 : i32
          %mul3A_292 = arith.muli %sub3A_290, %mul3A_291 : i32
          %add3A_293 = arith.addi %add3A, %mul3A_292 : i32
          %mul3A_294 = arith.constant 64 : i32
          %mul3A_295 = arith.muli %add3A_293, %mul3A_294 : i32
          %multiple_of3A_296 = tpu.assume_multiple %mul3A_295, 8 : i32
          %dma_start3A_297 = tpu.memref_slice %arg3[%multiple_of3A_296] : memref<320000xi32, #tpu.memory_space<hbm>> -> memref<64xi32, #tpu.memory_space<hbm>>
          %dma_start3A_298 = tpu.memref_slice %arg3[%multiple_of3A_296] : memref<320000xi32, #tpu.memory_space<hbm>> -> memref<64xi32, #tpu.memory_space<hbm>>
          tpu.enqueue_dma source(%dma_start3A_298 : memref<64xi32, #tpu.memory_space<hbm>>) target(%arg8 : memref<64xi32, #tpu.memory_space<vmem>>) target_semaphore(%arg32 : memref<!tpu.dma_semaphore, #tpu.memory_space<semaphore_mem>>)
          %dma_start3A_299 = tpu.memref_slice %arg4[%multiple_of3A_296] : memref<320000xi32, #tpu.memory_space<hbm>> -> memref<64xi32, #tpu.memory_space<hbm>>
          %dma_start3A_300 = tpu.memref_slice %arg4[%multiple_of3A_296] : memref<320000xi32, #tpu.memory_space<hbm>> -> memref<64xi32, #tpu.memory_space<hbm>>
          tpu.enqueue_dma source(%dma_start3A_300 : memref<64xi32, #tpu.memory_space<hbm>>) target(%arg13 : memref<64xi32, #tpu.memory_space<vmem>>) target_semaphore(%arg32 : memref<!tpu.dma_semaphore, #tpu.memory_space<semaphore_mem>>)
        } else {
        }
      } else {
      }
      %mul3A_249 = arith.constant 5 : i32
      %mul3A_250 = arith.muli %mul3A_249, %add3A_224 : i32
      %add3A_251 = arith.constant 3 : i32
      %add3A_252 = arith.addi %mul3A_250, %add3A_251 : i32
      %lt3A_253 = arith.cmpi slt, %add3A_252, %select_n3A : i32
      %convert_element_type3A_254 = arith.extui %lt3A_253 : i1 to i32
      %cond3A_255 = arith.constant 0 : i32
      %cond3A_256 = arith.cmpi ne, %convert_element_type3A_254, %cond3A_255 : i32
      scf.if %cond3A_256 {
        %add3A_265 = arith.constant 3 : i32
        %add3A_266 = arith.addi %add3A_252, %add3A_265 : i32
        %lt3A_267 = arith.cmpi slt, %add3A_266, %select_n3A : i32
        %convert_element_type3A_268 = arith.extui %lt3A_267 : i1 to i32
        %cond3A_269 = arith.constant 0 : i32
        %cond3A_270 = arith.cmpi ne, %convert_element_type3A_268, %cond3A_269 : i32
        scf.if %cond3A_270 {
          %add3A_287 = arith.constant 3 : i32
          %add3A_288 = arith.addi %add3A_252, %add3A_287 : i32
          %mul3A_289 = arith.constant 32 : i32
          %mul3A_290 = arith.muli %add3A_288, %mul3A_289 : i32
          %add3A_291 = arith.addi %add3A, %mul3A_290 : i32
          %mul3A_292 = arith.constant 64 : i32
          %mul3A_293 = arith.muli %add3A_291, %mul3A_292 : i32
          %multiple_of3A_294 = tpu.assume_multiple %mul3A_293, 8 : i32
          %dma_wait3A_295 = tpu.memref_slice %arg3[%multiple_of3A_294] : memref<320000xi32, #tpu.memory_space<hbm>> -> memref<64xi32, #tpu.memory_space<hbm>>
          %dma_wait3A_296 = tpu.memref_slice %arg3[%multiple_of3A_294] : memref<320000xi32, #tpu.memory_space<hbm>> -> memref<64xi32, #tpu.memory_space<hbm>>
          tpu.wait_dma2 semaphore(%arg32 : memref<!tpu.dma_semaphore, #tpu.memory_space<semaphore_mem>>) src(%dma_wait3A_296 : memref<64xi32, #tpu.memory_space<hbm>>) dst(%arg8 : memref<64xi32, #tpu.memory_space<vmem>>)
          %dma_wait3A_297 = tpu.memref_slice %arg4[%multiple_of3A_294] : memref<320000xi32, #tpu.memory_space<hbm>> -> memref<64xi32, #tpu.memory_space<hbm>>
          %dma_wait3A_298 = tpu.memref_slice %arg4[%multiple_of3A_294] : memref<320000xi32, #tpu.memory_space<hbm>> -> memref<64xi32, #tpu.memory_space<hbm>>
          tpu.wait_dma2 semaphore(%arg32 : memref<!tpu.dma_semaphore, #tpu.memory_space<semaphore_mem>>) src(%dma_wait3A_298 : memref<64xi32, #tpu.memory_space<hbm>>) dst(%arg13 : memref<64xi32, #tpu.memory_space<vmem>>)
          %dma_start3A_299 = arith.constant 0 : i32
          %dma_start3A_300 = arith.constant 0 : i32
          %dma_start3A_301 = tpu.memref_slice %arg5[%dma_start3A_299, %dma_start3A_300] : memref<10000x128xf32, #tpu.memory_space<hbm>> -> memref<10000x128xf32, #tpu.memory_space<hbm>>
          tpu.enqueue_indirect_dma source(%dma_start3A_301 : memref<10000x128xf32, #tpu.memory_space<hbm>>) target(%arg18 : memref<64x128xf32, #tpu.memory_space<vmem>>) offsets(%arg8 : memref<64xi32, #tpu.memory_space<vmem>>) semaphore(%arg23 : memref<!tpu.dma_semaphore, #tpu.memory_space<semaphore_mem>>)
        } else {
        }
        %dma_wait3A = arith.constant 0 : i32
        %dma_wait3A_271 = arith.constant 0 : i32
        %dma_wait3A_272 = tpu.memref_slice %arg5[%dma_wait3A, %dma_wait3A_271] : memref<10000x128xf32, #tpu.memory_space<hbm>> -> memref<10000x128xf32, #tpu.memory_space<hbm>>
        tpu.wait_indirect_dma semaphore(%arg25 : memref<!tpu.dma_semaphore, #tpu.memory_space<semaphore_mem>>) src(%dma_wait3A_272 : memref<10000x128xf32, #tpu.memory_space<hbm>>) dst(%arg20 : memref<64x128xf32, #tpu.memory_space<vmem>>)
        %dma_start3A = arith.constant 0 : i32
        %dma_start3A_273 = arith.constant 0 : i32
        %dma_start3A_274 = tpu.memref_slice %arg33[%dma_start3A, %dma_start3A_273] : memref<10000x128xf32, #tpu.memory_space<vmem_shared>> -> memref<10000x128xf32, #tpu.memory_space<vmem_shared>>
        tpu.enqueue_indirect_dma source(%arg20 : memref<64x128xf32, #tpu.memory_space<vmem>>) target(%dma_start3A_274 : memref<10000x128xf32, #tpu.memory_space<vmem_shared>>) offsets(%arg15 : memref<64xi32, #tpu.memory_space<vmem>>) semaphore(%arg30 : memref<!tpu.dma_semaphore, #tpu.memory_space<semaphore_mem>>) {add = true}
        %ge3A = arith.constant 1 : i32
        %ge3A_275 = arith.cmpi sge, %add3A_252, %ge3A : i32
        %convert_element_type3A_276 = arith.extui %ge3A_275 : i1 to i32
        %cond3A_277 = arith.constant 0 : i32
        %cond3A_278 = arith.cmpi ne, %convert_element_type3A_276, %cond3A_277 : i32
        scf.if %cond3A_278 {
          %dma_wait3A_287 = arith.constant 0 : i32
          %dma_wait3A_288 = arith.constant 0 : i32
          %dma_wait3A_289 = tpu.memref_slice %arg33[%dma_wait3A_287, %dma_wait3A_288] : memref<10000x128xf32, #tpu.memory_space<vmem_shared>> -> memref<10000x128xf32, #tpu.memory_space<vmem_shared>>
          tpu.wait_indirect_dma semaphore(%arg29 : memref<!tpu.dma_semaphore, #tpu.memory_space<semaphore_mem>>) src(%arg19 : memref<64x128xf32, #tpu.memory_space<vmem>>) dst(%dma_wait3A_289 : memref<10000x128xf32, #tpu.memory_space<vmem_shared>>)
        } else {
        }
        %add3A_279 = arith.constant 5 : i32
        %add3A_280 = arith.addi %add3A_252, %add3A_279 : i32
        %sub3A_281 = arith.constant 1 : i32
        %sub3A_282 = arith.subi %add3A_280, %sub3A_281 : i32
        %lt3A_283 = arith.cmpi slt, %sub3A_282, %select_n3A : i32
        %convert_element_type3A_284 = arith.extui %lt3A_283 : i1 to i32
        %cond3A_285 = arith.constant 0 : i32
        %cond3A_286 = arith.cmpi ne, %convert_element_type3A_284, %cond3A_285 : i32
        scf.if %cond3A_286 {
          %add3A_287 = arith.constant 5 : i32
          %add3A_288 = arith.addi %add3A_252, %add3A_287 : i32
          %sub3A_289 = arith.constant 1 : i32
          %sub3A_290 = arith.subi %add3A_288, %sub3A_289 : i32
          %mul3A_291 = arith.constant 32 : i32
          %mul3A_292 = arith.muli %sub3A_290, %mul3A_291 : i32
          %add3A_293 = arith.addi %add3A, %mul3A_292 : i32
          %mul3A_294 = arith.constant 64 : i32
          %mul3A_295 = arith.muli %add3A_293, %mul3A_294 : i32
          %multiple_of3A_296 = tpu.assume_multiple %mul3A_295, 8 : i32
          %dma_start3A_297 = tpu.memref_slice %arg3[%multiple_of3A_296] : memref<320000xi32, #tpu.memory_space<hbm>> -> memref<64xi32, #tpu.memory_space<hbm>>
          %dma_start3A_298 = tpu.memref_slice %arg3[%multiple_of3A_296] : memref<320000xi32, #tpu.memory_space<hbm>> -> memref<64xi32, #tpu.memory_space<hbm>>
          tpu.enqueue_dma source(%dma_start3A_298 : memref<64xi32, #tpu.memory_space<hbm>>) target(%arg9 : memref<64xi32, #tpu.memory_space<vmem>>) target_semaphore(%arg32 : memref<!tpu.dma_semaphore, #tpu.memory_space<semaphore_mem>>)
          %dma_start3A_299 = tpu.memref_slice %arg4[%multiple_of3A_296] : memref<320000xi32, #tpu.memory_space<hbm>> -> memref<64xi32, #tpu.memory_space<hbm>>
          %dma_start3A_300 = tpu.memref_slice %arg4[%multiple_of3A_296] : memref<320000xi32, #tpu.memory_space<hbm>> -> memref<64xi32, #tpu.memory_space<hbm>>
          tpu.enqueue_dma source(%dma_start3A_300 : memref<64xi32, #tpu.memory_space<hbm>>) target(%arg14 : memref<64xi32, #tpu.memory_space<vmem>>) target_semaphore(%arg32 : memref<!tpu.dma_semaphore, #tpu.memory_space<semaphore_mem>>)
        } else {
        }
      } else {
      }
      %mul3A_257 = arith.constant 5 : i32
      %mul3A_258 = arith.muli %mul3A_257, %add3A_224 : i32
      %add3A_259 = arith.constant 4 : i32
      %add3A_260 = arith.addi %mul3A_258, %add3A_259 : i32
      %lt3A_261 = arith.cmpi slt, %add3A_260, %select_n3A : i32
      %convert_element_type3A_262 = arith.extui %lt3A_261 : i1 to i32
      %cond3A_263 = arith.constant 0 : i32
      %cond3A_264 = arith.cmpi ne, %convert_element_type3A_262, %cond3A_263 : i32
      scf.if %cond3A_264 {
        %add3A_265 = arith.constant 3 : i32
        %add3A_266 = arith.addi %add3A_260, %add3A_265 : i32
        %lt3A_267 = arith.cmpi slt, %add3A_266, %select_n3A : i32
        %convert_element_type3A_268 = arith.extui %lt3A_267 : i1 to i32
        %cond3A_269 = arith.constant 0 : i32
        %cond3A_270 = arith.cmpi ne, %convert_element_type3A_268, %cond3A_269 : i32
        scf.if %cond3A_270 {
          %add3A_287 = arith.constant 3 : i32
          %add3A_288 = arith.addi %add3A_260, %add3A_287 : i32
          %mul3A_289 = arith.constant 32 : i32
          %mul3A_290 = arith.muli %add3A_288, %mul3A_289 : i32
          %add3A_291 = arith.addi %add3A, %mul3A_290 : i32
          %mul3A_292 = arith.constant 64 : i32
          %mul3A_293 = arith.muli %add3A_291, %mul3A_292 : i32
          %multiple_of3A_294 = tpu.assume_multiple %mul3A_293, 8 : i32
          %dma_wait3A_295 = tpu.memref_slice %arg3[%multiple_of3A_294] : memref<320000xi32, #tpu.memory_space<hbm>> -> memref<64xi32, #tpu.memory_space<hbm>>
          %dma_wait3A_296 = tpu.memref_slice %arg3[%multiple_of3A_294] : memref<320000xi32, #tpu.memory_space<hbm>> -> memref<64xi32, #tpu.memory_space<hbm>>
          tpu.wait_dma2 semaphore(%arg32 : memref<!tpu.dma_semaphore, #tpu.memory_space<semaphore_mem>>) src(%dma_wait3A_296 : memref<64xi32, #tpu.memory_space<hbm>>) dst(%arg9 : memref<64xi32, #tpu.memory_space<vmem>>)
          %dma_wait3A_297 = tpu.memref_slice %arg4[%multiple_of3A_294] : memref<320000xi32, #tpu.memory_space<hbm>> -> memref<64xi32, #tpu.memory_space<hbm>>
          %dma_wait3A_298 = tpu.memref_slice %arg4[%multiple_of3A_294] : memref<320000xi32, #tpu.memory_space<hbm>> -> memref<64xi32, #tpu.memory_space<hbm>>
          tpu.wait_dma2 semaphore(%arg32 : memref<!tpu.dma_semaphore, #tpu.memory_space<semaphore_mem>>) src(%dma_wait3A_298 : memref<64xi32, #tpu.memory_space<hbm>>) dst(%arg14 : memref<64xi32, #tpu.memory_space<vmem>>)
          %dma_start3A_299 = arith.constant 0 : i32
          %dma_start3A_300 = arith.constant 0 : i32
          %dma_start3A_301 = tpu.memref_slice %arg5[%dma_start3A_299, %dma_start3A_300] : memref<10000x128xf32, #tpu.memory_space<hbm>> -> memref<10000x128xf32, #tpu.memory_space<hbm>>
          tpu.enqueue_indirect_dma source(%dma_start3A_301 : memref<10000x128xf32, #tpu.memory_space<hbm>>) target(%arg19 : memref<64x128xf32, #tpu.memory_space<vmem>>) offsets(%arg9 : memref<64xi32, #tpu.memory_space<vmem>>) semaphore(%arg24 : memref<!tpu.dma_semaphore, #tpu.memory_space<semaphore_mem>>)
        } else {
        }
        %dma_wait3A = arith.constant 0 : i32
        %dma_wait3A_271 = arith.constant 0 : i32
        %dma_wait3A_272 = tpu.memref_slice %arg5[%dma_wait3A, %dma_wait3A_271] : memref<10000x128xf32, #tpu.memory_space<hbm>> -> memref<10000x128xf32, #tpu.memory_space<hbm>>
        tpu.wait_indirect_dma semaphore(%arg26 : memref<!tpu.dma_semaphore, #tpu.memory_space<semaphore_mem>>) src(%dma_wait3A_272 : memref<10000x128xf32, #tpu.memory_space<hbm>>) dst(%arg21 : memref<64x128xf32, #tpu.memory_space<vmem>>)
        %dma_start3A = arith.constant 0 : i32
        %dma_start3A_273 = arith.constant 0 : i32
        %dma_start3A_274 = tpu.memref_slice %arg33[%dma_start3A, %dma_start3A_273] : memref<10000x128xf32, #tpu.memory_space<vmem_shared>> -> memref<10000x128xf32, #tpu.memory_space<vmem_shared>>
        tpu.enqueue_indirect_dma source(%arg21 : memref<64x128xf32, #tpu.memory_space<vmem>>) target(%dma_start3A_274 : memref<10000x128xf32, #tpu.memory_space<vmem_shared>>) offsets(%arg16 : memref<64xi32, #tpu.memory_space<vmem>>) semaphore(%arg31 : memref<!tpu.dma_semaphore, #tpu.memory_space<semaphore_mem>>) {add = true}
        %ge3A = arith.constant 1 : i32
        %ge3A_275 = arith.cmpi sge, %add3A_260, %ge3A : i32
        %convert_element_type3A_276 = arith.extui %ge3A_275 : i1 to i32
        %cond3A_277 = arith.constant 0 : i32
        %cond3A_278 = arith.cmpi ne, %convert_element_type3A_276, %cond3A_277 : i32
        scf.if %cond3A_278 {
          %dma_wait3A_287 = arith.constant 0 : i32
          %dma_wait3A_288 = arith.constant 0 : i32
          %dma_wait3A_289 = tpu.memref_slice %arg33[%dma_wait3A_287, %dma_wait3A_288] : memref<10000x128xf32, #tpu.memory_space<vmem_shared>> -> memref<10000x128xf32, #tpu.memory_space<vmem_shared>>
          tpu.wait_indirect_dma semaphore(%arg30 : memref<!tpu.dma_semaphore, #tpu.memory_space<semaphore_mem>>) src(%arg20 : memref<64x128xf32, #tpu.memory_space<vmem>>) dst(%dma_wait3A_289 : memref<10000x128xf32, #tpu.memory_space<vmem_shared>>)
        } else {
        }
        %add3A_279 = arith.constant 5 : i32
        %add3A_280 = arith.addi %add3A_260, %add3A_279 : i32
        %sub3A_281 = arith.constant 1 : i32
        %sub3A_282 = arith.subi %add3A_280, %sub3A_281 : i32
        %lt3A_283 = arith.cmpi slt, %sub3A_282, %select_n3A : i32
        %convert_element_type3A_284 = arith.extui %lt3A_283 : i1 to i32
        %cond3A_285 = arith.constant 0 : i32
        %cond3A_286 = arith.cmpi ne, %convert_element_type3A_284, %cond3A_285 : i32
        scf.if %cond3A_286 {
          %add3A_287 = arith.constant 5 : i32
          %add3A_288 = arith.addi %add3A_260, %add3A_287 : i32
          %sub3A_289 = arith.constant 1 : i32
          %sub3A_290 = arith.subi %add3A_288, %sub3A_289 : i32
          %mul3A_291 = arith.constant 32 : i32
          %mul3A_292 = arith.muli %sub3A_290, %mul3A_291 : i32
          %add3A_293 = arith.addi %add3A, %mul3A_292 : i32
          %mul3A_294 = arith.constant 64 : i32
          %mul3A_295 = arith.muli %add3A_293, %mul3A_294 : i32
          %multiple_of3A_296 = tpu.assume_multiple %mul3A_295, 8 : i32
          %dma_start3A_297 = tpu.memref_slice %arg3[%multiple_of3A_296] : memref<320000xi32, #tpu.memory_space<hbm>> -> memref<64xi32, #tpu.memory_space<hbm>>
          %dma_start3A_298 = tpu.memref_slice %arg3[%multiple_of3A_296] : memref<320000xi32, #tpu.memory_space<hbm>> -> memref<64xi32, #tpu.memory_space<hbm>>
          tpu.enqueue_dma source(%dma_start3A_298 : memref<64xi32, #tpu.memory_space<hbm>>) target(%arg10 : memref<64xi32, #tpu.memory_space<vmem>>) target_semaphore(%arg32 : memref<!tpu.dma_semaphore, #tpu.memory_space<semaphore_mem>>)
          %dma_start3A_299 = tpu.memref_slice %arg4[%multiple_of3A_296] : memref<320000xi32, #tpu.memory_space<hbm>> -> memref<64xi32, #tpu.memory_space<hbm>>
          %dma_start3A_300 = tpu.memref_slice %arg4[%multiple_of3A_296] : memref<320000xi32, #tpu.memory_space<hbm>> -> memref<64xi32, #tpu.memory_space<hbm>>
          tpu.enqueue_dma source(%dma_start3A_300 : memref<64xi32, #tpu.memory_space<hbm>>) target(%arg15 : memref<64xi32, #tpu.memory_space<vmem>>) target_semaphore(%arg32 : memref<!tpu.dma_semaphore, #tpu.memory_space<semaphore_mem>>)
        } else {
        }
      } else {
      }
    }
    %while3A_81 = arith.constant 1 : i32
    scf.for %while3A_222 = %while3A_79 to %while3A_75 step %while3A_81  : i32 {
      %mul3A_223 = arith.muli %while3A_222, %while3A : i32
      %add3A_224 = arith.addi %while3A_72, %mul3A_223 : i32
      %mul3A_225 = arith.constant 5 : i32
      %mul3A_226 = arith.muli %mul3A_225, %add3A_224 : i32
      %add3A_227 = arith.constant 0 : i32
      %add3A_228 = arith.addi %mul3A_226, %add3A_227 : i32
      %lt3A_229 = arith.cmpi slt, %add3A_228, %select_n3A : i32
      %convert_element_type3A_230 = arith.extui %lt3A_229 : i1 to i32
      %cond3A_231 = arith.constant 0 : i32
      %cond3A_232 = arith.cmpi ne, %convert_element_type3A_230, %cond3A_231 : i32
      scf.if %cond3A_232 {
        %add3A_265 = arith.constant 3 : i32
        %add3A_266 = arith.addi %add3A_228, %add3A_265 : i32
        %lt3A_267 = arith.cmpi slt, %add3A_266, %select_n3A : i32
        %convert_element_type3A_268 = arith.extui %lt3A_267 : i1 to i32
        %cond3A_269 = arith.constant 0 : i32
        %cond3A_270 = arith.cmpi ne, %convert_element_type3A_268, %cond3A_269 : i32
        scf.if %cond3A_270 {
          %add3A_287 = arith.constant 3 : i32
          %add3A_288 = arith.addi %add3A_228, %add3A_287 : i32
          %mul3A_289 = arith.constant 32 : i32
          %mul3A_290 = arith.muli %add3A_288, %mul3A_289 : i32
          %add3A_291 = arith.addi %add3A, %mul3A_290 : i32
          %mul3A_292 = arith.constant 64 : i32
          %mul3A_293 = arith.muli %add3A_291, %mul3A_292 : i32
          %multiple_of3A_294 = tpu.assume_multiple %mul3A_293, 8 : i32
          %dma_wait3A_295 = tpu.memref_slice %arg3[%multiple_of3A_294] : memref<320000xi32, #tpu.memory_space<hbm>> -> memref<64xi32, #tpu.memory_space<hbm>>
          %dma_wait3A_296 = tpu.memref_slice %arg3[%multiple_of3A_294] : memref<320000xi32, #tpu.memory_space<hbm>> -> memref<64xi32, #tpu.memory_space<hbm>>
          tpu.wait_dma2 semaphore(%arg32 : memref<!tpu.dma_semaphore, #tpu.memory_space<semaphore_mem>>) src(%dma_wait3A_296 : memref<64xi32, #tpu.memory_space<hbm>>) dst(%arg10 : memref<64xi32, #tpu.memory_space<vmem>>)
          %dma_wait3A_297 = tpu.memref_slice %arg4[%multiple_of3A_294] : memref<320000xi32, #tpu.memory_space<hbm>> -> memref<64xi32, #tpu.memory_space<hbm>>
          %dma_wait3A_298 = tpu.memref_slice %arg4[%multiple_of3A_294] : memref<320000xi32, #tpu.memory_space<hbm>> -> memref<64xi32, #tpu.memory_space<hbm>>
          tpu.wait_dma2 semaphore(%arg32 : memref<!tpu.dma_semaphore, #tpu.memory_space<semaphore_mem>>) src(%dma_wait3A_298 : memref<64xi32, #tpu.memory_space<hbm>>) dst(%arg15 : memref<64xi32, #tpu.memory_space<vmem>>)
          %dma_start3A_299 = arith.constant 0 : i32
          %dma_start3A_300 = arith.constant 0 : i32
          %dma_start3A_301 = tpu.memref_slice %arg5[%dma_start3A_299, %dma_start3A_300] : memref<10000x128xf32, #tpu.memory_space<hbm>> -> memref<10000x128xf32, #tpu.memory_space<hbm>>
          tpu.enqueue_indirect_dma source(%dma_start3A_301 : memref<10000x128xf32, #tpu.memory_space<hbm>>) target(%arg20 : memref<64x128xf32, #tpu.memory_space<vmem>>) offsets(%arg10 : memref<64xi32, #tpu.memory_space<vmem>>) semaphore(%arg25 : memref<!tpu.dma_semaphore, #tpu.memory_space<semaphore_mem>>)
        } else {
        }
        %dma_wait3A = arith.constant 0 : i32
        %dma_wait3A_271 = arith.constant 0 : i32
        %dma_wait3A_272 = tpu.memref_slice %arg5[%dma_wait3A, %dma_wait3A_271] : memref<10000x128xf32, #tpu.memory_space<hbm>> -> memref<10000x128xf32, #tpu.memory_space<hbm>>
        tpu.wait_indirect_dma semaphore(%arg22 : memref<!tpu.dma_semaphore, #tpu.memory_space<semaphore_mem>>) src(%dma_wait3A_272 : memref<10000x128xf32, #tpu.memory_space<hbm>>) dst(%arg17 : memref<64x128xf32, #tpu.memory_space<vmem>>)
        %dma_start3A = arith.constant 0 : i32
        %dma_start3A_273 = arith.constant 0 : i32
        %dma_start3A_274 = tpu.memref_slice %arg33[%dma_start3A, %dma_start3A_273] : memref<10000x128xf32, #tpu.memory_space<vmem_shared>> -> memref<10000x128xf32, #tpu.memory_space<vmem_shared>>
        tpu.enqueue_indirect_dma source(%arg17 : memref<64x128xf32, #tpu.memory_space<vmem>>) target(%dma_start3A_274 : memref<10000x128xf32, #tpu.memory_space<vmem_shared>>) offsets(%arg12 : memref<64xi32, #tpu.memory_space<vmem>>) semaphore(%arg27 : memref<!tpu.dma_semaphore, #tpu.memory_space<semaphore_mem>>) {add = true}
        %ge3A = arith.constant 1 : i32
        %ge3A_275 = arith.cmpi sge, %add3A_228, %ge3A : i32
        %convert_element_type3A_276 = arith.extui %ge3A_275 : i1 to i32
        %cond3A_277 = arith.constant 0 : i32
        %cond3A_278 = arith.cmpi ne, %convert_element_type3A_276, %cond3A_277 : i32
        scf.if %cond3A_278 {
          %dma_wait3A_287 = arith.constant 0 : i32
          %dma_wait3A_288 = arith.constant 0 : i32
          %dma_wait3A_289 = tpu.memref_slice %arg33[%dma_wait3A_287, %dma_wait3A_288] : memref<10000x128xf32, #tpu.memory_space<vmem_shared>> -> memref<10000x128xf32, #tpu.memory_space<vmem_shared>>
          tpu.wait_indirect_dma semaphore(%arg31 : memref<!tpu.dma_semaphore, #tpu.memory_space<semaphore_mem>>) src(%arg21 : memref<64x128xf32, #tpu.memory_space<vmem>>) dst(%dma_wait3A_289 : memref<10000x128xf32, #tpu.memory_space<vmem_shared>>)
        } else {
        }
        %add3A_279 = arith.constant 5 : i32
        %add3A_280 = arith.addi %add3A_228, %add3A_279 : i32
        %sub3A_281 = arith.constant 1 : i32
        %sub3A_282 = arith.subi %add3A_280, %sub3A_281 : i32
        %lt3A_283 = arith.cmpi slt, %sub3A_282, %select_n3A : i32
        %convert_element_type3A_284 = arith.extui %lt3A_283 : i1 to i32
        %cond3A_285 = arith.constant 0 : i32
        %cond3A_286 = arith.cmpi ne, %convert_element_type3A_284, %cond3A_285 : i32
        scf.if %cond3A_286 {
          %add3A_287 = arith.constant 5 : i32
          %add3A_288 = arith.addi %add3A_228, %add3A_287 : i32
          %sub3A_289 = arith.constant 1 : i32
          %sub3A_290 = arith.subi %add3A_288, %sub3A_289 : i32
          %mul3A_291 = arith.constant 32 : i32
          %mul3A_292 = arith.muli %sub3A_290, %mul3A_291 : i32
          %add3A_293 = arith.addi %add3A, %mul3A_292 : i32
          %mul3A_294 = arith.constant 64 : i32
          %mul3A_295 = arith.muli %add3A_293, %mul3A_294 : i32
          %multiple_of3A_296 = tpu.assume_multiple %mul3A_295, 8 : i32
          %dma_start3A_297 = tpu.memref_slice %arg3[%multiple_of3A_296] : memref<320000xi32, #tpu.memory_space<hbm>> -> memref<64xi32, #tpu.memory_space<hbm>>
          %dma_start3A_298 = tpu.memref_slice %arg3[%multiple_of3A_296] : memref<320000xi32, #tpu.memory_space<hbm>> -> memref<64xi32, #tpu.memory_space<hbm>>
          tpu.enqueue_dma source(%dma_start3A_298 : memref<64xi32, #tpu.memory_space<hbm>>) target(%arg11 : memref<64xi32, #tpu.memory_space<vmem>>) target_semaphore(%arg32 : memref<!tpu.dma_semaphore, #tpu.memory_space<semaphore_mem>>)
          %dma_start3A_299 = tpu.memref_slice %arg4[%multiple_of3A_296] : memref<320000xi32, #tpu.memory_space<hbm>> -> memref<64xi32, #tpu.memory_space<hbm>>
          %dma_start3A_300 = tpu.memref_slice %arg4[%multiple_of3A_296] : memref<320000xi32, #tpu.memory_space<hbm>> -> memref<64xi32, #tpu.memory_space<hbm>>
          tpu.enqueue_dma source(%dma_start3A_300 : memref<64xi32, #tpu.memory_space<hbm>>) target(%arg16 : memref<64xi32, #tpu.memory_space<vmem>>) target_semaphore(%arg32 : memref<!tpu.dma_semaphore, #tpu.memory_space<semaphore_mem>>)
        } else {
        }
      } else {
      }
      %mul3A_233 = arith.constant 5 : i32
      %mul3A_234 = arith.muli %mul3A_233, %add3A_224 : i32
      %add3A_235 = arith.constant 1 : i32
      %add3A_236 = arith.addi %mul3A_234, %add3A_235 : i32
      %lt3A_237 = arith.cmpi slt, %add3A_236, %select_n3A : i32
      %convert_element_type3A_238 = arith.extui %lt3A_237 : i1 to i32
      %cond3A_239 = arith.constant 0 : i32
      %cond3A_240 = arith.cmpi ne, %convert_element_type3A_238, %cond3A_239 : i32
      scf.if %cond3A_240 {
        %add3A_265 = arith.constant 3 : i32
        %add3A_266 = arith.addi %add3A_236, %add3A_265 : i32
        %lt3A_267 = arith.cmpi slt, %add3A_266, %select_n3A : i32
        %convert_element_type3A_268 = arith.extui %lt3A_267 : i1 to i32
        %cond3A_269 = arith.constant 0 : i32
        %cond3A_270 = arith.cmpi ne, %convert_element_type3A_268, %cond3A_269 : i32
        scf.if %cond3A_270 {
          %add3A_287 = arith.constant 3 : i32
          %add3A_288 = arith.addi %add3A_236, %add3A_287 : i32
          %mul3A_289 = arith.constant 32 : i32
          %mul3A_290 = arith.muli %add3A_288, %mul3A_289 : i32
          %add3A_291 = arith.addi %add3A, %mul3A_290 : i32
          %mul3A_292 = arith.constant 64 : i32
          %mul3A_293 = arith.muli %add3A_291, %mul3A_292 : i32
          %multiple_of3A_294 = tpu.assume_multiple %mul3A_293, 8 : i32
          %dma_wait3A_295 = tpu.memref_slice %arg3[%multiple_of3A_294] : memref<320000xi32, #tpu.memory_space<hbm>> -> memref<64xi32, #tpu.memory_space<hbm>>
          %dma_wait3A_296 = tpu.memref_slice %arg3[%multiple_of3A_294] : memref<320000xi32, #tpu.memory_space<hbm>> -> memref<64xi32, #tpu.memory_space<hbm>>
          tpu.wait_dma2 semaphore(%arg32 : memref<!tpu.dma_semaphore, #tpu.memory_space<semaphore_mem>>) src(%dma_wait3A_296 : memref<64xi32, #tpu.memory_space<hbm>>) dst(%arg11 : memref<64xi32, #tpu.memory_space<vmem>>)
          %dma_wait3A_297 = tpu.memref_slice %arg4[%multiple_of3A_294] : memref<320000xi32, #tpu.memory_space<hbm>> -> memref<64xi32, #tpu.memory_space<hbm>>
          %dma_wait3A_298 = tpu.memref_slice %arg4[%multiple_of3A_294] : memref<320000xi32, #tpu.memory_space<hbm>> -> memref<64xi32, #tpu.memory_space<hbm>>
          tpu.wait_dma2 semaphore(%arg32 : memref<!tpu.dma_semaphore, #tpu.memory_space<semaphore_mem>>) src(%dma_wait3A_298 : memref<64xi32, #tpu.memory_space<hbm>>) dst(%arg16 : memref<64xi32, #tpu.memory_space<vmem>>)
          %dma_start3A_299 = arith.constant 0 : i32
          %dma_start3A_300 = arith.constant 0 : i32
          %dma_start3A_301 = tpu.memref_slice %arg5[%dma_start3A_299, %dma_start3A_300] : memref<10000x128xf32, #tpu.memory_space<hbm>> -> memref<10000x128xf32, #tpu.memory_space<hbm>>
          tpu.enqueue_indirect_dma source(%dma_start3A_301 : memref<10000x128xf32, #tpu.memory_space<hbm>>) target(%arg21 : memref<64x128xf32, #tpu.memory_space<vmem>>) offsets(%arg11 : memref<64xi32, #tpu.memory_space<vmem>>) semaphore(%arg26 : memref<!tpu.dma_semaphore, #tpu.memory_space<semaphore_mem>>)
        } else {
        }
        %dma_wait3A = arith.constant 0 : i32
        %dma_wait3A_271 = arith.constant 0 : i32
        %dma_wait3A_272 = tpu.memref_slice %arg5[%dma_wait3A, %dma_wait3A_271] : memref<10000x128xf32, #tpu.memory_space<hbm>> -> memref<10000x128xf32, #tpu.memory_space<hbm>>
        tpu.wait_indirect_dma semaphore(%arg23 : memref<!tpu.dma_semaphore, #tpu.memory_space<semaphore_mem>>) src(%dma_wait3A_272 : memref<10000x128xf32, #tpu.memory_space<hbm>>) dst(%arg18 : memref<64x128xf32, #tpu.memory_space<vmem>>)
        %dma_start3A = arith.constant 0 : i32
        %dma_start3A_273 = arith.constant 0 : i32
        %dma_start3A_274 = tpu.memref_slice %arg33[%dma_start3A, %dma_start3A_273] : memref<10000x128xf32, #tpu.memory_space<vmem_shared>> -> memref<10000x128xf32, #tpu.memory_space<vmem_shared>>
        tpu.enqueue_indirect_dma source(%arg18 : memref<64x128xf32, #tpu.memory_space<vmem>>) target(%dma_start3A_274 : memref<10000x128xf32, #tpu.memory_space<vmem_shared>>) offsets(%arg13 : memref<64xi32, #tpu.memory_space<vmem>>) semaphore(%arg28 : memref<!tpu.dma_semaphore, #tpu.memory_space<semaphore_mem>>) {add = true}
        %ge3A = arith.constant 1 : i32
        %ge3A_275 = arith.cmpi sge, %add3A_236, %ge3A : i32
        %convert_element_type3A_276 = arith.extui %ge3A_275 : i1 to i32
        %cond3A_277 = arith.constant 0 : i32
        %cond3A_278 = arith.cmpi ne, %convert_element_type3A_276, %cond3A_277 : i32
        scf.if %cond3A_278 {
          %dma_wait3A_287 = arith.constant 0 : i32
          %dma_wait3A_288 = arith.constant 0 : i32
          %dma_wait3A_289 = tpu.memref_slice %arg33[%dma_wait3A_287, %dma_wait3A_288] : memref<10000x128xf32, #tpu.memory_space<vmem_shared>> -> memref<10000x128xf32, #tpu.memory_space<vmem_shared>>
          tpu.wait_indirect_dma semaphore(%arg27 : memref<!tpu.dma_semaphore, #tpu.memory_space<semaphore_mem>>) src(%arg17 : memref<64x128xf32, #tpu.memory_space<vmem>>) dst(%dma_wait3A_289 : memref<10000x128xf32, #tpu.memory_space<vmem_shared>>)
        } else {
        }
        %add3A_279 = arith.constant 5 : i32
        %add3A_280 = arith.addi %add3A_236, %add3A_279 : i32
        %sub3A_281 = arith.constant 1 : i32
        %sub3A_282 = arith.subi %add3A_280, %sub3A_281 : i32
        %lt3A_283 = arith.cmpi slt, %sub3A_282, %select_n3A : i32
        %convert_element_type3A_284 = arith.extui %lt3A_283 : i1 to i32
        %cond3A_285 = arith.constant 0 : i32
        %cond3A_286 = arith.cmpi ne, %convert_element_type3A_284, %cond3A_285 : i32
        scf.if %cond3A_286 {
          %add3A_287 = arith.constant 5 : i32
          %add3A_288 = arith.addi %add3A_236, %add3A_287 : i32
          %sub3A_289 = arith.constant 1 : i32
          %sub3A_290 = arith.subi %add3A_288, %sub3A_289 : i32
          %mul3A_291 = arith.constant 32 : i32
          %mul3A_292 = arith.muli %sub3A_290, %mul3A_291 : i32
          %add3A_293 = arith.addi %add3A, %mul3A_292 : i32
          %mul3A_294 = arith.constant 64 : i32
          %mul3A_295 = arith.muli %add3A_293, %mul3A_294 : i32
          %multiple_of3A_296 = tpu.assume_multiple %mul3A_295, 8 : i32
          %dma_start3A_297 = tpu.memref_slice %arg3[%multiple_of3A_296] : memref<320000xi32, #tpu.memory_space<hbm>> -> memref<64xi32, #tpu.memory_space<hbm>>
          %dma_start3A_298 = tpu.memref_slice %arg3[%multiple_of3A_296] : memref<320000xi32, #tpu.memory_space<hbm>> -> memref<64xi32, #tpu.memory_space<hbm>>
          tpu.enqueue_dma source(%dma_start3A_298 : memref<64xi32, #tpu.memory_space<hbm>>) target(%arg7 : memref<64xi32, #tpu.memory_space<vmem>>) target_semaphore(%arg32 : memref<!tpu.dma_semaphore, #tpu.memory_space<semaphore_mem>>)
          %dma_start3A_299 = tpu.memref_slice %arg4[%multiple_of3A_296] : memref<320000xi32, #tpu.memory_space<hbm>> -> memref<64xi32, #tpu.memory_space<hbm>>
          %dma_start3A_300 = tpu.memref_slice %arg4[%multiple_of3A_296] : memref<320000xi32, #tpu.memory_space<hbm>> -> memref<64xi32, #tpu.memory_space<hbm>>
          tpu.enqueue_dma source(%dma_start3A_300 : memref<64xi32, #tpu.memory_space<hbm>>) target(%arg12 : memref<64xi32, #tpu.memory_space<vmem>>) target_semaphore(%arg32 : memref<!tpu.dma_semaphore, #tpu.memory_space<semaphore_mem>>)
        } else {
        }
      } else {
      }
      %mul3A_241 = arith.constant 5 : i32
      %mul3A_242 = arith.muli %mul3A_241, %add3A_224 : i32
      %add3A_243 = arith.constant 2 : i32
      %add3A_244 = arith.addi %mul3A_242, %add3A_243 : i32
      %lt3A_245 = arith.cmpi slt, %add3A_244, %select_n3A : i32
      %convert_element_type3A_246 = arith.extui %lt3A_245 : i1 to i32
      %cond3A_247 = arith.constant 0 : i32
      %cond3A_248 = arith.cmpi ne, %convert_element_type3A_246, %cond3A_247 : i32
      scf.if %cond3A_248 {
        %add3A_265 = arith.constant 3 : i32
        %add3A_266 = arith.addi %add3A_244, %add3A_265 : i32
        %lt3A_267 = arith.cmpi slt, %add3A_266, %select_n3A : i32
        %convert_element_type3A_268 = arith.extui %lt3A_267 : i1 to i32
        %cond3A_269 = arith.constant 0 : i32
        %cond3A_270 = arith.cmpi ne, %convert_element_type3A_268, %cond3A_269 : i32
        scf.if %cond3A_270 {
          %add3A_287 = arith.constant 3 : i32
          %add3A_288 = arith.addi %add3A_244, %add3A_287 : i32
          %mul3A_289 = arith.constant 32 : i32
          %mul3A_290 = arith.muli %add3A_288, %mul3A_289 : i32
          %add3A_291 = arith.addi %add3A, %mul3A_290 : i32
          %mul3A_292 = arith.constant 64 : i32
          %mul3A_293 = arith.muli %add3A_291, %mul3A_292 : i32
          %multiple_of3A_294 = tpu.assume_multiple %mul3A_293, 8 : i32
          %dma_wait3A_295 = tpu.memref_slice %arg3[%multiple_of3A_294] : memref<320000xi32, #tpu.memory_space<hbm>> -> memref<64xi32, #tpu.memory_space<hbm>>
          %dma_wait3A_296 = tpu.memref_slice %arg3[%multiple_of3A_294] : memref<320000xi32, #tpu.memory_space<hbm>> -> memref<64xi32, #tpu.memory_space<hbm>>
          tpu.wait_dma2 semaphore(%arg32 : memref<!tpu.dma_semaphore, #tpu.memory_space<semaphore_mem>>) src(%dma_wait3A_296 : memref<64xi32, #tpu.memory_space<hbm>>) dst(%arg7 : memref<64xi32, #tpu.memory_space<vmem>>)
          %dma_wait3A_297 = tpu.memref_slice %arg4[%multiple_of3A_294] : memref<320000xi32, #tpu.memory_space<hbm>> -> memref<64xi32, #tpu.memory_space<hbm>>
          %dma_wait3A_298 = tpu.memref_slice %arg4[%multiple_of3A_294] : memref<320000xi32, #tpu.memory_space<hbm>> -> memref<64xi32, #tpu.memory_space<hbm>>
          tpu.wait_dma2 semaphore(%arg32 : memref<!tpu.dma_semaphore, #tpu.memory_space<semaphore_mem>>) src(%dma_wait3A_298 : memref<64xi32, #tpu.memory_space<hbm>>) dst(%arg12 : memref<64xi32, #tpu.memory_space<vmem>>)
          %dma_start3A_299 = arith.constant 0 : i32
          %dma_start3A_300 = arith.constant 0 : i32
          %dma_start3A_301 = tpu.memref_slice %arg5[%dma_start3A_299, %dma_start3A_300] : memref<10000x128xf32, #tpu.memory_space<hbm>> -> memref<10000x128xf32, #tpu.memory_space<hbm>>
          tpu.enqueue_indirect_dma source(%dma_start3A_301 : memref<10000x128xf32, #tpu.memory_space<hbm>>) target(%arg17 : memref<64x128xf32, #tpu.memory_space<vmem>>) offsets(%arg7 : memref<64xi32, #tpu.memory_space<vmem>>) semaphore(%arg22 : memref<!tpu.dma_semaphore, #tpu.memory_space<semaphore_mem>>)
        } else {
        }
        %dma_wait3A = arith.constant 0 : i32
        %dma_wait3A_271 = arith.constant 0 : i32
        %dma_wait3A_272 = tpu.memref_slice %arg5[%dma_wait3A, %dma_wait3A_271] : memref<10000x128xf32, #tpu.memory_space<hbm>> -> memref<10000x128xf32, #tpu.memory_space<hbm>>
        tpu.wait_indirect_dma semaphore(%arg24 : memref<!tpu.dma_semaphore, #tpu.memory_space<semaphore_mem>>) src(%dma_wait3A_272 : memref<10000x128xf32, #tpu.memory_space<hbm>>) dst(%arg19 : memref<64x128xf32, #tpu.memory_space<vmem>>)
        %dma_start3A = arith.constant 0 : i32
        %dma_start3A_273 = arith.constant 0 : i32
        %dma_start3A_274 = tpu.memref_slice %arg33[%dma_start3A, %dma_start3A_273] : memref<10000x128xf32, #tpu.memory_space<vmem_shared>> -> memref<10000x128xf32, #tpu.memory_space<vmem_shared>>
        tpu.enqueue_indirect_dma source(%arg19 : memref<64x128xf32, #tpu.memory_space<vmem>>) target(%dma_start3A_274 : memref<10000x128xf32, #tpu.memory_space<vmem_shared>>) offsets(%arg14 : memref<64xi32, #tpu.memory_space<vmem>>) semaphore(%arg29 : memref<!tpu.dma_semaphore, #tpu.memory_space<semaphore_mem>>) {add = true}
        %ge3A = arith.constant 1 : i32
        %ge3A_275 = arith.cmpi sge, %add3A_244, %ge3A : i32
        %convert_element_type3A_276 = arith.extui %ge3A_275 : i1 to i32
        %cond3A_277 = arith.constant 0 : i32
        %cond3A_278 = arith.cmpi ne, %convert_element_type3A_276, %cond3A_277 : i32
        scf.if %cond3A_278 {
          %dma_wait3A_287 = arith.constant 0 : i32
          %dma_wait3A_288 = arith.constant 0 : i32
          %dma_wait3A_289 = tpu.memref_slice %arg33[%dma_wait3A_287, %dma_wait3A_288] : memref<10000x128xf32, #tpu.memory_space<vmem_shared>> -> memref<10000x128xf32, #tpu.memory_space<vmem_shared>>
          tpu.wait_indirect_dma semaphore(%arg28 : memref<!tpu.dma_semaphore, #tpu.memory_space<semaphore_mem>>) src(%arg18 : memref<64x128xf32, #tpu.memory_space<vmem>>) dst(%dma_wait3A_289 : memref<10000x128xf32, #tpu.memory_space<vmem_shared>>)
        } else {
        }
        %add3A_279 = arith.constant 5 : i32
        %add3A_280 = arith.addi %add3A_244, %add3A_279 : i32
        %sub3A_281 = arith.constant 1 : i32
        %sub3A_282 = arith.subi %add3A_280, %sub3A_281 : i32
        %lt3A_283 = arith.cmpi slt, %sub3A_282, %select_n3A : i32
        %convert_element_type3A_284 = arith.extui %lt3A_283 : i1 to i32
        %cond3A_285 = arith.constant 0 : i32
        %cond3A_286 = arith.cmpi ne, %convert_element_type3A_284, %cond3A_285 : i32
        scf.if %cond3A_286 {
          %add3A_287 = arith.constant 5 : i32
          %add3A_288 = arith.addi %add3A_244, %add3A_287 : i32
          %sub3A_289 = arith.constant 1 : i32
          %sub3A_290 = arith.subi %add3A_288, %sub3A_289 : i32
          %mul3A_291 = arith.constant 32 : i32
          %mul3A_292 = arith.muli %sub3A_290, %mul3A_291 : i32
          %add3A_293 = arith.addi %add3A, %mul3A_292 : i32
          %mul3A_294 = arith.constant 64 : i32
          %mul3A_295 = arith.muli %add3A_293, %mul3A_294 : i32
          %multiple_of3A_296 = tpu.assume_multiple %mul3A_295, 8 : i32
          %dma_start3A_297 = tpu.memref_slice %arg3[%multiple_of3A_296] : memref<320000xi32, #tpu.memory_space<hbm>> -> memref<64xi32, #tpu.memory_space<hbm>>
          %dma_start3A_298 = tpu.memref_slice %arg3[%multiple_of3A_296] : memref<320000xi32, #tpu.memory_space<hbm>> -> memref<64xi32, #tpu.memory_space<hbm>>
          tpu.enqueue_dma source(%dma_start3A_298 : memref<64xi32, #tpu.memory_space<hbm>>) target(%arg8 : memref<64xi32, #tpu.memory_space<vmem>>) target_semaphore(%arg32 : memref<!tpu.dma_semaphore, #tpu.memory_space<semaphore_mem>>)
          %dma_start3A_299 = tpu.memref_slice %arg4[%multiple_of3A_296] : memref<320000xi32, #tpu.memory_space<hbm>> -> memref<64xi32, #tpu.memory_space<hbm>>
          %dma_start3A_300 = tpu.memref_slice %arg4[%multiple_of3A_296] : memref<320000xi32, #tpu.memory_space<hbm>> -> memref<64xi32, #tpu.memory_space<hbm>>
          tpu.enqueue_dma source(%dma_start3A_300 : memref<64xi32, #tpu.memory_space<hbm>>) target(%arg13 : memref<64xi32, #tpu.memory_space<vmem>>) target_semaphore(%arg32 : memref<!tpu.dma_semaphore, #tpu.memory_space<semaphore_mem>>)
        } else {
        }
      } else {
      }
      %mul3A_249 = arith.constant 5 : i32
      %mul3A_250 = arith.muli %mul3A_249, %add3A_224 : i32
      %add3A_251 = arith.constant 3 : i32
      %add3A_252 = arith.addi %mul3A_250, %add3A_251 : i32
      %lt3A_253 = arith.cmpi slt, %add3A_252, %select_n3A : i32
      %convert_element_type3A_254 = arith.extui %lt3A_253 : i1 to i32
      %cond3A_255 = arith.constant 0 : i32
      %cond3A_256 = arith.cmpi ne, %convert_element_type3A_254, %cond3A_255 : i32
      scf.if %cond3A_256 {
        %add3A_265 = arith.constant 3 : i32
        %add3A_266 = arith.addi %add3A_252, %add3A_265 : i32
        %lt3A_267 = arith.cmpi slt, %add3A_266, %select_n3A : i32
        %convert_element_type3A_268 = arith.extui %lt3A_267 : i1 to i32
        %cond3A_269 = arith.constant 0 : i32
        %cond3A_270 = arith.cmpi ne, %convert_element_type3A_268, %cond3A_269 : i32
        scf.if %cond3A_270 {
          %add3A_287 = arith.constant 3 : i32
          %add3A_288 = arith.addi %add3A_252, %add3A_287 : i32
          %mul3A_289 = arith.constant 32 : i32
          %mul3A_290 = arith.muli %add3A_288, %mul3A_289 : i32
          %add3A_291 = arith.addi %add3A, %mul3A_290 : i32
          %mul3A_292 = arith.constant 64 : i32
          %mul3A_293 = arith.muli %add3A_291, %mul3A_292 : i32
          %multiple_of3A_294 = tpu.assume_multiple %mul3A_293, 8 : i32
          %dma_wait3A_295 = tpu.memref_slice %arg3[%multiple_of3A_294] : memref<320000xi32, #tpu.memory_space<hbm>> -> memref<64xi32, #tpu.memory_space<hbm>>
          %dma_wait3A_296 = tpu.memref_slice %arg3[%multiple_of3A_294] : memref<320000xi32, #tpu.memory_space<hbm>> -> memref<64xi32, #tpu.memory_space<hbm>>
          tpu.wait_dma2 semaphore(%arg32 : memref<!tpu.dma_semaphore, #tpu.memory_space<semaphore_mem>>) src(%dma_wait3A_296 : memref<64xi32, #tpu.memory_space<hbm>>) dst(%arg8 : memref<64xi32, #tpu.memory_space<vmem>>)
          %dma_wait3A_297 = tpu.memref_slice %arg4[%multiple_of3A_294] : memref<320000xi32, #tpu.memory_space<hbm>> -> memref<64xi32, #tpu.memory_space<hbm>>
          %dma_wait3A_298 = tpu.memref_slice %arg4[%multiple_of3A_294] : memref<320000xi32, #tpu.memory_space<hbm>> -> memref<64xi32, #tpu.memory_space<hbm>>
          tpu.wait_dma2 semaphore(%arg32 : memref<!tpu.dma_semaphore, #tpu.memory_space<semaphore_mem>>) src(%dma_wait3A_298 : memref<64xi32, #tpu.memory_space<hbm>>) dst(%arg13 : memref<64xi32, #tpu.memory_space<vmem>>)
          %dma_start3A_299 = arith.constant 0 : i32
          %dma_start3A_300 = arith.constant 0 : i32
          %dma_start3A_301 = tpu.memref_slice %arg5[%dma_start3A_299, %dma_start3A_300] : memref<10000x128xf32, #tpu.memory_space<hbm>> -> memref<10000x128xf32, #tpu.memory_space<hbm>>
          tpu.enqueue_indirect_dma source(%dma_start3A_301 : memref<10000x128xf32, #tpu.memory_space<hbm>>) target(%arg18 : memref<64x128xf32, #tpu.memory_space<vmem>>) offsets(%arg8 : memref<64xi32, #tpu.memory_space<vmem>>) semaphore(%arg23 : memref<!tpu.dma_semaphore, #tpu.memory_space<semaphore_mem>>)
        } else {
        }
        %dma_wait3A = arith.constant 0 : i32
        %dma_wait3A_271 = arith.constant 0 : i32
        %dma_wait3A_272 = tpu.memref_slice %arg5[%dma_wait3A, %dma_wait3A_271] : memref<10000x128xf32, #tpu.memory_space<hbm>> -> memref<10000x128xf32, #tpu.memory_space<hbm>>
        tpu.wait_indirect_dma semaphore(%arg25 : memref<!tpu.dma_semaphore, #tpu.memory_space<semaphore_mem>>) src(%dma_wait3A_272 : memref<10000x128xf32, #tpu.memory_space<hbm>>) dst(%arg20 : memref<64x128xf32, #tpu.memory_space<vmem>>)
        %dma_start3A = arith.constant 0 : i32
        %dma_start3A_273 = arith.constant 0 : i32
        %dma_start3A_274 = tpu.memref_slice %arg33[%dma_start3A, %dma_start3A_273] : memref<10000x128xf32, #tpu.memory_space<vmem_shared>> -> memref<10000x128xf32, #tpu.memory_space<vmem_shared>>
        tpu.enqueue_indirect_dma source(%arg20 : memref<64x128xf32, #tpu.memory_space<vmem>>) target(%dma_start3A_274 : memref<10000x128xf32, #tpu.memory_space<vmem_shared>>) offsets(%arg15 : memref<64xi32, #tpu.memory_space<vmem>>) semaphore(%arg30 : memref<!tpu.dma_semaphore, #tpu.memory_space<semaphore_mem>>) {add = true}
        %ge3A = arith.constant 1 : i32
        %ge3A_275 = arith.cmpi sge, %add3A_252, %ge3A : i32
        %convert_element_type3A_276 = arith.extui %ge3A_275 : i1 to i32
        %cond3A_277 = arith.constant 0 : i32
        %cond3A_278 = arith.cmpi ne, %convert_element_type3A_276, %cond3A_277 : i32
        scf.if %cond3A_278 {
          %dma_wait3A_287 = arith.constant 0 : i32
          %dma_wait3A_288 = arith.constant 0 : i32
          %dma_wait3A_289 = tpu.memref_slice %arg33[%dma_wait3A_287, %dma_wait3A_288] : memref<10000x128xf32, #tpu.memory_space<vmem_shared>> -> memref<10000x128xf32, #tpu.memory_space<vmem_shared>>
          tpu.wait_indirect_dma semaphore(%arg29 : memref<!tpu.dma_semaphore, #tpu.memory_space<semaphore_mem>>) src(%arg19 : memref<64x128xf32, #tpu.memory_space<vmem>>) dst(%dma_wait3A_289 : memref<10000x128xf32, #tpu.memory_space<vmem_shared>>)
        } else {
        }
        %add3A_279 = arith.constant 5 : i32
        %add3A_280 = arith.addi %add3A_252, %add3A_279 : i32
        %sub3A_281 = arith.constant 1 : i32
        %sub3A_282 = arith.subi %add3A_280, %sub3A_281 : i32
        %lt3A_283 = arith.cmpi slt, %sub3A_282, %select_n3A : i32
        %convert_element_type3A_284 = arith.extui %lt3A_283 : i1 to i32
        %cond3A_285 = arith.constant 0 : i32
        %cond3A_286 = arith.cmpi ne, %convert_element_type3A_284, %cond3A_285 : i32
        scf.if %cond3A_286 {
          %add3A_287 = arith.constant 5 : i32
          %add3A_288 = arith.addi %add3A_252, %add3A_287 : i32
          %sub3A_289 = arith.constant 1 : i32
          %sub3A_290 = arith.subi %add3A_288, %sub3A_289 : i32
          %mul3A_291 = arith.constant 32 : i32
          %mul3A_292 = arith.muli %sub3A_290, %mul3A_291 : i32
          %add3A_293 = arith.addi %add3A, %mul3A_292 : i32
          %mul3A_294 = arith.constant 64 : i32
          %mul3A_295 = arith.muli %add3A_293, %mul3A_294 : i32
          %multiple_of3A_296 = tpu.assume_multiple %mul3A_295, 8 : i32
          %dma_start3A_297 = tpu.memref_slice %arg3[%multiple_of3A_296] : memref<320000xi32, #tpu.memory_space<hbm>> -> memref<64xi32, #tpu.memory_space<hbm>>
          %dma_start3A_298 = tpu.memref_slice %arg3[%multiple_of3A_296] : memref<320000xi32, #tpu.memory_space<hbm>> -> memref<64xi32, #tpu.memory_space<hbm>>
          tpu.enqueue_dma source(%dma_start3A_298 : memref<64xi32, #tpu.memory_space<hbm>>) target(%arg9 : memref<64xi32, #tpu.memory_space<vmem>>) target_semaphore(%arg32 : memref<!tpu.dma_semaphore, #tpu.memory_space<semaphore_mem>>)
          %dma_start3A_299 = tpu.memref_slice %arg4[%multiple_of3A_296] : memref<320000xi32, #tpu.memory_space<hbm>> -> memref<64xi32, #tpu.memory_space<hbm>>
          %dma_start3A_300 = tpu.memref_slice %arg4[%multiple_of3A_296] : memref<320000xi32, #tpu.memory_space<hbm>> -> memref<64xi32, #tpu.memory_space<hbm>>
          tpu.enqueue_dma source(%dma_start3A_300 : memref<64xi32, #tpu.memory_space<hbm>>) target(%arg14 : memref<64xi32, #tpu.memory_space<vmem>>) target_semaphore(%arg32 : memref<!tpu.dma_semaphore, #tpu.memory_space<semaphore_mem>>)
        } else {
        }
      } else {
      }
      %mul3A_257 = arith.constant 5 : i32
      %mul3A_258 = arith.muli %mul3A_257, %add3A_224 : i32
      %add3A_259 = arith.constant 4 : i32
      %add3A_260 = arith.addi %mul3A_258, %add3A_259 : i32
      %lt3A_261 = arith.cmpi slt, %add3A_260, %select_n3A : i32
      %convert_element_type3A_262 = arith.extui %lt3A_261 : i1 to i32
      %cond3A_263 = arith.constant 0 : i32
      %cond3A_264 = arith.cmpi ne, %convert_element_type3A_262, %cond3A_263 : i32
      scf.if %cond3A_264 {
        %add3A_265 = arith.constant 3 : i32
        %add3A_266 = arith.addi %add3A_260, %add3A_265 : i32
        %lt3A_267 = arith.cmpi slt, %add3A_266, %select_n3A : i32
        %convert_element_type3A_268 = arith.extui %lt3A_267 : i1 to i32
        %cond3A_269 = arith.constant 0 : i32
        %cond3A_270 = arith.cmpi ne, %convert_element_type3A_268, %cond3A_269 : i32
        scf.if %cond3A_270 {
          %add3A_287 = arith.constant 3 : i32
          %add3A_288 = arith.addi %add3A_260, %add3A_287 : i32
          %mul3A_289 = arith.constant 32 : i32
          %mul3A_290 = arith.muli %add3A_288, %mul3A_289 : i32
          %add3A_291 = arith.addi %add3A, %mul3A_290 : i32
          %mul3A_292 = arith.constant 64 : i32
          %mul3A_293 = arith.muli %add3A_291, %mul3A_292 : i32
          %multiple_of3A_294 = tpu.assume_multiple %mul3A_293, 8 : i32
          %dma_wait3A_295 = tpu.memref_slice %arg3[%multiple_of3A_294] : memref<320000xi32, #tpu.memory_space<hbm>> -> memref<64xi32, #tpu.memory_space<hbm>>
          %dma_wait3A_296 = tpu.memref_slice %arg3[%multiple_of3A_294] : memref<320000xi32, #tpu.memory_space<hbm>> -> memref<64xi32, #tpu.memory_space<hbm>>
          tpu.wait_dma2 semaphore(%arg32 : memref<!tpu.dma_semaphore, #tpu.memory_space<semaphore_mem>>) src(%dma_wait3A_296 : memref<64xi32, #tpu.memory_space<hbm>>) dst(%arg9 : memref<64xi32, #tpu.memory_space<vmem>>)
          %dma_wait3A_297 = tpu.memref_slice %arg4[%multiple_of3A_294] : memref<320000xi32, #tpu.memory_space<hbm>> -> memref<64xi32, #tpu.memory_space<hbm>>
          %dma_wait3A_298 = tpu.memref_slice %arg4[%multiple_of3A_294] : memref<320000xi32, #tpu.memory_space<hbm>> -> memref<64xi32, #tpu.memory_space<hbm>>
          tpu.wait_dma2 semaphore(%arg32 : memref<!tpu.dma_semaphore, #tpu.memory_space<semaphore_mem>>) src(%dma_wait3A_298 : memref<64xi32, #tpu.memory_space<hbm>>) dst(%arg14 : memref<64xi32, #tpu.memory_space<vmem>>)
          %dma_start3A_299 = arith.constant 0 : i32
          %dma_start3A_300 = arith.constant 0 : i32
          %dma_start3A_301 = tpu.memref_slice %arg5[%dma_start3A_299, %dma_start3A_300] : memref<10000x128xf32, #tpu.memory_space<hbm>> -> memref<10000x128xf32, #tpu.memory_space<hbm>>
          tpu.enqueue_indirect_dma source(%dma_start3A_301 : memref<10000x128xf32, #tpu.memory_space<hbm>>) target(%arg19 : memref<64x128xf32, #tpu.memory_space<vmem>>) offsets(%arg9 : memref<64xi32, #tpu.memory_space<vmem>>) semaphore(%arg24 : memref<!tpu.dma_semaphore, #tpu.memory_space<semaphore_mem>>)
        } else {
        }
        %dma_wait3A = arith.constant 0 : i32
        %dma_wait3A_271 = arith.constant 0 : i32
        %dma_wait3A_272 = tpu.memref_slice %arg5[%dma_wait3A, %dma_wait3A_271] : memref<10000x128xf32, #tpu.memory_space<hbm>> -> memref<10000x128xf32, #tpu.memory_space<hbm>>
        tpu.wait_indirect_dma semaphore(%arg26 : memref<!tpu.dma_semaphore, #tpu.memory_space<semaphore_mem>>) src(%dma_wait3A_272 : memref<10000x128xf32, #tpu.memory_space<hbm>>) dst(%arg21 : memref<64x128xf32, #tpu.memory_space<vmem>>)
        %dma_start3A = arith.constant 0 : i32
        %dma_start3A_273 = arith.constant 0 : i32
        %dma_start3A_274 = tpu.memref_slice %arg33[%dma_start3A, %dma_start3A_273] : memref<10000x128xf32, #tpu.memory_space<vmem_shared>> -> memref<10000x128xf32, #tpu.memory_space<vmem_shared>>
        tpu.enqueue_indirect_dma source(%arg21 : memref<64x128xf32, #tpu.memory_space<vmem>>) target(%dma_start3A_274 : memref<10000x128xf32, #tpu.memory_space<vmem_shared>>) offsets(%arg16 : memref<64xi32, #tpu.memory_space<vmem>>) semaphore(%arg31 : memref<!tpu.dma_semaphore, #tpu.memory_space<semaphore_mem>>) {add = true}
        %ge3A = arith.constant 1 : i32
        %ge3A_275 = arith.cmpi sge, %add3A_260, %ge3A : i32
        %convert_element_type3A_276 = arith.extui %ge3A_275 : i1 to i32
        %cond3A_277 = arith.constant 0 : i32
        %cond3A_278 = arith.cmpi ne, %convert_element_type3A_276, %cond3A_277 : i32
        scf.if %cond3A_278 {
          %dma_wait3A_287 = arith.constant 0 : i32
          %dma_wait3A_288 = arith.constant 0 : i32
          %dma_wait3A_289 = tpu.memref_slice %arg33[%dma_wait3A_287, %dma_wait3A_288] : memref<10000x128xf32, #tpu.memory_space<vmem_shared>> -> memref<10000x128xf32, #tpu.memory_space<vmem_shared>>
          tpu.wait_indirect_dma semaphore(%arg30 : memref<!tpu.dma_semaphore, #tpu.memory_space<semaphore_mem>>) src(%arg20 : memref<64x128xf32, #tpu.memory_space<vmem>>) dst(%dma_wait3A_289 : memref<10000x128xf32, #tpu.memory_space<vmem_shared>>)
        } else {
        }
        %add3A_279 = arith.constant 5 : i32
        %add3A_280 = arith.addi %add3A_260, %add3A_279 : i32
        %sub3A_281 = arith.constant 1 : i32
        %sub3A_282 = arith.subi %add3A_280, %sub3A_281 : i32
        %lt3A_283 = arith.cmpi slt, %sub3A_282, %select_n3A : i32
        %convert_element_type3A_284 = arith.extui %lt3A_283 : i1 to i32
        %cond3A_285 = arith.constant 0 : i32
        %cond3A_286 = arith.cmpi ne, %convert_element_type3A_284, %cond3A_285 : i32
        scf.if %cond3A_286 {
          %add3A_287 = arith.constant 5 : i32
          %add3A_288 = arith.addi %add3A_260, %add3A_287 : i32
          %sub3A_289 = arith.constant 1 : i32
          %sub3A_290 = arith.subi %add3A_288, %sub3A_289 : i32
          %mul3A_291 = arith.constant 32 : i32
          %mul3A_292 = arith.muli %sub3A_290, %mul3A_291 : i32
          %add3A_293 = arith.addi %add3A, %mul3A_292 : i32
          %mul3A_294 = arith.constant 64 : i32
          %mul3A_295 = arith.muli %add3A_293, %mul3A_294 : i32
          %multiple_of3A_296 = tpu.assume_multiple %mul3A_295, 8 : i32
          %dma_start3A_297 = tpu.memref_slice %arg3[%multiple_of3A_296] : memref<320000xi32, #tpu.memory_space<hbm>> -> memref<64xi32, #tpu.memory_space<hbm>>
          %dma_start3A_298 = tpu.memref_slice %arg3[%multiple_of3A_296] : memref<320000xi32, #tpu.memory_space<hbm>> -> memref<64xi32, #tpu.memory_space<hbm>>
          tpu.enqueue_dma source(%dma_start3A_298 : memref<64xi32, #tpu.memory_space<hbm>>) target(%arg10 : memref<64xi32, #tpu.memory_space<vmem>>) target_semaphore(%arg32 : memref<!tpu.dma_semaphore, #tpu.memory_space<semaphore_mem>>)
          %dma_start3A_299 = tpu.memref_slice %arg4[%multiple_of3A_296] : memref<320000xi32, #tpu.memory_space<hbm>> -> memref<64xi32, #tpu.memory_space<hbm>>
          %dma_start3A_300 = tpu.memref_slice %arg4[%multiple_of3A_296] : memref<320000xi32, #tpu.memory_space<hbm>> -> memref<64xi32, #tpu.memory_space<hbm>>
          tpu.enqueue_dma source(%dma_start3A_300 : memref<64xi32, #tpu.memory_space<hbm>>) target(%arg15 : memref<64xi32, #tpu.memory_space<vmem>>) target_semaphore(%arg32 : memref<!tpu.dma_semaphore, #tpu.memory_space<semaphore_mem>>)
        } else {
        }
      } else {
      }
    }
    %gt3A_82 = arith.constant 0 : i32
    %gt3A_83 = arith.cmpi sgt, %select_n3A, %gt3A_82 : i32
    %sub3A_84 = arith.constant 1 : i32
    %sub3A_85 = arith.subi %select_n3A, %sub3A_84 : i32
    %jit3A_86 = arith.constant 5 : i32
    %eq3A_87 = arith.constant 0 : i32
    %eq3A_88 = arith.cmpi eq, %jit3A_86, %eq3A_87 : i32
    %jit3A_89 = arith.constant 1 : i32
    %select_n3A_90 = arith.select %eq3A_88, %jit3A_89, %jit3A_86 : i32
    %rem3A_91 = arith.remsi %sub3A_85, %select_n3A_90 : i32
    %ne3A_92 = arith.constant 0 : i32
    %ne3A_93 = arith.cmpi ne, %rem3A_91, %ne3A_92 : i32
    %lt3A = arith.constant 0 : i32
    %lt3A_94 = arith.cmpi slt, %rem3A_91, %lt3A : i32
    %lt3A_95 = arith.constant 0 : i32
    %lt3A_96 = arith.cmpi slt, %select_n3A_90, %lt3A_95 : i32
    %ne3A_97 = arith.xori %lt3A_94, %lt3A_96 : i1
    %and3A_98 = arith.andi %ne3A_97, %ne3A_93 : i1
    %add3A_99 = arith.addi %rem3A_91, %select_n3A_90 : i32
    %select_n3A_100 = arith.select %and3A_98, %add3A_99, %rem3A_91 : i32
    %eq3A_101 = arith.constant 0 : i32
    %eq3A_102 = arith.cmpi eq, %select_n3A_100, %eq3A_101 : i32
    %and3A_103 = arith.andi %gt3A_83, %eq3A_102 : i1
    %convert_element_type3A_104 = arith.extui %and3A_103 : i1 to i32
    %cond3A_105 = arith.constant 0 : i32
    %cond3A_106 = arith.cmpi ne, %convert_element_type3A_104, %cond3A_105 : i32
    scf.if %cond3A_106 {
      %dma_wait3A = arith.constant 0 : i32
      %dma_wait3A_222 = arith.constant 0 : i32
      %dma_wait3A_223 = tpu.memref_slice %arg33[%dma_wait3A, %dma_wait3A_222] : memref<10000x128xf32, #tpu.memory_space<vmem_shared>> -> memref<10000x128xf32, #tpu.memory_space<vmem_shared>>
      tpu.wait_indirect_dma semaphore(%arg27 : memref<!tpu.dma_semaphore, #tpu.memory_space<semaphore_mem>>) src(%arg17 : memref<64x128xf32, #tpu.memory_space<vmem>>) dst(%dma_wait3A_223 : memref<10000x128xf32, #tpu.memory_space<vmem_shared>>)
    } else {
    }
    %gt3A_107 = arith.constant 0 : i32
    %gt3A_108 = arith.cmpi sgt, %select_n3A, %gt3A_107 : i32
    %sub3A_109 = arith.constant 1 : i32
    %sub3A_110 = arith.subi %select_n3A, %sub3A_109 : i32
    %jit3A_111 = arith.constant 5 : i32
    %eq3A_112 = arith.constant 0 : i32
    %eq3A_113 = arith.cmpi eq, %jit3A_111, %eq3A_112 : i32
    %jit3A_114 = arith.constant 1 : i32
    %select_n3A_115 = arith.select %eq3A_113, %jit3A_114, %jit3A_111 : i32
    %rem3A_116 = arith.remsi %sub3A_110, %select_n3A_115 : i32
    %ne3A_117 = arith.constant 0 : i32
    %ne3A_118 = arith.cmpi ne, %rem3A_116, %ne3A_117 : i32
    %lt3A_119 = arith.constant 0 : i32
    %lt3A_120 = arith.cmpi slt, %rem3A_116, %lt3A_119 : i32
    %lt3A_121 = arith.constant 0 : i32
    %lt3A_122 = arith.cmpi slt, %select_n3A_115, %lt3A_121 : i32
    %ne3A_123 = arith.xori %lt3A_120, %lt3A_122 : i1
    %and3A_124 = arith.andi %ne3A_123, %ne3A_118 : i1
    %add3A_125 = arith.addi %rem3A_116, %select_n3A_115 : i32
    %select_n3A_126 = arith.select %and3A_124, %add3A_125, %rem3A_116 : i32
    %eq3A_127 = arith.constant 1 : i32
    %eq3A_128 = arith.cmpi eq, %select_n3A_126, %eq3A_127 : i32
    %and3A_129 = arith.andi %gt3A_108, %eq3A_128 : i1
    %convert_element_type3A_130 = arith.extui %and3A_129 : i1 to i32
    %cond3A_131 = arith.constant 0 : i32
    %cond3A_132 = arith.cmpi ne, %convert_element_type3A_130, %cond3A_131 : i32
    scf.if %cond3A_132 {
      %dma_wait3A = arith.constant 0 : i32
      %dma_wait3A_222 = arith.constant 0 : i32
      %dma_wait3A_223 = tpu.memref_slice %arg33[%dma_wait3A, %dma_wait3A_222] : memref<10000x128xf32, #tpu.memory_space<vmem_shared>> -> memref<10000x128xf32, #tpu.memory_space<vmem_shared>>
      tpu.wait_indirect_dma semaphore(%arg28 : memref<!tpu.dma_semaphore, #tpu.memory_space<semaphore_mem>>) src(%arg18 : memref<64x128xf32, #tpu.memory_space<vmem>>) dst(%dma_wait3A_223 : memref<10000x128xf32, #tpu.memory_space<vmem_shared>>)
    } else {
    }
    %gt3A_133 = arith.constant 0 : i32
    %gt3A_134 = arith.cmpi sgt, %select_n3A, %gt3A_133 : i32
    %sub3A_135 = arith.constant 1 : i32
    %sub3A_136 = arith.subi %select_n3A, %sub3A_135 : i32
    %jit3A_137 = arith.constant 5 : i32
    %eq3A_138 = arith.constant 0 : i32
    %eq3A_139 = arith.cmpi eq, %jit3A_137, %eq3A_138 : i32
    %jit3A_140 = arith.constant 1 : i32
    %select_n3A_141 = arith.select %eq3A_139, %jit3A_140, %jit3A_137 : i32
    %rem3A_142 = arith.remsi %sub3A_136, %select_n3A_141 : i32
    %ne3A_143 = arith.constant 0 : i32
    %ne3A_144 = arith.cmpi ne, %rem3A_142, %ne3A_143 : i32
    %lt3A_145 = arith.constant 0 : i32
    %lt3A_146 = arith.cmpi slt, %rem3A_142, %lt3A_145 : i32
    %lt3A_147 = arith.constant 0 : i32
    %lt3A_148 = arith.cmpi slt, %select_n3A_141, %lt3A_147 : i32
    %ne3A_149 = arith.xori %lt3A_146, %lt3A_148 : i1
    %and3A_150 = arith.andi %ne3A_149, %ne3A_144 : i1
    %add3A_151 = arith.addi %rem3A_142, %select_n3A_141 : i32
    %select_n3A_152 = arith.select %and3A_150, %add3A_151, %rem3A_142 : i32
    %eq3A_153 = arith.constant 2 : i32
    %eq3A_154 = arith.cmpi eq, %select_n3A_152, %eq3A_153 : i32
    %and3A_155 = arith.andi %gt3A_134, %eq3A_154 : i1
    %convert_element_type3A_156 = arith.extui %and3A_155 : i1 to i32
    %cond3A_157 = arith.constant 0 : i32
    %cond3A_158 = arith.cmpi ne, %convert_element_type3A_156, %cond3A_157 : i32
    scf.if %cond3A_158 {
      %dma_wait3A = arith.constant 0 : i32
      %dma_wait3A_222 = arith.constant 0 : i32
      %dma_wait3A_223 = tpu.memref_slice %arg33[%dma_wait3A, %dma_wait3A_222] : memref<10000x128xf32, #tpu.memory_space<vmem_shared>> -> memref<10000x128xf32, #tpu.memory_space<vmem_shared>>
      tpu.wait_indirect_dma semaphore(%arg29 : memref<!tpu.dma_semaphore, #tpu.memory_space<semaphore_mem>>) src(%arg19 : memref<64x128xf32, #tpu.memory_space<vmem>>) dst(%dma_wait3A_223 : memref<10000x128xf32, #tpu.memory_space<vmem_shared>>)
    } else {
    }
    %gt3A_159 = arith.constant 0 : i32
    %gt3A_160 = arith.cmpi sgt, %select_n3A, %gt3A_159 : i32
    %sub3A_161 = arith.constant 1 : i32
    %sub3A_162 = arith.subi %select_n3A, %sub3A_161 : i32
    %jit3A_163 = arith.constant 5 : i32
    %eq3A_164 = arith.constant 0 : i32
    %eq3A_165 = arith.cmpi eq, %jit3A_163, %eq3A_164 : i32
    %jit3A_166 = arith.constant 1 : i32
    %select_n3A_167 = arith.select %eq3A_165, %jit3A_166, %jit3A_163 : i32
    %rem3A_168 = arith.remsi %sub3A_162, %select_n3A_167 : i32
    %ne3A_169 = arith.constant 0 : i32
    %ne3A_170 = arith.cmpi ne, %rem3A_168, %ne3A_169 : i32
    %lt3A_171 = arith.constant 0 : i32
    %lt3A_172 = arith.cmpi slt, %rem3A_168, %lt3A_171 : i32
    %lt3A_173 = arith.constant 0 : i32
    %lt3A_174 = arith.cmpi slt, %select_n3A_167, %lt3A_173 : i32
    %ne3A_175 = arith.xori %lt3A_172, %lt3A_174 : i1
    %and3A_176 = arith.andi %ne3A_175, %ne3A_170 : i1
    %add3A_177 = arith.addi %rem3A_168, %select_n3A_167 : i32
    %select_n3A_178 = arith.select %and3A_176, %add3A_177, %rem3A_168 : i32
    %eq3A_179 = arith.constant 3 : i32
    %eq3A_180 = arith.cmpi eq, %select_n3A_178, %eq3A_179 : i32
    %and3A_181 = arith.andi %gt3A_160, %eq3A_180 : i1
    %convert_element_type3A_182 = arith.extui %and3A_181 : i1 to i32
    %cond3A_183 = arith.constant 0 : i32
    %cond3A_184 = arith.cmpi ne, %convert_element_type3A_182, %cond3A_183 : i32
    scf.if %cond3A_184 {
      %dma_wait3A = arith.constant 0 : i32
      %dma_wait3A_222 = arith.constant 0 : i32
      %dma_wait3A_223 = tpu.memref_slice %arg33[%dma_wait3A, %dma_wait3A_222] : memref<10000x128xf32, #tpu.memory_space<vmem_shared>> -> memref<10000x128xf32, #tpu.memory_space<vmem_shared>>
      tpu.wait_indirect_dma semaphore(%arg30 : memref<!tpu.dma_semaphore, #tpu.memory_space<semaphore_mem>>) src(%arg20 : memref<64x128xf32, #tpu.memory_space<vmem>>) dst(%dma_wait3A_223 : memref<10000x128xf32, #tpu.memory_space<vmem_shared>>)
    } else {
    }
    %gt3A_185 = arith.constant 0 : i32
    %gt3A_186 = arith.cmpi sgt, %select_n3A, %gt3A_185 : i32
    %sub3A_187 = arith.constant 1 : i32
    %sub3A_188 = arith.subi %select_n3A, %sub3A_187 : i32
    %jit3A_189 = arith.constant 5 : i32
    %eq3A_190 = arith.constant 0 : i32
    %eq3A_191 = arith.cmpi eq, %jit3A_189, %eq3A_190 : i32
    %jit3A_192 = arith.constant 1 : i32
    %select_n3A_193 = arith.select %eq3A_191, %jit3A_192, %jit3A_189 : i32
    %rem3A_194 = arith.remsi %sub3A_188, %select_n3A_193 : i32
    %ne3A_195 = arith.constant 0 : i32
    %ne3A_196 = arith.cmpi ne, %rem3A_194, %ne3A_195 : i32
    %lt3A_197 = arith.constant 0 : i32
    %lt3A_198 = arith.cmpi slt, %rem3A_194, %lt3A_197 : i32
    %lt3A_199 = arith.constant 0 : i32
    %lt3A_200 = arith.cmpi slt, %select_n3A_193, %lt3A_199 : i32
    %ne3A_201 = arith.xori %lt3A_198, %lt3A_200 : i1
    %and3A_202 = arith.andi %ne3A_201, %ne3A_196 : i1
    %add3A_203 = arith.addi %rem3A_194, %select_n3A_193 : i32
    %select_n3A_204 = arith.select %and3A_202, %add3A_203, %rem3A_194 : i32
    %eq3A_205 = arith.constant 4 : i32
    %eq3A_206 = arith.cmpi eq, %select_n3A_204, %eq3A_205 : i32
    %and3A_207 = arith.andi %gt3A_186, %eq3A_206 : i1
    %convert_element_type3A_208 = arith.extui %and3A_207 : i1 to i32
    %cond3A_209 = arith.constant 0 : i32
    %cond3A_210 = arith.cmpi ne, %convert_element_type3A_208, %cond3A_209 : i32
    scf.if %cond3A_210 {
      %dma_wait3A = arith.constant 0 : i32
      %dma_wait3A_222 = arith.constant 0 : i32
      %dma_wait3A_223 = tpu.memref_slice %arg33[%dma_wait3A, %dma_wait3A_222] : memref<10000x128xf32, #tpu.memory_space<vmem_shared>> -> memref<10000x128xf32, #tpu.memory_space<vmem_shared>>
      tpu.wait_indirect_dma semaphore(%arg31 : memref<!tpu.dma_semaphore, #tpu.memory_space<semaphore_mem>>) src(%arg21 : memref<64x128xf32, #tpu.memory_space<vmem>>) dst(%dma_wait3A_223 : memref<10000x128xf32, #tpu.memory_space<vmem_shared>>)
    } else {
    }
    %barrier3A_211 = arith.constant 0 : index
    tpu.barrier barrier_id(%barrier3A_211)
    %lt3A_212 = arith.constant 15 : i32
    %lt3A_213 = arith.cmpi slt, %arg1, %lt3A_212 : i32
    %convert_element_type3A_214 = arith.extui %lt3A_213 : i1 to i32
    %cond3A_215 = arith.constant 0 : i32
    %cond3A_216 = arith.cmpi ne, %convert_element_type3A_214, %cond3A_215 : i32
    scf.if %cond3A_216 {
      "tpu.region"() ({
        %run_scoped3A = tpu.sem_alloc : memref<!tpu.dma_semaphore, #tpu.memory_space<semaphore_mem>>
        %dma_start3A = arith.constant 0 : i32
        %dma_start3A_222 = arith.constant 0 : i32
        %dma_start3A_223 = tpu.memref_slice %arg6[%arg0, %dma_start3A, %dma_start3A_222] : memref<2x10000x128xf32, #tpu.memory_space<hbm>> -> memref<1x10000x128xf32, #tpu.memory_space<hbm>>
        %dma_start3A_224 = tpu.memref_squeeze %dma_start3A_223 : memref<1x10000x128xf32, #tpu.memory_space<hbm>> -> memref<10000x128xf32, #tpu.memory_space<hbm>>
        %dma_start3A_225 = arith.constant 0 : i32
        %dma_start3A_226 = tpu.memref_slice %dma_start3A_224[%multiple_of3A, %dma_start3A_225] : memref<10000x128xf32, #tpu.memory_space<hbm>> -> memref<624x128xf32, #tpu.memory_space<hbm>>
        %dma_start3A_227 = arith.constant 0 : i32
        %dma_start3A_228 = tpu.memref_slice %arg33[%multiple_of3A, %dma_start3A_227] : memref<10000x128xf32, #tpu.memory_space<vmem_shared>> -> memref<624x128xf32, #tpu.memory_space<vmem_shared>>
        tpu.enqueue_dma source(%dma_start3A_228 : memref<624x128xf32, #tpu.memory_space<vmem_shared>>) target(%dma_start3A_226 : memref<624x128xf32, #tpu.memory_space<hbm>>) target_semaphore(%run_scoped3A : memref<!tpu.dma_semaphore, #tpu.memory_space<semaphore_mem>>)
        %dma_wait3A = arith.constant 0 : i32
        %dma_wait3A_229 = arith.constant 0 : i32
        %dma_wait3A_230 = tpu.memref_slice %arg6[%arg0, %dma_wait3A, %dma_wait3A_229] : memref<2x10000x128xf32, #tpu.memory_space<hbm>> -> memref<1x10000x128xf32, #tpu.memory_space<hbm>>
        %dma_wait3A_231 = tpu.memref_squeeze %dma_wait3A_230 : memref<1x10000x128xf32, #tpu.memory_space<hbm>> -> memref<10000x128xf32, #tpu.memory_space<hbm>>
        %dma_wait3A_232 = arith.constant 0 : i32
        %dma_wait3A_233 = tpu.memref_slice %dma_wait3A_231[%multiple_of3A, %dma_wait3A_232] : memref<10000x128xf32, #tpu.memory_space<hbm>> -> memref<624x128xf32, #tpu.memory_space<hbm>>
        %dma_wait3A_234 = arith.constant 0 : i32
        %dma_wait3A_235 = tpu.memref_slice %arg33[%multiple_of3A, %dma_wait3A_234] : memref<10000x128xf32, #tpu.memory_space<vmem_shared>> -> memref<624x128xf32, #tpu.memory_space<vmem_shared>>
        tpu.wait_dma2 semaphore(%run_scoped3A : memref<!tpu.dma_semaphore, #tpu.memory_space<semaphore_mem>>) src(%dma_wait3A_235 : memref<624x128xf32, #tpu.memory_space<vmem_shared>>) dst(%dma_wait3A_233 : memref<624x128xf32, #tpu.memory_space<hbm>>)
        tpu.yield
      }) : () -> ()
    } else {
    }
    %eq3A_217 = arith.constant 15 : i32
    %eq3A_218 = arith.cmpi eq, %arg1, %eq3A_217 : i32
    %convert_element_type3A_219 = arith.extui %eq3A_218 : i1 to i32
    %cond3A_220 = arith.constant 0 : i32
    %cond3A_221 = arith.cmpi ne, %convert_element_type3A_219, %cond3A_220 : i32
    scf.if %cond3A_221 {
      "tpu.region"() ({
        %run_scoped3A = tpu.sem_alloc : memref<!tpu.dma_semaphore, #tpu.memory_space<semaphore_mem>>
        %dma_start3A = arith.constant 0 : i32
        %dma_start3A_222 = arith.constant 0 : i32
        %dma_start3A_223 = tpu.memref_slice %arg6[%arg0, %dma_start3A, %dma_start3A_222] : memref<2x10000x128xf32, #tpu.memory_space<hbm>> -> memref<1x10000x128xf32, #tpu.memory_space<hbm>>
        %dma_start3A_224 = tpu.memref_squeeze %dma_start3A_223 : memref<1x10000x128xf32, #tpu.memory_space<hbm>> -> memref<10000x128xf32, #tpu.memory_space<hbm>>
        %dma_start3A_225 = arith.constant 9360 : i32
        %dma_start3A_226 = arith.constant 0 : i32
        %dma_start3A_227 = tpu.memref_slice %dma_start3A_224[%dma_start3A_225, %dma_start3A_226] : memref<10000x128xf32, #tpu.memory_space<hbm>> -> memref<640x128xf32, #tpu.memory_space<hbm>>
        %dma_start3A_228 = arith.constant 9360 : i32
        %dma_start3A_229 = arith.constant 0 : i32
        %dma_start3A_230 = tpu.memref_slice %arg33[%dma_start3A_228, %dma_start3A_229] : memref<10000x128xf32, #tpu.memory_space<vmem_shared>> -> memref<640x128xf32, #tpu.memory_space<vmem_shared>>
        tpu.enqueue_dma source(%dma_start3A_230 : memref<640x128xf32, #tpu.memory_space<vmem_shared>>) target(%dma_start3A_227 : memref<640x128xf32, #tpu.memory_space<hbm>>) target_semaphore(%run_scoped3A : memref<!tpu.dma_semaphore, #tpu.memory_space<semaphore_mem>>)
        %dma_wait3A = arith.constant 0 : i32
        %dma_wait3A_231 = arith.constant 0 : i32
        %dma_wait3A_232 = tpu.memref_slice %arg6[%arg0, %dma_wait3A, %dma_wait3A_231] : memref<2x10000x128xf32, #tpu.memory_space<hbm>> -> memref<1x10000x128xf32, #tpu.memory_space<hbm>>
        %dma_wait3A_233 = tpu.memref_squeeze %dma_wait3A_232 : memref<1x10000x128xf32, #tpu.memory_space<hbm>> -> memref<10000x128xf32, #tpu.memory_space<hbm>>
        %dma_wait3A_234 = arith.constant 9360 : i32
        %dma_wait3A_235 = arith.constant 0 : i32
        %dma_wait3A_236 = tpu.memref_slice %dma_wait3A_233[%dma_wait3A_234, %dma_wait3A_235] : memref<10000x128xf32, #tpu.memory_space<hbm>> -> memref<640x128xf32, #tpu.memory_space<hbm>>
        %dma_wait3A_237 = arith.constant 9360 : i32
        %dma_wait3A_238 = arith.constant 0 : i32
        %dma_wait3A_239 = tpu.memref_slice %arg33[%dma_wait3A_237, %dma_wait3A_238] : memref<10000x128xf32, #tpu.memory_space<vmem_shared>> -> memref<640x128xf32, #tpu.memory_space<vmem_shared>>
        tpu.wait_dma2 semaphore(%run_scoped3A : memref<!tpu.dma_semaphore, #tpu.memory_space<semaphore_mem>>) src(%dma_wait3A_239 : memref<640x128xf32, #tpu.memory_space<vmem_shared>>) dst(%dma_wait3A_236 : memref<640x128xf32, #tpu.memory_space<hbm>>)
        tpu.yield
      }) : () -> ()
    } else {
    }
    return
  }
}

module attributes {stable_mosaic.version = 14 : i64} {
  func.func @body(%arg0: i32, %arg1: memref<2000x128xf32, #tpu.memory_space<vmem>>, %arg2: memref<2000x128xf32, #tpu.memory_space<vmem>>, %arg3: memref<128x128xf32, #tpu.memory_space<vmem>>, %arg4: memref<1x128xf32, #tpu.memory_space<vmem>>, %arg5: memref<128x128xf32, #tpu.memory_space<vmem>>, %arg6: memref<1x128xf32, #tpu.memory_space<vmem>>, %arg7: memref<2000x128xf32, #tpu.memory_space<vmem>>) attributes {dimension_semantics = [#tpu.dimension_semantics<arbitrary>], iteration_bounds = array<i64: 5>, scalar_prefetch = 0 : i64, scratch_operands = 0 : i64, tpu.core_type = #tpu.core_type<tc>, window_params = [{transform_indices = @transform_0, window_bounds = array<i64: 2000, 128>}, {transform_indices = @transform_1, window_bounds = array<i64: 2000, 128>}, {pipeline_mode = #tpu.pipeline_mode<synchronous>, transform_indices = @transform_2, window_bounds = array<i64: 128, 128>}, {pipeline_mode = #tpu.pipeline_mode<synchronous>, transform_indices = @transform_3, window_bounds = array<i64: 1, 128>}, {pipeline_mode = #tpu.pipeline_mode<synchronous>, transform_indices = @transform_4, window_bounds = array<i64: 128, 128>}, {pipeline_mode = #tpu.pipeline_mode<synchronous>, transform_indices = @transform_5, window_bounds = array<i64: 1, 128>}, {transform_indices = @transform_6, window_bounds = array<i64: 2000, 128>}]} {
    %get3A = arith.constant 0 : index
    %get3A_0 = arith.constant 0 : index
    %get3A_1 = vector.load %arg1[%get3A, %get3A_0] : memref<2000x128xf32, #tpu.memory_space<vmem>>, vector<2000x128xf32>
    %get3A_2 = arith.constant 0 : index
    %get3A_3 = arith.constant 0 : index
    %get3A_4 = vector.load %arg2[%get3A_2, %get3A_3] : memref<2000x128xf32, #tpu.memory_space<vmem>>, vector<2000x128xf32>
    %add3A = arith.addf %get3A_1, %get3A_4 : vector<2000x128xf32>
    %get3A_5 = arith.constant 0 : index
    %get3A_6 = arith.constant 0 : index
    %get3A_7 = vector.load %arg3[%get3A_5, %get3A_6] : memref<128x128xf32, #tpu.memory_space<vmem>>, vector<128x128xf32>
    %dot_general3A = arith.constant dense<0.000000e+00> : vector<2000x128xf32>
    %dot_general3A_8 = tpu.matmul %add3A, %get3A_7, %dot_general3A {dimension_numbers = #tpu.dot_dimension_numbers<[1], [0], [0], [1], [0, 0, 1, 1], [], []>, transpose_lhs_hint = false} : vector<2000x128xf32>, vector<128x128xf32>, vector<2000x128xf32> -> vector<2000x128xf32>
    %get3A_9 = arith.constant 0 : index
    %get3A_10 = arith.constant 0 : index
    %get3A_11 = vector.load %arg4[%get3A_9, %get3A_10] : memref<1x128xf32, #tpu.memory_space<vmem>>, vector<1x128xf32>
    %add3A_12 = vector.broadcast %get3A_11 : vector<1x128xf32> to vector<2000x128xf32>
    %add3A_13 = arith.addf %dot_general3A_8, %add3A_12 : vector<2000x128xf32>
    %max3A = arith.constant 0.000000e+00 : f32
    %max3A_14 = vector.broadcast %max3A : f32 to vector<2000x128xf32>
    %max3A_15 = arith.maximumf %add3A_13, %max3A_14 : vector<2000x128xf32>
    %get3A_16 = arith.constant 0 : index
    %get3A_17 = arith.constant 0 : index
    %get3A_18 = vector.load %arg5[%get3A_16, %get3A_17] : memref<128x128xf32, #tpu.memory_space<vmem>>, vector<128x128xf32>
    %dot_general3A_19 = arith.constant dense<0.000000e+00> : vector<2000x128xf32>
    %dot_general3A_20 = tpu.matmul %max3A_15, %get3A_18, %dot_general3A_19 {dimension_numbers = #tpu.dot_dimension_numbers<[1], [0], [0], [1], [0, 0, 1, 1], [], []>, transpose_lhs_hint = false} : vector<2000x128xf32>, vector<128x128xf32>, vector<2000x128xf32> -> vector<2000x128xf32>
    %get3A_21 = arith.constant 0 : index
    %get3A_22 = arith.constant 0 : index
    %get3A_23 = vector.load %arg6[%get3A_21, %get3A_22] : memref<1x128xf32, #tpu.memory_space<vmem>>, vector<1x128xf32>
    %add3A_24 = vector.broadcast %get3A_23 : vector<1x128xf32> to vector<2000x128xf32>
    %add3A_25 = arith.addf %dot_general3A_20, %add3A_24 : vector<2000x128xf32>
    %max3A_26 = arith.constant 0.000000e+00 : f32
    %max3A_27 = vector.broadcast %max3A_26 : f32 to vector<2000x128xf32>
    %max3A_28 = arith.maximumf %add3A_25, %max3A_27 : vector<2000x128xf32>
    %swap3A = arith.constant 0 : index
    %swap3A_29 = arith.constant 0 : index
    %swap3A_30 = vector.load %arg7[%swap3A, %swap3A_29] : memref<2000x128xf32, #tpu.memory_space<vmem>>, vector<2000x128xf32>
    tpu.vector_store %arg7[%swap3A, %swap3A_29], %max3A_28 {strides = array<i32>} : memref<2000x128xf32, #tpu.memory_space<vmem>>, vector<2000x128xf32>,
    return
  }
  func.func @transform_0(%arg0: i32) -> (i32, i32) {
    %c0_i32 = arith.constant 0 : i32
    %c0_i32_0 = arith.constant 0 : i32
    return %arg0, %c0_i32 : i32, i32
  }
  func.func @transform_1(%arg0: i32) -> (i32, i32) {
    %c0_i32 = arith.constant 0 : i32
    %c0_i32_0 = arith.constant 0 : i32
    return %arg0, %c0_i32 : i32, i32
  }
  func.func @transform_2(%arg0: i32) -> (i32, i32) {
    %c0_i32 = arith.constant 0 : i32
    %c0_i32_0 = arith.constant 0 : i32
    %c0_i32_1 = arith.constant 0 : i32
    return %c0_i32, %c0_i32_0 : i32, i32
  }
  func.func @transform_3(%arg0: i32) -> (i32, i32) {
    %c0_i32 = arith.constant 0 : i32
    %c0_i32_0 = arith.constant 0 : i32
    %c0_i32_1 = arith.constant 0 : i32
    return %c0_i32, %c0_i32_0 : i32, i32
  }
  func.func @transform_4(%arg0: i32) -> (i32, i32) {
    %c0_i32 = arith.constant 0 : i32
    %c0_i32_0 = arith.constant 0 : i32
    %c0_i32_1 = arith.constant 0 : i32
    return %c0_i32, %c0_i32_0 : i32, i32
  }
  func.func @transform_5(%arg0: i32) -> (i32, i32) {
    %c0_i32 = arith.constant 0 : i32
    %c0_i32_0 = arith.constant 0 : i32
    %c0_i32_1 = arith.constant 0 : i32
    return %c0_i32, %c0_i32_0 : i32, i32
  }
  func.func @transform_6(%arg0: i32) -> (i32, i32) {
    %c0_i32 = arith.constant 0 : i32
    %c0_i32_0 = arith.constant 0 : i32
    return %arg0, %c0_i32 : i32, i32
  }
}

module attributes {stable_mosaic.version = 14 : i64} {
  func.func @body(%arg0: memref<10000x128xf32, #tpu.memory_space<vmem>>, %arg1: memref<10000x128xf32, #tpu.memory_space<vmem>>) attributes {dimension_semantics = [], scalar_prefetch = 0 : i64, scratch_operands = 0 : i64, tpu.core_type = #tpu.core_type<tc>} {
    %get3A = arith.constant 0 : index
    %get3A_0 = arith.constant 0 : index
    %get3A_1 = vector.load %arg0[%get3A, %get3A_0] : memref<10000x128xf32, #tpu.memory_space<vmem>>, vector<10000x128xf32>
    %max3A = arith.constant 0.000000e+00 : f32
    %max3A_2 = vector.broadcast %max3A : f32 to vector<10000x128xf32>
    %max3A_3 = arith.maximumf %get3A_1, %max3A_2 : vector<10000x128xf32>
    %swap3A = arith.constant 0 : index
    %swap3A_4 = arith.constant 0 : index
    %swap3A_5 = vector.load %arg1[%swap3A, %swap3A_4] : memref<10000x128xf32, #tpu.memory_space<vmem>>, vector<10000x128xf32>
    tpu.vector_store %arg1[%swap3A, %swap3A_4], %max3A_3 {strides = array<i32>} : memref<10000x128xf32, #tpu.memory_space<vmem>>, vector<10000x128xf32>,
    return
  }
}

</mosaic_0001>

<sc_bundles>
// kernel: kernel.5.cloned.1.call-start
scs
__scs_entry_jumppad:
0x0: {  	(pc) =	sbr.rel $0x88, $3  }
0x1: {  	(tag) =	ssettag $0x0;
	lr =	simm.s32 $0x1  }
0x2: {  	[smem:$0x3F9B] =	sst lr;
	_ =	strace $0xD0000000  }
0x3: {  	_ = 	snop  }
0x4: {  	_ = 	snop  }
0x5: {  	_ = 	snop  }
0x6: {  	_ = 	snop  }
0x7: {  	_ = 	snop  }
__scs_overlays_trampoline_lowered:
0x8: {  	[smem:$0x3FAA] =	sst s0  }
0x9: {  	[smem:$0x3FAB] =	sst s1  }
0xa: {  	[smem:$0x3FAC] =	sst s2  }
0xb: {  	[smem:$0x3FAD] =	sst s3  }
0xc: {  	[smem:$0x3FAE] =	sst s4  }
0xd: {  	[smem:$0x3FAF] =	sst s5  }
0xe: {  	[smem:$0x3FB0] =	sst s6  }
0xf: {  	[smem:$0x3FB1] =	sst s7  }
0x10: {  	[smem:$0x3FB2] =	sst s8  }
0x11: {  	[smem:$0x3FB3] =	sst s9;
	s0 =	simm.s32 @!p0 $0x0  }
0x12: {  	s1 =	sld [smem:$0x3F99];
	s0 =	simm.s32 @p0 $0x1  }
0x13: {  	[smem:$0x3FB4] =	sst s0;
	s0 =	simm.s32 @!p1 $0x0  }
0x14: {  	s2 =	sld [smem:$0x3F98];
	s0 =	simm.s32 @p1 $0x1  }
0x15: {  	[smem:$0x3FB5] =	sst s0;
	s0 =	simm.s32 @!p2 $0x0  }
0x16: {  	s3 =	sld [smem:$0x3FDB];
	s0 =	simm.s32 @p2 $0x1  }
0x17: {  	s4 =	simm.s32 $0x1BF5;
	[smem:$0x3FB7] =	sst s0  }
0x18: {  	s0 =	sld [smem:$0x3F9A];
	_ =	swait.ge [sflag:s4], $0x0  }
0x19: {  	s7 =	sld [smem:$0x3F9B]  }
0x1a: {  	s8 =	sadd.s32 $0xFFFFE003, lr  }
0x1b: {  	s9 =	sadd.s32 $0xFFFFFEF7, lr;
	s5 =	simm.s32 $0xFFFFFFFF;
	p2 =	slt.u32 s8, $0xFFFFF086  }
0x1c: {  	p1 =	slt.u32 s9, $0xF7A;
	s5 =	simm.s32 @!p2 $0x0  }
0x1d: {  	s5 =	simm.s32 @p1 $0x1;
	p0 =	seq.s32 s7, s2  }
0x1e: {  	s7 =	smul.u32 @!p0 $0xF7A, s2;
	p2 =	seq.s32 @!p0 s5, $0x0  }
0x1f: {  	s9 =	smul.u32 $0xF7A, s1;
	s8 =	simm.s32 @!p0 $0x1BF5;
	p2 =	por !p2, p0  }
0x20: {  	[sflag:s8] =	ssyncset.s32 @!p0 $0xFFFFF086;
	s6 =	sadd.s32 @!p0 s3, s7;
	s7 =	simm.s32 @!p0 $0x108  }
0x21: {  	s3 =	sadd.s32 s3, s9;
	s6 =	sadd.s32 @!p0 $0x88, s6;
	s7 =	simm.s32 @p2 $0x1082  }
0x22: {  	[simem:s7], [sflag:s8] =	dma.local @!p0 [hbm:s6], $0xF7A  }
0x23: {  	s9 =	sor.u32 $0xD0000000, s2;
	s6 =	simm.s32 $0x108;
	_ =	swait.ge @!p0 [sflag:s8], $0x0  }
0x24: {  	s3 =	sadd.s32 $0x88, s3;
	s6 =	simm.s32 @!p1 $0x1082;
	[sflag:s4] =	ssyncset.s32 $0xFFFFF086  }
0x25: {  	[simem:s6], [sflag:s4] =	dma.local [hbm:s3], $0xF7A  }
0x26: {  	[smem:$0x3F9B] =	sst s1;
	(tag) =	ssettag s2;
	_ =	strace s9  }
0x27: {  	s1 =	sld [smem:$0x3FAB]  }
0x28: {  	s2 =	sld [smem:$0x3FAC]  }
0x29: {  	s4 =	sld [smem:$0x3FAE]  }
0x2a: {  	p0 =	seq.s32 s5, $0x0;
	s5 =	sld [smem:$0x3FAF]  }
0x2b: {  	s6 =	sld [smem:$0x3FB0]  }
0x2c: {  	s7 =	sld [smem:$0x3FB1]  }
0x2d: {  	s3 =	simm.s32 $0x108;
	s8 =	sld [smem:$0x3FB2]  }
0x2e: {  	s3 =	simm.s32 @!p0 $0x1082;
	s9 =	sld [smem:$0x3FB3]  }
0x2f: {  	lr =	sadd.s32 s0, s3;
	s0 =	sld [smem:$0x3FAA]  }
0x30: {  	s3 =	sld [smem:$0x3FAD]  }
0x31: {  	[smem:$0x3FB6] =	sst s10  }
0x32: {  	s10 =	sld [smem:$0x3FB4];
	_ =	sdelay $0x3  }
0x33: {  	p0 =	seq.s32 s10, $0x1;
	s10 =	sld [smem:$0x3FB6];
	_ =	sdelay $0x3  }
0x34: {  	[smem:$0x3FB6] =	sst s10  }
0x35: {  	s10 =	sld [smem:$0x3FB5];
	_ =	sdelay $0x3  }
0x36: {  	p1 =	seq.s32 s10, $0x1;
	s10 =	sld [smem:$0x3FB6];
	_ =	sdelay $0x3  }
0x37: {  	[smem:$0x3FB6] =	sst s10  }
0x38: {  	s10 =	sld [smem:$0x3FB7]  }
0x39: {  	_ = 	snop;
	(pc) =	sbr.ind lr, $3  }
0x3a: {  	_ = 	snop  }
0x3b: {  	_ = 	snop  }
0x3c: {  	p2 =	seq.s32 s10, $0x1;
	s10 =	sld [smem:$0x3FB6]  }
0x3d: {  	_ =	shalt  }
0x3e: {  	_ =	shalt  }
0x3f: {  	_ =	shalt  }
0x40: {  	_ =	shalt  }
0x41: {  	_ =	shalt  }
0x42: {  	_ =	shalt  }
0x43: {  	_ =	shalt  }
0x44: {  	_ =	shalt  }
0x45: {  	_ =	shalt  }
0x46: {  	_ =	shalt  }
0x47: {  	_ =	shalt  }
0x48: {  	_ =	shalt  }
0x49: {  	_ =	shalt  }
0x4a: {  	_ =	shalt  }
0x4b: {  	_ =	shalt  }
0x4c: {  	_ =	shalt  }
0x4d: {  	_ =	shalt  }
0x4e: {  	_ =	shalt  }
0x4f: {  	_ =	shalt  }
0x50: {  	_ =	shalt  }
0x51: {  	_ =	shalt  }
0x52: {  	_ =	shalt  }
0x53: {  	_ =	shalt  }
0x54: {  	_ =	shalt  }
0x55: {  	_ =	shalt  }
0x56: {  	_ =	shalt  }
0x57: {  	_ =	shalt  }
0x58: {  	_ =	shalt  }
0x59: {  	_ =	shalt  }
0x5a: {  	_ =	shalt  }
0x5b: {  	_ =	shalt  }
0x5c: {  	_ =	shalt  }
0x5d: {  	_ =	shalt  }
0x5e: {  	_ =	shalt  }
0x5f: {  	_ =	shalt  }
0x60: {  	_ =	shalt  }
0x61: {  	_ =	shalt  }
0x62: {  	_ =	shalt  }
0x63: {  	_ =	shalt  }
0x64: {  	_ =	shalt  }
0x65: {  	_ =	shalt  }
0x66: {  	_ =	shalt  }
0x67: {  	_ =	shalt  }
0x68: {  	_ =	shalt  }
0x69: {  	_ =	shalt  }
0x6a: {  	_ =	shalt  }
0x6b: {  	_ =	shalt  }
0x6c: {  	_ =	shalt  }
0x6d: {  	_ =	shalt  }
0x6e: {  	_ =	shalt  }
0x6f: {  	_ =	shalt  }
0x70: {  	_ =	shalt  }
0x71: {  	_ =	shalt  }
0x72: {  	_ =	shalt  }
0x73: {  	_ =	shalt  }
0x74: {  	_ =	shalt  }
0x75: {  	_ =	shalt  }
0x76: {  	_ =	shalt  }
0x77: {  	_ =	shalt  }
0x78: {  	_ =	shalt  }
0x79: {  	_ =	shalt  }
0x7a: {  	_ =	shalt  }
0x7b: {  	_ =	shalt  }
0x7c: {  	_ =	shalt  }
0x7d: {  	_ =	shalt  }
0x7e: {  	_ =	shalt  }
0x7f: {  	_ =	shalt  }
0x80: {  	_ =	shalt  }
0x81: {  	_ =	shalt  }
0x82: {  	_ =	shalt  }
0x83: {  	_ =	shalt  }
0x84: {  	_ =	shalt  }
0x85: {  	_ =	shalt  }
0x86: {  	_ =	shalt  }
0x87: {  	_ =	shalt  }
.Lfunc_end0:
.L_simem_size_0:
called_computation_lowered:
.L_overlay_start_0:
0x88: {  	s2 =	sld [smem:$0x3FD9]  }
0x89: {  	s3 =	sld [smem:$0x3FFE];
	_ =	sdelay $0x1  }
0x8a: {  	s1 =	srdreg.scid  }
0x8b: {  	s0 =	sand.u32 $0x1, s1  }
0x8c: {  	s17 =	sshll.u32 s0, $0xA;
	s2 =	sadd.s32 s3, s2  }
0x8d: {  	s2 =	sadd.s32 s2, s17  }
0x8e: {  	[smem:$0x3FC2] =	sst s2  }
0x8f: {  	_ = 	snop  }
0x90: {  	s2 =	sld [smem:$0x3FC9]  }
0x91: {  	s18 =	sld [smem:$0x3FD0];
	(tm) =	ssettm $0x1  }
0x92: {  	s4 =	sld [smem:$0x3FFB];
	_ =	sdelay $0x3  }
0x93: {  	_ =	strace s4  }
0x94: {  	s4 =	sld [smem:$0x3FFC];
	_ =	sdelay $0x3  }
0x95: {  	_ =	strace s4  }
0x96: {  	s4 =	sld [smem:$0x3FFD];
	_ =	sdelay $0x3  }
0x97: {  	_ =	strace s4  }
0x98: {  	_ =	strace $0x8FFFFFFF  }
0x99: {  	s19 =	sld [smem:$0x3FDB];
	_ =	sdelay $0x1  }
0x9a: {  	s5 =	simm.s32 $_scs_section_size  }
0x9b: {  	s6 =	simm.s32 $_size__tile_overlayer_lowered;
	s7 =	simm.s32 $_tile_overlayer_lowered  }
0x9c: {  	s22 =	simm.s32 $0x1BFF;
	s21 =	sshll.u32 s7, $0x1;
	s4 =	sadd.s32 s5, s19  }
0x9d: {  	s8 =	simm.s32 $0x0;
	s20 =	sshll.u32 s6, $0x1;
	s6 =	sadd.s32 s21, s4  }
0x9e: {  	[timem:s8], [sflag:s22] =	dma.local [hbm:s6], s20  }
0x9f: {  	_ =	swait.ge [sflag:s22], s20  }
0xa0: {  	s5 =	ssub.s32 $0x0, s20;
	[sflag:s22] =	ssyncset.done $0x0  }
0xa1: {  	[sflag:s22] =	ssyncadd.s32 s5;
	_ =	sdelay $0x1  }
0xa2: {  	s23 =	simm.s32 $0x1B8B  }
0xa3: {  	_ =	swait.ge [sflag:s23], $0x1  }
0xa4: {  	[sflag:s23] =	ssyncset.done $0x0  }
0xa5: {  	s25 =	simm.s32 $0x1B8E;
	s24 =	sld [smem:$0x3FFE];
	[sflag:s23] =	ssyncadd.s32 $0xFFFFFFFF  }
0xa6: {  	s26 =	simm.s32 $execute0_lowered;
	[smem:$0x3FD2] =	sst s25  }
0xa7: {  	s6 =	sshll.u32 s26, $0x1;
	_ =	strace $0x80000046;
	[dreg:$0x1] =	wrdreg $0xFFFFFFFF  }
0xa8: {  	s28 =	simm.s32 $_size_execute0_lowered;
	s4 =	sadd.s32 s4, s6;
	[dreg:$0x0] =	wrdreg $0x0  }
0xa9: {  	s6 =	sshll.u32 s28, $0x1;
	[dreg:$0x2] =	wrdreg s4  }
0xaa: {  	[dreg:$0x3] =	wrdreg s6  }
0xab: {  	[dreg:$0x4] =	wrdreg $0xC0  }
0xac: {  	_ =	task [dreg:s8], $0x5FFFF  }
0xad: {  	[dreg:$0x1] =	wrdreg $0xFFFFFFFF  }
0xae: {  	[dreg:$0x0] =	wrdreg $0x60  }
0xaf: {  	[dreg:$0x2] =	wrdreg s2  }
0xb0: {  	[dreg:$0x3] =	wrdreg s24  }
0xb1: {  	[dreg:$0x4] =	wrdreg s18  }
0xb2: {  	[dreg:$0x5] =	wrdreg $0xA5000  }
0xb3: {  	[dreg:$0x6] =	wrdreg $0x9  }
0xb4: {  	_ =	task.clear_ibuf [dreg:s8], $0x7FFFF;
	_ =	strace $0x90000046  }
0xb5: {  	s29 =	simm.s32 $0x9;
	_ =	strace $0x80000048  }
0xb6: {  	_ =	swait.ge [sflag:s29], $0x1  }
0xb7: {  	[sflag:s29] =	ssyncadd.s32 $0xFFFFFFFF  }
0xb8: {  	_ =	strace $0x90000048  }
0xb9: {  	_ =	sfence  }
0xba: {  	s30 =	sld [smem:$0x0];
	_ =	sdelay $0x2  }
0xbb: {  	s31 =	sshll.u32 s1, $0xD;
	s1 =	sshrl.u32 s1, $0x2  }
0xbc: {  	s3 =	sand.u32 $0x4000, s31;
	s1 =	sadd.s32 s1, s30  }
0xbd: {  	s0 =	sor.u32 s3, s0;
	s1 =	sshll.u32 s1, $0x11  }
0xbe: {  	s0 =	sor.u32 s1, s0  }
0xbf: {  	s0 =	sadd.s32 $0x8F2B, s0  }
0xc0: {  	[sflag:s0] =	ssyncadd.remote.s32 $0x1  }
0xc1: {  	_ =	sfence.sel $0xFFFF  }
0xc2: {  	[dreg:$0x0] =	wrdreg $0xFFFFFFFF;
	(pc) =	sbr.abs _section_cstart, $3  }
0xc3: {  	[dreg:$0x1] =	wrdreg $0xFFFFFFFF  }
0xc4: {  	_ =	task.clear_ibuf [dreg:s8], $0x2FFFF;
	_ =	strace $0x9FFFFFFF  }
0xc5: {  	(tm) =	ssettm $0x7FFFFFFF  }
tec
execute0_lowered:
.L_overlay_start_1:
0x0: {  	(tag) =	ssettag $0x1  }
0x1: {  	s0 =	rddreg [dreg:$0x0]  }
0x2: {  	s3 =	rddreg [dreg:$0x1]  }
0x3: {  	s1 =	rddreg [dreg:$0x2]  }
0x4: {  	s2 =	rddreg [dreg:$0x3]  }
0x5: {  	s4 =	srdreg.scid;
	s14 =	stileid.u32  }
0x6: {  	s5 =	simm.s32 $0x0;
	s4 =	sand.u32 $0x1, s4;
	s24 =	sshll.u32 s14, $0x1  }
0x7: {  	[smem:$0x7FF] =	sst s5;
	s6 =	smul.u32 $0x4E000, s14;
	s11 =	sor.u32 s4, s24  }
0x8: {  	s7 =	sadd.s32 $0xA800, s3;
	s9 =	sadd.s32 $0xA00, s3;
	s30 =	sshll.u32 s11, $0x3  }
0x9: {  	_ =	strace $0x80000047;
	s26 =	ssub.s32 $0x13A7, s11;
	s11 =	sadd.s32 s7, s30  }
0xa: {  	s6 =	sshrl.u32 s6, $0x2;
	s15 =	sadd.s32 s9, s30;
	[dreg:$0xd] =	wrdreg s11  }
0xb: {  	s5 =	sadd.s32 s6, s2;
	[dreg:$0xe] =	wrdreg s15  }
0xc: {  	s8 =	ssub.s32 $0x2, s4;
	s25 =	sadd.s32 $0x2000, s5;
	[dreg:$0xa] =	wrdreg s5  }
0xd: {  	s16 =	sor.u32 $0x100, s30;
	s29 =	sadd.s32 $0x4000, s5;
	[dreg:$0xb] =	wrdreg s25  }
0xe: {  	s10 =	sshrl.u32 s8, $0x1;
	s12 =	sadd.s32 s7, s16;
	[dreg:$0xc] =	wrdreg s29  }
0xf: {  	s13 =	sor.u32 $0x200, s30;
	s11 =	sadd.s32 s9, s16;
	[dreg:$0xf] =	wrdreg s12  }
0x10: {  	s6 =	ssub.s32 s8, s10;
	s17 =	sadd.s32 s7, s13;
	[dreg:$0x10] =	wrdreg s11  }
0x11: {  	s8 =	sshrl.u32 s26, $0x5;
	s13 =	sadd.s32 s9, s13;
	[dreg:$0x11] =	wrdreg s17  }
0x12: {  	s19 =	sadd.s32 $0xFFFFFFFD, s8;
	[dreg:$0x12] =	wrdreg s13  }
0x13: {  	s28 =	simm.s32 $0x0;
	s20 =	sadd.s32 $0xFFFFFFFE, s8;
	[dreg:$0x5] =	wrdreg s19  }
0x14: {  	s10 =	sor.u32 $0x300, s30;
	s21 =	sadd.s32 $0xFFFFFFFB, s8;
	[dreg:$0x6] =	wrdreg s20  }
0x15: {  	s23 =	smul.u32 $0x27100, s4;
	s15 =	sadd.s32 s7, s10;
	[dreg:$0x7] =	wrdreg s21  }
0x16: {  	p5 =	seq.s32 s14, $0xF;
	s22 =	sadd.s32 $0xFFFFFFFA, s8;
	[dreg:$0x13] =	wrdreg s15  }
0x17: {  	s3 =	sadd.s32 s23, s3;
	s23 =	sadd.s32 $0xFFFFFFF9, s8;
	[dreg:$0x8] =	wrdreg s22  }
0x18: {  	s26 =	smul.u32 $0x2700, s14;
	s10 =	sadd.s32 s9, s10;
	[dreg:$0x9] =	wrdreg s23  }
0x19: {  	s24 =	sshll.u32 s14, $0x4;
	p0 =	sne.s32 s4, $0x0;
	[dreg:$0x14] =	wrdreg s10  }
0x1a: {  	s7 =	sadd.s32 s24, s7;
	s14 =	sadd.s32 $0xE000, s5;
	[dreg:$0x15] =	wrdreg s26  }
0x1b: {  	s9 =	sadd.s32 s24, s9;
	s16 =	sadd.s32 $0x12000, s5;
	[dreg:$0x1e] =	wrdreg s14  }
0x1c: {  	s24 =	sadd.s32 $0x12E800, s2;
	s31 =	sadd.s32 $0xFFFFFFFC, s8;
	[smem:$0x7ED] =	sst s16  }
0x1d: {  	s12 =	sadd.s32 $0xFFFFFFFF, s8;
	s29 =	sadd.s32 $0x6000, s5;
	[smem:$0x7F5] =	sst s24  }
0x1e: {  	s25 =	sshll.u32 s4, $0x3;
	s30 =	sadd.s32 s0, s26;
	[dreg:$0x16] =	wrdreg s29  }
0x1f: {  	s4 =	simm.s32 @!p0 $0x0;
	s0 =	sadd.s32 $0x24900, s0;
	[dreg:$0x17] =	wrdreg s30  }
0x20: {  	s13 =	sadd.s32 $0xC000, s5;
	s15 =	sadd.s32 $0x10000, s5;
	[dreg:$0x18] =	wrdreg s0  }
0x21: {  	s17 =	sadd.s32 $0x124800, s2;
	s18 =	smul.u32 $0xCD, s12;
	[dreg:$0x1d] =	wrdreg s13  }
0x22: {  	s20 =	sadd.s32 $0x126800, s2;
	s21 =	sadd.s32 $0x128800, s2;
	[dreg:$0x1f] =	wrdreg s15  }
0x23: {  	s22 =	sadd.s32 $0x12A800, s2;
	[smem:$0x7EE] =	sst s17;
	s11 =	sshrl.u32 s18, $0xA  }
0x24: {  	s23 =	sadd.s32 $0x12C800, s2;
	[smem:$0x7EF] =	sst s20;
	s11 =	sand.u32 $0x3F, s11  }
0x25: {  	s26 =	sadd.s32 $0x132800, s2;
	[smem:$0x7F1] =	sst s21;
	s11 =	smul.u32 $0x5, s11  }
0x26: {  	s19 =	sadd.s32 s25, s9;
	s4 =	simm.s32 @p0 $0x1;
	[smem:$0x7F2] =	sst s22  }
0x27: {  	s9 =	smax.u32 s6, $0x1;
	[smem:$0x7F4] =	sst s23;
	s11 =	ssub.s32 s12, s11  }
0x28: {  	[smem:$0x7F8] =	sst s26;
	s29 =	sadd.s32 $0x134800, s2;
	s10 =	sand.u32 $0xFF, s11  }
0x29: {  	s30 =	sadd.s32 $0x136800, s2;
	[smem:$0x7EC] =	sst s4;
	p4 =	sgt.s32 s10, $0x1  }
0x2a: {  	s6 =	simm.s32 $0x280;
	[dreg:$0x1a] =	wrdreg s9;
	p1 =	seq.s32 @p4 s10, $0x2  }
0x2b: {  	s21 =	simm.s32 $0x500;
	[smem:$0x7FB] =	sst s29;
	p0 =	por p1, !p4  }
0x2c: {  	[smem:$0x7FC] =	sst s30;
	s18 =	sadd.s32 s25, s7;
	p3 =	seq.s32 @!p0 s10, $0x3  }
0x2d: {  	p2 =	por @p4 !p3, p1;
	p3 =	por @p4 p3, p1;
	p1 =	por !p1, !p4  }
0x2e: {  	s7 =	sadd.s32 $0x14600, s3;
	s25 =	sadd.s32 $0x130800, s2;
	s0 =	simm.s32 @!p1 $0x0  }
0x2f: {  	[dreg:$0x19] =	wrdreg s7;
	s0 =	simm.s32 @p1 $0x1;
	p1 =	por p3, !p4  }
0x30: {  	s3 =	simm.s32 @!p5 $0x0;
	[smem:$0x7F0] =	sst s0;
	s0 =	simm.s32 @!p1 $0x0  }
0x31: {  	[smem:$0x7F7] =	sst s25;
	s0 =	simm.s32 @p1 $0x1;
	p1 =	por !p2, !p4  }
0x32: {  	s3 =	simm.s32 @p5 $0x1;
	[smem:$0x7F3] =	sst s0;
	s0 =	simm.s32 @!p1 $0x0  }
0x33: {  	[smem:$0x7FD] =	sst s3;
	s11 =	sadd.s32 $0xA000, s5;
	s0 =	simm.s32 @p1 $0x1  }
0x34: {  	p0 =	seq.s32 @!p4 s10, $0x0;
	[smem:$0x7F6] =	sst s0;
	s0 =	simm.s32 @!p4 $0x0  }
0x35: {  	[dreg:$0x1c] =	wrdreg s11;
	p0 =	por !p0, p4;
	s0 =	simm.s32 @p4 $0x1  }
0x36: {  	s10 =	sadd.s32 $0x8000, s5;
	[smem:$0x7F9] =	sst s0;
	s0 =	simm.s32 @!p0 $0x0  }
0x37: {  	s26 =	simm.s32 $0x1;
	[dreg:$0x1b] =	wrdreg s10;
	s0 =	simm.s32 @p0 $0x1  }
0x38: {  	v0 =	vimm.f32 $0.0e+00;
	s7 =	simm.s32 $0x40;
	[smem:$0x7FA] =	sst s0;
	s0 =	simm.s32 $0xC  }
.LBB2_1:
0x39: {  	s30 =	sld [smem:$0x7EC];
	_ =	sdelay $0x1  }
0x3a: {  	s3 =	stileid.u32  }
0x3b: {  	s9 =	sshll.u32 @!p5 s3, $0x6;
	s3 =	sld [smem:$0x7EE];
	p0 =	seq.s32 s30, $0x1  }
.Ltmp0:
0x3c: {  	_ = 	snop;
	(pc) =	sbr.rel @p0 .LBB2_3-.Ltmp0, $4  }
0x3d: {  	_ = 	snop  }
0x3e: {  	s10 =	sor.u32 @!p5 $0x1C0C, s9;
	s4 =	sshrl.u32 @p5 s3, $0x3;
	s3 =	rddreg [dreg:$0xa]  }
0x3f: {  	[smem:$0x7EB] =	sst s10;
	s5 =	sshrl.u32 @!p5 s3, $0x3  }
0x40: {  	[smem:$0x7EA] =	sst s5  }
0x41: {  	s9 =	simm.s32 @p5 $0x1FCC;
	s3 =	rddreg [dreg:$0x18]  }
0x42: {  	[spmem:s4], [sflag:s9] =	dma.local @p5 [hbm:s3], $0x2800  }
0x43: {  	s9 =	simm.s32 @p5 $0xC  }
0x44: {  	_ =	swait.ge @p5 [sflag:s9], $0x2800  }
0x45: {  	[sflag:s9] =	ssyncset.done @p5 $0x0;
	s3 =	rddreg [dreg:$0x17]  }
.Ltmp1:
0x46: {  	[sflag:s9] =	ssyncadd.s32 @p5 $0xFFFFD800;
	s9 =	simm.s32 @!p5 $0xC;
	(pc) =	sbr.rel .LBB2_6-.Ltmp1, $4  }
0x47: {  	[spmem:s5], [sflag:s10] =	dma.local @!p5 [hbm:s3], $0x2700  }
0x48: {  	_ =	swait.ge @!p5 [sflag:s9], $0x2700  }
0x49: {  	[sflag:s9] =	ssyncset.done @!p5 $0x0  }
0x4a: {  	[sflag:s9] =	ssyncadd.s32 @!p5 $0xFFFFD900  }
.LBB2_3:
0x4b: {  	s3 =	simm.s32 $0x0  }
0x4c: {  	s9 =	sshra.s32 s3, $0x2;
	s10 =	sadd.s32 $0x200, s3  }
.LBB2_4:
0x4d: {  	p0 =	sne.s32 s10, $0x7E00;
	[tilespmem:s9+$0x570] =	vst v0  }
0x4e: {  	[tilespmem:s9+$0x500] =	vst v0  }
0x4f: {  	[tilespmem:s9+$0x510] =	vst v0  }
.Ltmp2:
0x50: {  	[tilespmem:s9+$0x520] =	vst v0;
	(pc) =	sbr.rel @p0 .LBB2_4-.Ltmp2, $4  }
0x51: {  	[tilespmem:s9+$0x530] =	vst v0  }
0x52: {  	[tilespmem:s9+$0x540] =	vst v0  }
0x53: {  	[tilespmem:s9+$0x550] =	vst v0  }
0x54: {  	[tilespmem:s9+$0x560] =	vst v0;
	s9 =	sshra.s32 s10, $0x2;
	s10 =	sadd.s32 $0x200, s10  }
0x55: {  	[tilespmem:s9+$0x570] =	vst v0  }
0x56: {  	[tilespmem:s9+$0x500] =	vst v0  }
0x57: {  	[tilespmem:s9+$0x510] =	vst v0  }
0x58: {  	[tilespmem:s9+$0x520] =	vst v0  }
0x59: {  	[tilespmem:s9+$0x530] =	vst v0  }
0x5a: {  	[tilespmem:s9+$0x540] =	vst v0;
	s3 =	sld [smem:$0x7EE]  }
0x5b: {  	[tilespmem:s9+$0x550] =	vst v0  }
0x5c: {  	[tilespmem:s9+$0x560] =	vst v0;
	s9 =	simm.s32 @p5 $0x500;
	s10 =	simm.s32 @p5 $0xC  }
0x5d: {  	[spmem:s3] =	stream.linear.scatter @p5 [tilespmem:s9], [sflag:$0xC], $0x2000, $0x38;
	[tilespmem:$0x1DD80] =	vst v63  }
0x5e: {  	_ =	swait.ge @p5 [sflag:s10], $0x2000  }
0x5f: {  	s3 =	sld [smem:$0x7EF]  }
0x60: {  	[sflag:s10] =	ssyncset.done @p5 $0x0  }
0x61: {  	[sflag:s10] =	ssyncadd.s32 @p5 $0xFFFFE000  }
0x62: {  	[spmem:s3] =	stream.linear.scatter @p5 [tilespmem:s9], [sflag:$0xC], $0x2000, $0x38;
	[tilespmem:$0x1DD80] =	vst v63  }
0x63: {  	_ =	swait.ge @p5 [sflag:s10], $0x2000  }
0x64: {  	s3 =	sld [smem:$0x7F1]  }
0x65: {  	[sflag:s10] =	ssyncset.done @p5 $0x0  }
0x66: {  	[sflag:s10] =	ssyncadd.s32 @p5 $0xFFFFE000  }
0x67: {  	[spmem:s3] =	stream.linear.scatter @p5 [tilespmem:s9], [sflag:$0xC], $0x2000, $0x38;
	[tilespmem:$0x1DD80] =	vst v63  }
0x68: {  	_ =	swait.ge @p5 [sflag:s10], $0x2000  }
0x69: {  	s3 =	sld [smem:$0x7F2]  }
0x6a: {  	[sflag:s10] =	ssyncset.done @p5 $0x0  }
0x6b: {  	[sflag:s10] =	ssyncadd.s32 @p5 $0xFFFFE000  }
0x6c: {  	[spmem:s3] =	stream.linear.scatter @p5 [tilespmem:s9], [sflag:$0xC], $0x2000, $0x38;
	[tilespmem:$0x1DD80] =	vst v63  }
0x6d: {  	_ =	swait.ge @p5 [sflag:s10], $0x2000  }
0x6e: {  	s3 =	sld [smem:$0x7F4]  }
0x6f: {  	[sflag:s10] =	ssyncset.done @p5 $0x0  }
0x70: {  	[sflag:s10] =	ssyncadd.s32 @p5 $0xFFFFE000  }
0x71: {  	[spmem:s3] =	stream.linear.scatter @p5 [tilespmem:s9], [sflag:$0xC], $0x2000, $0x38;
	[tilespmem:$0x1DD80] =	vst v63  }
0x72: {  	_ =	swait.ge @p5 [sflag:s10], $0x2000  }
0x73: {  	s3 =	sld [smem:$0x7F5]  }
0x74: {  	[sflag:s10] =	ssyncset.done @p5 $0x0  }
0x75: {  	[sflag:s10] =	ssyncadd.s32 @p5 $0xFFFFE000  }
0x76: {  	[spmem:s3] =	stream.linear.scatter @p5 [tilespmem:s9], [sflag:$0xC], $0x2000, $0x38;
	[tilespmem:$0x1DD80] =	vst v63  }
0x77: {  	_ =	swait.ge @p5 [sflag:s10], $0x2000  }
0x78: {  	s3 =	sld [smem:$0x7F7]  }
0x79: {  	[sflag:s10] =	ssyncset.done @p5 $0x0  }
0x7a: {  	[sflag:s10] =	ssyncadd.s32 @p5 $0xFFFFE000  }
0x7b: {  	[spmem:s3] =	stream.linear.scatter @p5 [tilespmem:s9], [sflag:$0xC], $0x2000, $0x38;
	[tilespmem:$0x1DD80] =	vst v63  }
0x7c: {  	_ =	swait.ge @p5 [sflag:s10], $0x2000  }
0x7d: {  	s3 =	sld [smem:$0x7F8]  }
0x7e: {  	[sflag:s10] =	ssyncset.done @p5 $0x0  }
0x7f: {  	[sflag:s10] =	ssyncadd.s32 @p5 $0xFFFFE000  }
0x80: {  	[spmem:s3] =	stream.linear.scatter @p5 [tilespmem:s9], [sflag:$0xC], $0x2000, $0x38;
	[tilespmem:$0x1DD80] =	vst v63  }
0x81: {  	_ =	swait.ge @p5 [sflag:s10], $0x2000  }
0x82: {  	s3 =	sld [smem:$0x7FB]  }
0x83: {  	[sflag:s10] =	ssyncset.done @p5 $0x0  }
0x84: {  	[sflag:s10] =	ssyncadd.s32 @p5 $0xFFFFE000  }
0x85: {  	[spmem:s3] =	stream.linear.scatter @p5 [tilespmem:s9], [sflag:$0xC], $0x2000, $0x38;
	[tilespmem:$0x1DD80] =	vst v63  }
0x86: {  	_ =	swait.ge @p5 [sflag:s10], $0x2000  }
0x87: {  	s3 =	sld [smem:$0x7FC]  }
0x88: {  	[sflag:s10] =	ssyncset.done @p5 $0x0  }
0x89: {  	[sflag:s10] =	ssyncadd.s32 @p5 $0xFFFFE000  }
0x8a: {  	[spmem:s3] =	stream.linear.scatter @p5 [tilespmem:s9], [sflag:$0xC], $0x2000, $0x38;
	[tilespmem:$0x1DD80] =	vst v63  }
0x8b: {  	_ =	swait.ge @p5 [sflag:s10], $0x2000  }
0x8c: {  	s9 =	simm.s32 @!p5 $0x500;
	[sflag:s10] =	ssyncset.done @p5 $0x0  }
0x8d: {  	s3 =	rddreg [dreg:$0xa];
	[sflag:s10] =	ssyncadd.s32 @p5 $0xFFFFE000;
	s10 =	simm.s32 @!p5 $0xC  }
0x8e: {  	[spmem:s3] =	stream.linear.scatter @!p5 [tilespmem:s9], [sflag:$0xC], $0x2000, $0x38;
	[tilespmem:$0x1DD80] =	vst v63  }
0x8f: {  	_ =	swait.ge @!p5 [sflag:s10], $0x2000  }
0x90: {  	[sflag:s10] =	ssyncset.done @!p5 $0x0  }
0x91: {  	s3 =	rddreg [dreg:$0xb];
	[sflag:s10] =	ssyncadd.s32 @!p5 $0xFFFFE000  }
0x92: {  	[spmem:s3] =	stream.linear.scatter @!p5 [tilespmem:s9], [sflag:$0xC], $0x2000, $0x38;
	[tilespmem:$0x1DD80] =	vst v63  }
0x93: {  	_ =	swait.ge @!p5 [sflag:s10], $0x2000  }
0x94: {  	[sflag:s10] =	ssyncset.done @!p5 $0x0  }
0x95: {  	s3 =	rddreg [dreg:$0xc];
	[sflag:s10] =	ssyncadd.s32 @!p5 $0xFFFFE000  }
0x96: {  	[spmem:s3] =	stream.linear.scatter @!p5 [tilespmem:s9], [sflag:$0xC], $0x2000, $0x38;
	[tilespmem:$0x1DD80] =	vst v63  }
0x97: {  	_ =	swait.ge @!p5 [sflag:s10], $0x2000  }
0x98: {  	[sflag:s10] =	ssyncset.done @!p5 $0x0  }
0x99: {  	s3 =	rddreg [dreg:$0x16];
	[sflag:s10] =	ssyncadd.s32 @!p5 $0xFFFFE000  }
0x9a: {  	[spmem:s3] =	stream.linear.scatter @!p5 [tilespmem:s9], [sflag:$0xC], $0x2000, $0x38;
	[tilespmem:$0x1DD80] =	vst v63  }
0x9b: {  	_ =	swait.ge @!p5 [sflag:s10], $0x2000  }
0x9c: {  	[sflag:s10] =	ssyncset.done @!p5 $0x0  }
0x9d: {  	s3 =	rddreg [dreg:$0x1b];
	[sflag:s10] =	ssyncadd.s32 @!p5 $0xFFFFE000  }
0x9e: {  	[spmem:s3] =	stream.linear.scatter @!p5 [tilespmem:s9], [sflag:$0xC], $0x2000, $0x38;
	[tilespmem:$0x1DD80] =	vst v63  }
0x9f: {  	_ =	swait.ge @!p5 [sflag:s10], $0x2000  }
0xa0: {  	[sflag:s10] =	ssyncset.done @!p5 $0x0  }
0xa1: {  	s3 =	rddreg [dreg:$0x1c];
	[sflag:s10] =	ssyncadd.s32 @!p5 $0xFFFFE000  }
0xa2: {  	[spmem:s3] =	stream.linear.scatter @!p5 [tilespmem:s9], [sflag:$0xC], $0x2000, $0x38;
	[tilespmem:$0x1DD80] =	vst v63  }
0xa3: {  	_ =	swait.ge @!p5 [sflag:s10], $0x2000  }
0xa4: {  	[sflag:s10] =	ssyncset.done @!p5 $0x0  }
0xa5: {  	s3 =	rddreg [dreg:$0x1d];
	[sflag:s10] =	ssyncadd.s32 @!p5 $0xFFFFE000  }
0xa6: {  	[spmem:s3] =	stream.linear.scatter @!p5 [tilespmem:s9], [sflag:$0xC], $0x2000, $0x38;
	[tilespmem:$0x1DD80] =	vst v63  }
0xa7: {  	_ =	swait.ge @!p5 [sflag:s10], $0x2000  }
0xa8: {  	[sflag:s10] =	ssyncset.done @!p5 $0x0  }
0xa9: {  	s3 =	rddreg [dreg:$0x1e];
	[sflag:s10] =	ssyncadd.s32 @!p5 $0xFFFFE000  }
0xaa: {  	[spmem:s3] =	stream.linear.scatter @!p5 [tilespmem:s9], [sflag:$0xC], $0x2000, $0x38;
	[tilespmem:$0x1DD80] =	vst v63  }
0xab: {  	_ =	swait.ge @!p5 [sflag:s10], $0x2000  }
0xac: {  	[sflag:s10] =	ssyncset.done @!p5 $0x0  }
0xad: {  	s3 =	rddreg [dreg:$0x1f];
	[sflag:s10] =	ssyncadd.s32 @!p5 $0xFFFFE000  }
0xae: {  	[spmem:s3] =	stream.linear.scatter @!p5 [tilespmem:s9], [sflag:$0xC], $0x2000, $0x38;
	[tilespmem:$0x1DD80] =	vst v63  }
0xaf: {  	_ =	swait.ge @!p5 [sflag:s10], $0x2000  }
0xb0: {  	s3 =	sld [smem:$0x7ED]  }
0xb1: {  	[sflag:s10] =	ssyncset.done @!p5 $0x0  }
0xb2: {  	[sflag:s10] =	ssyncadd.s32 @!p5 $0xFFFFE000  }
0xb3: {  	[spmem:s3] =	stream.linear.scatter @!p5 [tilespmem:s9], [sflag:$0xC], $0x1800, $0x38;
	[tilespmem:$0x1DD80] =	vst v63  }
0xb4: {  	_ =	swait.ge @!p5 [sflag:s10], $0x1800  }
0xb5: {  	[sflag:s10] =	ssyncset.done @!p5 $0x0  }
0xb6: {  	[sflag:s10] =	ssyncadd.s32 @!p5 $0xFFFFE800  }
.LBB2_6:
0xb7: {  	[bflag:$0x0] =	sbarrier.arrive $0xFFFF  }
0xb8: {  	s9 =	simm.s32 $0x0;
	s3 =	rddreg [dreg:$0xd]  }
0xb9: {  	[tilespmem:s9], [sflag:$0xC] =	stream.linear.gather [hbm4b:s3+s9], $0x40, $0x38;
	[tilespmem:$0x1DD80] =	vst v63  }
0xba: {  	_ =	swait.ge [sflag:s0], $0x40  }
0xbb: {  	[sflag:s0] =	ssyncset.done $0x0  }
0xbc: {  	s10 =	rddreg [dreg:$0xe];
	[sflag:s0] =	ssyncadd.s32 $0xFFFFFFC0  }
0xbd: {  	[tilespmem:s6], [sflag:$0xC] =	stream.linear.gather [hbm4b:s10+s9], $0x40, $0x38;
	[tilespmem:$0x1DD80] =	vst v63  }
0xbe: {  	_ =	swait.ge [sflag:s0], $0x40  }
0xbf: {  	[sflag:s0] =	ssyncset.done $0x0  }
0xc0: {  	[sflag:s0] =	ssyncadd.s32 $0xFFFFFFC0  }
0xc1: {  	[tilespmem:s21], [sflag:$0x1] =	stream.indirect.gather [hbm4b:s1+s7], $0x80, s9, s7, $0xb8;
	[tilespmem:$0x1DD80] =	vst v63  }
0xc2: {  	s5 =	simm.s32 $0x80;
	s11 =	rddreg [dreg:$0xf]  }
0xc3: {  	[tilespmem:s5], [sflag:$0xC] =	stream.linear.gather [hbm4b:s11+s9], $0x40, $0x38;
	[tilespmem:$0x1DD80] =	vst v63  }
0xc4: {  	_ =	swait.ge [sflag:s0], $0x40  }
0xc5: {  	[sflag:s0] =	ssyncset.done $0x0  }
0xc6: {  	s10 =	simm.s32 $0x300;
	s13 =	rddreg [dreg:$0x10];
	[sflag:s0] =	ssyncadd.s32 $0xFFFFFFC0  }
0xc7: {  	[tilespmem:s10], [sflag:$0xC] =	stream.linear.gather [hbm4b:s13+s9], $0x40, $0x38;
	[tilespmem:$0x1DD80] =	vst v63  }
0xc8: {  	_ =	swait.ge [sflag:s0], $0x40  }
0xc9: {  	[sflag:s0] =	ssyncset.done $0x0  }
0xca: {  	s14 =	simm.s32 $0x2500;
	[sflag:s0] =	ssyncadd.s32 $0xFFFFFFC0  }
0xcb: {  	[tilespmem:s14], [sflag:$0x2] =	stream.indirect.gather [hbm4b:s1+s7], $0x80, s5, s7, $0xb8;
	[tilespmem:$0x1DD80] =	vst v63  }
0xcc: {  	s16 =	simm.s32 $0x100;
	s15 =	rddreg [dreg:$0x11]  }
0xcd: {  	[tilespmem:s16], [sflag:$0xC] =	stream.linear.gather [hbm4b:s15+s9], $0x40, $0x38;
	[tilespmem:$0x1DD80] =	vst v63  }
0xce: {  	_ =	swait.ge [sflag:s0], $0x40  }
0xcf: {  	[sflag:s0] =	ssyncset.done $0x0  }
0xd0: {  	s20 =	simm.s32 $0x380;
	s17 =	rddreg [dreg:$0x12];
	[sflag:s0] =	ssyncadd.s32 $0xFFFFFFC0  }
0xd1: {  	[tilespmem:s20], [sflag:$0xC] =	stream.linear.gather [hbm4b:s17+s9], $0x40, $0x38;
	[tilespmem:$0x1DD80] =	vst v63  }
0xd2: {  	_ =	swait.ge [sflag:s0], $0x40  }
0xd3: {  	s22 =	simm.s32 $0x4500;
	s24 =	simm.s32 $0x180;
	[sflag:s0] =	ssyncset.done $0x0  }
0xd4: {  	s30 =	simm.s32 $0x400;
	s25 =	rddreg [dreg:$0x5];
	[sflag:s0] =	ssyncadd.s32 $0xFFFFFFC0  }
0xd5: {  	[tilespmem:s22], [sflag:$0x3] =	stream.indirect.gather [hbm4b:s1+s7], $0x80, s16, s7, $0xb8;
	[tilespmem:$0x1DD80] =	vst v63  }
0xd6: {  	s11 =	simm.s32 $0x500;
	s23 =	rddreg [dreg:$0x13];
	p1 =	sle.u32 s25, $0x0  }
0xd7: {  	[tilespmem:s24], [sflag:$0xB] =	stream.linear.gather [hbm4b:s23+s9], $0x40, $0x38;
	[tilespmem:$0x1DD80] =	vst v63  }
0xd8: {  	s13 =	simm.s32 $0x5;
	s29 =	rddreg [dreg:$0x14];
	s17 =	simm.s32 @!p1 $0xB  }
0xd9: {  	[tilespmem:s30], [sflag:$0xB] =	stream.linear.gather [hbm4b:s29+s9], $0x40, $0x38;
	[tilespmem:$0x1DD80] =	vst v63  }
0xda: {  	s10 =	simm.s32 $0x0;
	p3 =	sle.u32 @!p1 s8, $0x7;
	_ =	swait.ge @!p1 [sflag:s17], $0x40  }
.LBB2_7:
0xdb: {  	[sflag:s17] =	ssyncset.done @!p1 $0x0  }
0xdc: {  	[sflag:s17] =	ssyncadd.s32 @!p1 $0xFFFFFFC0  }
0xdd: {  	_ =	swait.ge @!p1 [sflag:s17], $0x40  }
0xde: {  	s15 =	simm.s32 @!p1 $0x40;
	[sflag:s17] =	ssyncset.done @!p1 $0x0  }
0xdf: {  	s16 =	simm.s32 @!p1 $0x6500;
	s20 =	simm.s32 @!p1 $0x180;
	[sflag:s17] =	ssyncadd.s32 @!p1 $0xFFFFFFC0  }
0xe0: {  	[tilespmem:s16], [sflag:$0x4] =	stream.indirect.gather @!p1 [hbm4b:s1+s15], $0x80, s20, s15, $0xb8;
	[tilespmem:$0x1DD80] =	vst v63  }
0xe1: {  	p5 =	sge.u32 s9, s12;
	s25 =	sadd.s32 $0x4, s9;
	_ =	swait.ge [sflag:s26], $0x2000  }
0xe2: {  	p6 =	seq.s32 s10, $0x0;
	p0 =	sge.u32 @!p5 s9, s31;
	[sflag:s26] =	ssyncset.done $0x0  }
0xe3: {  	p4 =	sge.u32 s25, s8;
	s20 =	simm.s32 @!p6 $0xA;
	[sflag:s26] =	ssyncadd.s32 $0xFFFFE000  }
0xe4: {  	[spmem:s2] =	stream.indirect.scatter.add.f32 [tilespmem:s21], [sflag:$0x6], $0x80, s6, s7, $0xb8;
	[tilespmem:$0x1DD80] =	vst v63  }
0xe5: {  	s25 =	simm.s32 @!p4 $0x200;
	s22 =	simm.s32 @!p4 $0x0;
	_ =	swait.ge @!p6 [sflag:s20], $0x2000  }
0xe6: {  	p0 =	por p0, p5;
	s24 =	sadd.s32 @!p4 s10, s18;
	[sflag:s20] =	ssyncset.done @!p6 $0x0  }
0xe7: {  	s17 =	sadd.s32 @!p4 s10, s19;
	[sflag:s20] =	ssyncadd.s32 @!p6 $0xFFFFE000;
	s20 =	sadd.s32 @!p4 $0x400, s24  }
0xe8: {  	[tilespmem:s25], [sflag:$0xB] =	stream.linear.gather @!p4 [hbm4b:s20+s22], $0x40, $0x38;
	[tilespmem:$0x1DD80] =	vst v63  }
0xe9: {  	s5 =	simm.s32 @!p0 $0xB;
	s17 =	sadd.s32 @!p4 $0x400, s17;
	s20 =	simm.s32 @!p4 $0x480  }
0xea: {  	[tilespmem:s20], [sflag:$0xB] =	stream.linear.gather @!p4 [hbm4b:s17+s22], $0x40, $0x38;
	[tilespmem:$0x1DD80] =	vst v63  }
0xeb: {  	_ =	swait.ge @!p0 [sflag:s5], $0x40  }
0xec: {  	[sflag:s5] =	ssyncset.done @!p0 $0x0  }
0xed: {  	[sflag:s5] =	ssyncadd.s32 @!p0 $0xFFFFFFC0  }
0xee: {  	s3 =	simm.s32 @!p5 $0x2;
	s29 =	sadd.s32 @!p5 $0x5, s9;
	_ =	swait.ge @!p0 [sflag:s5], $0x40  }
0xef: {  	p2 =	sge.u32 @!p5 s29, s8;
	s23 =	simm.s32 @!p0 $0x8500;
	[sflag:s5] =	ssyncset.done @!p0 $0x0  }
0xf0: {  	s17 =	simm.s32 @!p0 $0x40;
	s20 =	simm.s32 @!p0 $0x200;
	[sflag:s5] =	ssyncadd.s32 @!p0 $0xFFFFFFC0  }
0xf1: {  	[tilespmem:s23], [sflag:$0x5] =	stream.indirect.gather @!p0 [hbm4b:s1+s17], $0x80, s20, s17, $0xb8;
	[tilespmem:$0x1DD80] =	vst v63  }
0xf2: {  	s29 =	simm.s32 @!p5 $0x300;
	s24 =	simm.s32 @!p5 $0x6;
	_ =	swait.ge @!p5 [sflag:s3], $0x2000  }
0xf3: {  	p6 =	por p2, p5;
	s25 =	simm.s32 @!p5 $0x2500;
	[sflag:s3] =	ssyncset.done @!p5 $0x0  }
0xf4: {  	s22 =	sadd.s32 @!p6 s10, s18;
	[sflag:s3] =	ssyncadd.s32 @!p5 $0xFFFFE000;
	s3 =	simm.s32 @!p5 $0x40  }
0xf5: {  	[spmem:s2] =	stream.indirect.scatter.add.f32 @!p5 [tilespmem:s25], [sflag:$0x7], $0x80, s29, s3, $0xb8;
	[tilespmem:$0x1DD80] =	vst v63  }
0xf6: {  	s22 =	sadd.s32 @!p6 $0x500, s22;
	_ =	swait.ge @!p5 [sflag:s24], $0x2000  }
0xf7: {  	s17 =	simm.s32 @!p6 $0x0;
	[sflag:s24] =	ssyncset.done @!p5 $0x0;
	s29 =	rddreg [dreg:$0x6]  }
0xf8: {  	s20 =	rddreg [dreg:$0x7];
	[sflag:s24] =	ssyncadd.s32 @!p5 $0xFFFFE000;
	p0 =	sge.u32 s9, s29  }
0xf9: {  	[tilespmem:s17], [sflag:$0xB] =	stream.linear.gather @!p6 [hbm4b:s22+s17], $0x40, $0x38;
	[tilespmem:$0x1DD80] =	vst v63  }
0xfa: {  	s30 =	sadd.s32 @!p6 s10, s19;
	p2 =	sge.u32 @!p0 s9, s20  }
0xfb: {  	s5 =	sadd.s32 @!p6 $0x500, s30;
	s3 =	sadd.s32 @!p0 $0x6, s9;
	p2 =	por p2, p0  }
0xfc: {  	s30 =	simm.s32 @!p6 $0x280;
	p5 =	sge.u32 @!p0 s3, s8;
	s3 =	simm.s32 @!p2 $0xB  }
0xfd: {  	[tilespmem:s30], [sflag:$0xB] =	stream.linear.gather @!p6 [hbm4b:s5+s17], $0x40, $0x38;
	[tilespmem:$0x1DD80] =	vst v63  }
0xfe: {  	_ =	swait.ge @!p2 [sflag:s3], $0x40  }
0xff: {  	[sflag:s3] =	ssyncset.done @!p2 $0x0  }
0x100: {  	[sflag:s3] =	ssyncadd.s32 @!p2 $0xFFFFFFC0  }
0x101: {  	_ =	swait.ge @!p2 [sflag:s3], $0x40  }
0x102: {  	s5 =	simm.s32 @!p2 $0x500;
	s17 =	simm.s32 @!p0 $0x3;
	[sflag:s3] =	ssyncset.done @!p2 $0x0  }
0x103: {  	s20 =	simm.s32 @!p2 $0x0;
	[sflag:s3] =	ssyncadd.s32 @!p2 $0xFFFFFFC0;
	s3 =	simm.s32 @!p2 $0x40  }
0x104: {  	[tilespmem:s5], [sflag:$0x1] =	stream.indirect.gather @!p2 [hbm4b:s1+s3], $0x80, s20, s3, $0xb8;
	[tilespmem:$0x1DD80] =	vst v63  }
0x105: {  	s3 =	simm.s32 @!p0 $0x4500;
	_ =	swait.ge @!p0 [sflag:s17], $0x2000  }
0x106: {  	s5 =	simm.s32 @!p0 $0x7;
	s20 =	simm.s32 @!p0 $0x380;
	[sflag:s17] =	ssyncset.done @!p0 $0x0  }
0x107: {  	p2 =	por p5, p0;
	[sflag:s17] =	ssyncadd.s32 @!p0 $0xFFFFE000;
	s17 =	simm.s32 @!p0 $0x40  }
0x108: {  	[spmem:s2] =	stream.indirect.scatter.add.f32 @!p0 [tilespmem:s3], [sflag:$0x8], $0x80, s20, s17, $0xb8;
	[tilespmem:$0x1DD80] =	vst v63  }
0x109: {  	s3 =	simm.s32 @!p2 $0x0;
	_ =	swait.ge @!p0 [sflag:s5], $0x2000  }
0x10a: {  	s20 =	sadd.s32 @!p2 s10, s19;
	[sflag:s5] =	ssyncset.done @!p0 $0x0;
	s17 =	rddreg [dreg:$0x8]  }
0x10b: {  	[sflag:s5] =	ssyncadd.s32 @!p0 $0xFFFFE000;
	s5 =	sadd.s32 @!p2 s10, s18;
	p0 =	sge.u32 @!p1 s9, s17  }
0x10c: {  	s17 =	simm.s32 @!p2 $0x80;
	s5 =	sadd.s32 @!p2 $0x600, s5;
	p0 =	por p0, p1  }
0x10d: {  	[tilespmem:s17], [sflag:$0xB] =	stream.linear.gather @!p2 [hbm4b:s5+s3], $0x40, $0x38;
	[tilespmem:$0x1DD80] =	vst v63  }
0x10e: {  	s20 =	sadd.s32 @!p2 $0x600, s20;
	s5 =	simm.s32 @!p2 $0x300;
	s17 =	simm.s32 @!p0 $0xB  }
0x10f: {  	[tilespmem:s5], [sflag:$0xB] =	stream.linear.gather @!p2 [hbm4b:s20+s3], $0x40, $0x38;
	[tilespmem:$0x1DD80] =	vst v63  }
0x110: {  	_ =	swait.ge @!p0 [sflag:s17], $0x40  }
0x111: {  	[sflag:s17] =	ssyncset.done @!p0 $0x0  }
0x112: {  	[sflag:s17] =	ssyncadd.s32 @!p0 $0xFFFFFFC0  }
0x113: {  	p5 =	sge.u32 s9, s31;
	_ =	swait.ge @!p0 [sflag:s17], $0x40  }
0x114: {  	s22 =	simm.s32 @!p0 $0x40;
	s23 =	simm.s32 @!p0 $0x80;
	[sflag:s17] =	ssyncset.done @!p0 $0x0  }
0x115: {  	s3 =	simm.s32 @!p1 $0x4;
	s5 =	simm.s32 @!p0 $0x2500;
	[sflag:s17] =	ssyncadd.s32 @!p0 $0xFFFFFFC0  }
0x116: {  	[tilespmem:s5], [sflag:$0x2] =	stream.indirect.gather @!p0 [hbm4b:s1+s22], $0x80, s23, s22, $0xb8;
	[tilespmem:$0x1DD80] =	vst v63  }
0x117: {  	s24 =	simm.s32 @!p1 $0x400;
	s20 =	sadd.s32 @!p5 $0x8, s9;
	_ =	swait.ge @!p1 [sflag:s3], $0x2000  }
0x118: {  	p6 =	sge.u32 @!p5 s20, s8;
	p0 =	por p3, p1;
	[sflag:s3] =	ssyncset.done @!p1 $0x0  }
0x119: {  	s5 =	sadd.s32 @!p0 s10, s18;
	[sflag:s3] =	ssyncadd.s32 @!p1 $0xFFFFE000;
	s3 =	simm.s32 @!p1 $0x8  }
0x11a: {  	[spmem:s2] =	stream.indirect.scatter.add.f32 @!p1 [tilespmem:s16], [sflag:$0x9], $0x80, s24, s15, $0xb8;
	[tilespmem:$0x1DD80] =	vst v63  }
0x11b: {  	s17 =	sadd.s32 @!p0 s10, s19;
	s15 =	simm.s32 @!p0 $0x100;
	_ =	swait.ge @!p1 [sflag:s3], $0x2000  }
0x11c: {  	s16 =	simm.s32 @!p0 $0x0;
	[sflag:s3] =	ssyncset.done @!p1 $0x0;
	s20 =	rddreg [dreg:$0x9]  }
0x11d: {  	[sflag:s3] =	ssyncadd.s32 @!p1 $0xFFFFE000;
	s3 =	sadd.s32 @!p0 $0x700, s5;
	p1 =	sge.u32 @!p5 s9, s20  }
0x11e: {  	[tilespmem:s15], [sflag:$0xB] =	stream.linear.gather @!p0 [hbm4b:s3+s16], $0x40, $0x38;
	[tilespmem:$0x1DD80] =	vst v63  }
0x11f: {  	s5 =	simm.s32 @!p0 $0x380;
	s3 =	sadd.s32 @!p0 $0x700, s17;
	p1 =	por p1, p5  }
0x120: {  	[tilespmem:s5], [sflag:$0xB] =	stream.linear.gather @!p0 [hbm4b:s3+s16], $0x40, $0x38;
	[tilespmem:$0x1DD80] =	vst v63  }
0x121: {  	s3 =	simm.s32 @!p1 $0xB  }
0x122: {  	_ =	swait.ge @!p1 [sflag:s3], $0x40  }
0x123: {  	[sflag:s3] =	ssyncset.done @!p1 $0x0  }
0x124: {  	[sflag:s3] =	ssyncadd.s32 @!p1 $0xFFFFFFC0  }
0x125: {  	s14 =	smov.u32 s11;
	s11 =	sadd.s32 $0x500, s11;
	_ =	swait.ge @!p1 [sflag:s3], $0x40  }
0x126: {  	s15 =	simm.s32 @!p1 $0x4500;
	s5 =	simm.s32 @!p5 $0x5;
	[sflag:s3] =	ssyncset.done @!p1 $0x0  }
0x127: {  	s16 =	simm.s32 @!p1 $0x100;
	[sflag:s3] =	ssyncadd.s32 @!p1 $0xFFFFFFC0;
	s3 =	simm.s32 @!p1 $0x40  }
0x128: {  	[tilespmem:s15], [sflag:$0x3] =	stream.indirect.gather @!p1 [hbm4b:s1+s3], $0x80, s16, s3, $0xb8;
	[tilespmem:$0x1DD80] =	vst v63  }
0x129: {  	p4 =	sne.s32 s11, $0xA000;
	_ =	swait.ge @!p5 [sflag:s5], $0x2000  }
0x12a: {  	s3 =	simm.s32 @!p5 $0x8500;
	s15 =	simm.s32 @!p5 $0x9;
	[sflag:s5] =	ssyncset.done @!p5 $0x0  }
0x12b: {  	s16 =	simm.s32 @!p5 $0x480;
	[sflag:s5] =	ssyncadd.s32 @!p5 $0xFFFFE000;
	s5 =	simm.s32 @!p5 $0x40  }
0x12c: {  	[spmem:s2] =	stream.indirect.scatter.add.f32 @!p5 [tilespmem:s3], [sflag:$0xA], $0x80, s16, s5, $0xb8;
	[tilespmem:$0x1DD80] =	vst v63  }
0x12d: {  	s9 =	smov.u32 s13;
	p0 =	por p6, p5;
	_ =	swait.ge @!p5 [sflag:s15], $0x2000  }
0x12e: {  	s5 =	simm.s32 @!p0 $0x0;
	s16 =	simm.s32 @!p0 $0x180;
	[sflag:s15] =	ssyncset.done @!p5 $0x0  }
0x12f: {  	s3 =	simm.s32 @!p0 $0x400;
	s30 =	rddreg [dreg:$0x5];
	[sflag:s15] =	ssyncadd.s32 @!p5 $0xFFFFE000  }
0x130: {  	s15 =	sadd.s32 @!p0 s10, s18;
	s10 =	sadd.s32 @!p0 s10, s19;
	p1 =	sge.u32 s13, s30  }
.Ltmp3:
0x131: {  	s15 =	sadd.s32 @!p0 $0x800, s15;
	s20 =	sadd.s32 @!p0 $0x800, s10;
	(pc) =	sbr.rel @p4 .LBB2_7-.Ltmp3, $4  }
0x132: {  	[tilespmem:s16], [sflag:$0xB] =	stream.linear.gather @!p0 [hbm4b:s15+s5], $0x40, $0x38;
	[tilespmem:$0x1DD80] =	vst v63  }
0x133: {  	s17 =	simm.s32 @!p1 $0xB;
	s10 =	smov.u32 s14;
	s15 =	sadd.s32 @!p1 $0x7, s13  }
0x134: {  	[tilespmem:s3], [sflag:$0xB] =	stream.linear.gather @!p0 [hbm4b:s20+s5], $0x40, $0x38;
	[tilespmem:$0x1DD80] =	vst v63  }
0x135: {  	s13 =	sadd.s32 $0x5, s13;
	p3 =	sge.u32 @!p1 s15, s8;
	_ =	swait.ge @!p1 [sflag:s17], $0x40  }
0x136: {  	[sflag:s17] =	ssyncset.done @!p1 $0x0  }
0x137: {  	[sflag:s17] =	ssyncadd.s32 @!p1 $0xFFFFFFC0  }
0x138: {  	_ =	swait.ge @!p1 [sflag:s17], $0x40  }
0x139: {  	s11 =	simm.s32 @!p1 $0x40;
	[sflag:s17] =	ssyncset.done @!p1 $0x0  }
0x13a: {  	s13 =	simm.s32 @!p1 $0x6500;
	s3 =	simm.s32 @!p1 $0x180;
	[sflag:s17] =	ssyncadd.s32 @!p1 $0xFFFFFFC0  }
0x13b: {  	[tilespmem:s13], [sflag:$0x4] =	stream.indirect.gather @!p1 [hbm4b:s1+s11], $0x80, s3, s11, $0xb8;
	[tilespmem:$0x1DD80] =	vst v63  }
0x13c: {  	_ =	swait.ge [sflag:s26], $0x2000  }
0x13d: {  	s16 =	sadd.s32 $0x4, s9;
	p0 =	seq.s32 s10, $0x0;
	[sflag:s26] =	ssyncset.done $0x0  }
0x13e: {  	p2 =	sge.u32 s16, s8;
	s3 =	simm.s32 @!p0 $0xA;
	[sflag:s26] =	ssyncadd.s32 $0xFFFFE000  }
0x13f: {  	[spmem:s2] =	stream.indirect.scatter.add.f32 [tilespmem:s21], [sflag:$0x6], $0x80, s6, s7, $0xb8;
	[tilespmem:$0x1DD80] =	vst v63  }
0x140: {  	s5 =	sadd.s32 @!p2 s10, s19;
	_ =	swait.ge @!p0 [sflag:s3], $0x2000  }
0x141: {  	s14 =	simm.s32 @!p2 $0x200;
	s15 =	sadd.s32 @!p2 s10, s18;
	[sflag:s3] =	ssyncset.done @!p0 $0x0  }
0x142: {  	s16 =	simm.s32 @!p2 $0x0;
	[sflag:s3] =	ssyncadd.s32 @!p0 $0xFFFFE000;
	s3 =	sadd.s32 @!p2 $0x400, s15  }
0x143: {  	[tilespmem:s14], [sflag:$0xB] =	stream.linear.gather @!p2 [hbm4b:s3+s16], $0x40, $0x38;
	[tilespmem:$0x1DD80] =	vst v63  }
0x144: {  	p0 =	sge.u32 s9, s12;
	s3 =	sadd.s32 @!p2 $0x400, s5;
	s5 =	simm.s32 @!p2 $0x480  }
0x145: {  	[tilespmem:s5], [sflag:$0xB] =	stream.linear.gather @!p2 [hbm4b:s3+s16], $0x40, $0x38;
	[tilespmem:$0x1DD80] =	vst v63  }
0x146: {  	p2 =	sge.u32 @!p0 s9, s31  }
0x147: {  	p2 =	por p2, p0  }
0x148: {  	s3 =	simm.s32 @!p2 $0xB  }
0x149: {  	_ =	swait.ge @!p2 [sflag:s3], $0x40  }
0x14a: {  	[sflag:s3] =	ssyncset.done @!p2 $0x0  }
0x14b: {  	[sflag:s3] =	ssyncadd.s32 @!p2 $0xFFFFFFC0  }
0x14c: {  	_ =	swait.ge @!p2 [sflag:s3], $0x40  }
0x14d: {  	s14 =	sadd.s32 @!p0 $0x5, s9;
	s5 =	simm.s32 @!p2 $0x8500;
	[sflag:s3] =	ssyncset.done @!p2 $0x0  }
0x14e: {  	s15 =	simm.s32 @!p2 $0x40;
	s16 =	simm.s32 @!p2 $0x200;
	[sflag:s3] =	ssyncadd.s32 @!p2 $0xFFFFFFC0  }
0x14f: {  	[tilespmem:s5], [sflag:$0x5] =	stream.indirect.gather @!p2 [hbm4b:s1+s15], $0x80, s16, s15, $0xb8;
	[tilespmem:$0x1DD80] =	vst v63  }
0x150: {  	s3 =	simm.s32 @!p0 $0x2;
	p2 =	sge.u32 @!p0 s14, s8  }
0x151: {  	s5 =	simm.s32 @!p0 $0x6;
	s15 =	simm.s32 @!p0 $0x2500;
	_ =	swait.ge @!p0 [sflag:s3], $0x2000  }
0x152: {  	s16 =	simm.s32 @!p0 $0x300;
	p2 =	por p2, p0;
	[sflag:s3] =	ssyncset.done @!p0 $0x0  }
0x153: {  	s14 =	sadd.s32 @!p2 s10, s18;
	[sflag:s3] =	ssyncadd.s32 @!p0 $0xFFFFE000;
	s3 =	simm.s32 @!p0 $0x40  }
0x154: {  	[spmem:s2] =	stream.indirect.scatter.add.f32 @!p0 [tilespmem:s15], [sflag:$0x7], $0x80, s16, s3, $0xb8;
	[tilespmem:$0x1DD80] =	vst v63  }
0x155: {  	s3 =	sadd.s32 @!p2 $0x500, s14;
	_ =	swait.ge @!p0 [sflag:s5], $0x2000  }
0x156: {  	s14 =	sadd.s32 @!p2 s10, s19;
	[sflag:s5] =	ssyncset.done @!p0 $0x0;
	s17 =	rddreg [dreg:$0x6]  }
0x157: {  	s16 =	simm.s32 @!p2 $0x0;
	[sflag:s5] =	ssyncadd.s32 @!p0 $0xFFFFE000;
	s5 =	rddreg [dreg:$0x7]  }
0x158: {  	[tilespmem:s16], [sflag:$0xB] =	stream.linear.gather @!p2 [hbm4b:s3+s16], $0x40, $0x38;
	[tilespmem:$0x1DD80] =	vst v63  }
0x159: {  	p0 =	sge.u32 s9, s17;
	s3 =	sadd.s32 @!p2 $0x500, s14;
	s14 =	simm.s32 @!p2 $0x280  }
0x15a: {  	[tilespmem:s14], [sflag:$0xB] =	stream.linear.gather @!p2 [hbm4b:s3+s16], $0x40, $0x38;
	[tilespmem:$0x1DD80] =	vst v63  }
0x15b: {  	p2 =	sge.u32 @!p0 s9, s5  }
0x15c: {  	p2 =	por p2, p0  }
0x15d: {  	s3 =	simm.s32 @!p2 $0xB  }
0x15e: {  	_ =	swait.ge @!p2 [sflag:s3], $0x40  }
0x15f: {  	[sflag:s3] =	ssyncset.done @!p2 $0x0  }
0x160: {  	[sflag:s3] =	ssyncadd.s32 @!p2 $0xFFFFFFC0  }
0x161: {  	_ =	swait.ge @!p2 [sflag:s3], $0x40  }
0x162: {  	s14 =	simm.s32 @!p0 $0x3;
	s5 =	simm.s32 @!p2 $0x500;
	[sflag:s3] =	ssyncset.done @!p2 $0x0  }
0x163: {  	s15 =	simm.s32 @!p2 $0x0;
	[sflag:s3] =	ssyncadd.s32 @!p2 $0xFFFFFFC0;
	s3 =	simm.s32 @!p2 $0x40  }
0x164: {  	[tilespmem:s5], [sflag:$0x1] =	stream.indirect.gather @!p2 [hbm4b:s1+s3], $0x80, s15, s3, $0xb8;
	[tilespmem:$0x1DD80] =	vst v63  }
0x165: {  	_ =	swait.ge @!p0 [sflag:s14], $0x2000  }
0x166: {  	s3 =	simm.s32 @!p0 $0x4500;
	[sflag:s14] =	ssyncset.done @!p0 $0x0  }
0x167: {  	s15 =	simm.s32 @!p0 $0x380;
	[sflag:s14] =	ssyncadd.s32 @!p0 $0xFFFFE000;
	s14 =	simm.s32 @!p0 $0x40  }
0x168: {  	[spmem:s2] =	stream.indirect.scatter.add.f32 @!p0 [tilespmem:s3], [sflag:$0x8], $0x80, s15, s14, $0xb8;
	[tilespmem:$0x1DD80] =	vst v63  }
0x169: {  	s5 =	simm.s32 @!p0 $0x7;
	s3 =	sadd.s32 @!p0 $0x6, s9  }
0x16a: {  	_ =	swait.ge @!p0 [sflag:s5], $0x2000;
	p2 =	sge.u32 @!p0 s3, s8  }
0x16b: {  	[sflag:s5] =	ssyncset.done @!p0 $0x0;
	p2 =	por p2, p0  }
0x16c: {  	[sflag:s5] =	ssyncadd.s32 @!p0 $0xFFFFE000;
	s3 =	simm.s32 @!p2 $0x0  }
0x16d: {  	s5 =	rddreg [dreg:$0x8];
	s14 =	sadd.s32 @!p2 s10, s18;
	s15 =	sadd.s32 @!p2 s10, s19  }
0x16e: {  	s16 =	simm.s32 @!p2 $0x80;
	s14 =	sadd.s32 @!p2 $0x600, s14;
	p0 =	sge.u32 @!p1 s9, s5  }
0x16f: {  	[tilespmem:s16], [sflag:$0xB] =	stream.linear.gather @!p2 [hbm4b:s14+s3], $0x40, $0x38;
	[tilespmem:$0x1DD80] =	vst v63  }
0x170: {  	s14 =	sadd.s32 @!p2 $0x600, s15;
	s15 =	simm.s32 @!p2 $0x300;
	p0 =	por p0, p1  }
0x171: {  	[tilespmem:s15], [sflag:$0xB] =	stream.linear.gather @!p2 [hbm4b:s14+s3], $0x40, $0x38;
	[tilespmem:$0x1DD80] =	vst v63  }
0x172: {  	s3 =	simm.s32 @!p0 $0xB  }
0x173: {  	_ =	swait.ge @!p0 [sflag:s3], $0x40  }
0x174: {  	[sflag:s3] =	ssyncset.done @!p0 $0x0  }
0x175: {  	[sflag:s3] =	ssyncadd.s32 @!p0 $0xFFFFFFC0  }
0x176: {  	_ =	swait.ge @!p0 [sflag:s3], $0x40  }
0x177: {  	s5 =	simm.s32 @!p0 $0x2500;
	s14 =	simm.s32 @!p0 $0x40;
	[sflag:s3] =	ssyncset.done @!p0 $0x0  }
0x178: {  	s15 =	simm.s32 @!p0 $0x80;
	[sflag:s3] =	ssyncadd.s32 @!p0 $0xFFFFFFC0;
	s3 =	simm.s32 @!p1 $0x4  }
0x179: {  	[tilespmem:s5], [sflag:$0x2] =	stream.indirect.gather @!p0 [hbm4b:s1+s14], $0x80, s15, s14, $0xb8;
	[tilespmem:$0x1DD80] =	vst v63  }
0x17a: {  	p2 =	por p3, p1;
	_ =	swait.ge @!p1 [sflag:s3], $0x2000  }
0x17b: {  	s5 =	simm.s32 @!p1 $0x400;
	s14 =	simm.s32 @!p2 $0x0;
	[sflag:s3] =	ssyncset.done @!p1 $0x0  }
0x17c: {  	p0 =	sge.u32 s9, s31;
	[sflag:s3] =	ssyncadd.s32 @!p1 $0xFFFFE000;
	s3 =	simm.s32 @!p1 $0x8  }
0x17d: {  	[spmem:s2] =	stream.indirect.scatter.add.f32 @!p1 [tilespmem:s13], [sflag:$0x9], $0x80, s5, s11, $0xb8;
	[tilespmem:$0x1DD80] =	vst v63  }
0x17e: {  	s5 =	sadd.s32 @!p2 s10, s18;
	s11 =	sadd.s32 @!p2 s10, s19;
	_ =	swait.ge @!p1 [sflag:s3], $0x2000  }
0x17f: {  	s13 =	simm.s32 @!p2 $0x100;
	[sflag:s3] =	ssyncset.done @!p1 $0x0;
	s15 =	rddreg [dreg:$0x9]  }
0x180: {  	[sflag:s3] =	ssyncadd.s32 @!p1 $0xFFFFE000;
	s3 =	sadd.s32 @!p2 $0x700, s5;
	p1 =	sge.u32 @!p0 s9, s15  }
0x181: {  	[tilespmem:s13], [sflag:$0xB] =	stream.linear.gather @!p2 [hbm4b:s3+s14], $0x40, $0x38;
	[tilespmem:$0x1DD80] =	vst v63  }
0x182: {  	s5 =	simm.s32 @!p2 $0x380;
	s3 =	sadd.s32 @!p2 $0x700, s11;
	p1 =	por p1, p0  }
0x183: {  	[tilespmem:s5], [sflag:$0xB] =	stream.linear.gather @!p2 [hbm4b:s3+s14], $0x40, $0x38;
	[tilespmem:$0x1DD80] =	vst v63  }
0x184: {  	s3 =	simm.s32 @!p1 $0xB  }
0x185: {  	_ =	swait.ge @!p1 [sflag:s3], $0x40  }
0x186: {  	[sflag:s3] =	ssyncset.done @!p1 $0x0  }
0x187: {  	[sflag:s3] =	ssyncadd.s32 @!p1 $0xFFFFFFC0  }
0x188: {  	_ =	swait.ge @!p1 [sflag:s3], $0x40  }
0x189: {  	s11 =	simm.s32 @!p1 $0x4500;
	s13 =	simm.s32 @!p1 $0x100;
	[sflag:s3] =	ssyncset.done @!p1 $0x0  }
0x18a: {  	s5 =	simm.s32 @!p0 $0x5;
	[sflag:s3] =	ssyncadd.s32 @!p1 $0xFFFFFFC0;
	s3 =	simm.s32 @!p1 $0x40  }
0x18b: {  	[tilespmem:s11], [sflag:$0x3] =	stream.indirect.gather @!p1 [hbm4b:s1+s3], $0x80, s13, s3, $0xb8;
	[tilespmem:$0x1DD80] =	vst v63  }
0x18c: {  	s3 =	sadd.s32 @!p0 $0x8, s9;
	s9 =	simm.s32 @!p0 $0x8500;
	_ =	swait.ge @!p0 [sflag:s5], $0x2000  }
0x18d: {  	s11 =	simm.s32 @!p0 $0x9;
	s13 =	simm.s32 @!p0 $0x480;
	[sflag:s5] =	ssyncset.done @!p0 $0x0  }
0x18e: {  	p1 =	sge.u32 @!p0 s3, s8;
	[sflag:s5] =	ssyncadd.s32 @!p0 $0xFFFFE000;
	s5 =	simm.s32 @!p0 $0x40  }
0x18f: {  	[spmem:s2] =	stream.indirect.scatter.add.f32 @!p0 [tilespmem:s9], [sflag:$0xA], $0x80, s13, s5, $0xb8;
	[tilespmem:$0x1DD80] =	vst v63  }
0x190: {  	p1 =	por p1, p0;
	_ =	swait.ge @!p0 [sflag:s11], $0x2000  }
0x191: {  	s3 =	simm.s32 @!p1 $0x0;
	s20 =	sld [smem:$0x7F3]  }
0x192: {  	s5 =	sadd.s32 @!p1 s10, s18;
	s9 =	sadd.s32 @!p1 s10, s19;
	s22 =	sld [smem:$0x7F6]  }
0x193: {  	s10 =	simm.s32 @!p1 $0x180;
	[sflag:s11] =	ssyncset.done @!p0 $0x0;
	s23 =	sld [smem:$0x7F0]  }
0x194: {  	s5 =	sadd.s32 @!p1 $0x800, s5;
	s24 =	sld [smem:$0x7FA];
	[sflag:s11] =	ssyncadd.s32 @!p0 $0xFFFFE000  }
0x195: {  	[tilespmem:s10], [sflag:$0xB] =	stream.linear.gather @!p1 [hbm4b:s5+s3], $0x40, $0x38;
	[tilespmem:$0x1DD80] =	vst v63  }
0x196: {  	s5 =	sadd.s32 @!p1 $0x800, s9;
	s9 =	simm.s32 @!p1 $0x400;
	p0 =	seq.s32 s20, $0x1  }
0x197: {  	[tilespmem:s9], [sflag:$0xB] =	stream.linear.gather @!p1 [hbm4b:s5+s3], $0x40, $0x38;
	[tilespmem:$0x1DD80] =	vst v63  }
0x198: {  	s25 =	sld [smem:$0x7F9];
	s3 =	simm.s32 @!p0 $0xA;
	p0 =	seq.s32 s22, $0x1  }
0x199: {  	s3 =	simm.s32 @p0 $0x9;
	p0 =	seq.s32 s23, $0x1  }
0x19a: {  	s9 =	simm.s32 $0x6;
	s3 =	simm.s32 @!p0 $0x8;
	p0 =	seq.s32 s24, $0x1  }
0x19b: {  	s9 =	simm.s32 @p0 $0x7;
	p0 =	seq.s32 s25, $0x1  }
0x19c: {  	s9 =	smov.u32 @p0 s3  }
0x19d: {  	_ =	swait.ge [sflag:s9], $0x2000  }
0x19e: {  	[sflag:s9] =	ssyncset.done $0x0  }
0x19f: {  	[sflag:s9] =	ssyncadd.s32 $0xFFFFE000  }
0x1a0: {  	[bflag:$0x0] =	sbarrier.arrive $0xFFFF  }
0x1a1: {  	s29 =	sld [smem:$0x7FD];
	_ =	sdelay $0x2  }
0x1a2: {  	s9 =	rddreg [dreg:$0x19];
	p5 =	seq.s32 s29, $0x1  }
0x1a3: {  	s3 =	sadd.s32 @p5 $0x24900, s9;
	s5 =	simm.s32 @p5 $0x1FCC  }
0x1a4: {  	[hbm:s3], [sflag:s5] =	dma.local @p5 [spmem:s4], $0x2800  }
0x1a5: {  	s3 =	simm.s32 @p5 $0xC  }
0x1a6: {  	_ =	swait.ge @p5 [sflag:s3], $0x2800  }
0x1a7: {  	s4 =	sld [smem:$0x7EA]  }
0x1a8: {  	[sflag:s3] =	ssyncset.done @p5 $0x0;
	s5 =	sld [smem:$0x7EB]  }
0x1a9: {  	[sflag:s3] =	ssyncadd.s32 @p5 $0xFFFFD800;
	s3 =	rddreg [dreg:$0x15]  }
0x1aa: {  	s3 =	sadd.s32 @!p5 s3, s9  }
0x1ab: {  	[hbm:s3], [sflag:s5] =	dma.local @!p5 [spmem:s4], $0x2700  }
0x1ac: {  	s3 =	simm.s32 @!p5 $0xC  }
0x1ad: {  	_ =	swait.ge @!p5 [sflag:s3], $0x2700  }
0x1ae: {  	s28 =	sadd.s32 $0x1, s28;
	s30 =	rddreg [dreg:$0x1a]  }
0x1af: {  	p0 =	sne.s32 s28, s30  }
.Ltmp4:
0x1b0: {  	_ = 	snop;
	(pc) =	sbr.rel @p0 .LBB2_1-.Ltmp4, $3  }
0x1b1: {  	_ =	sdelay $0x1  }
0x1b2: {  	[sflag:s3] =	ssyncset.done @!p5 $0x0  }
0x1b3: {  	[sflag:s3] =	ssyncadd.s32 @!p5 $0xFFFFD900  }
0x1b4: {  	_ =	sfence.sel $0x180000  }
0x1b5: {  	[bflag:$0x0] =	sbarrier.arrive $0xFFFF  }
0x1b6: {  	_ =	strace $0x90000047  }
0x1b7: {  	s0 =	stileid.u32;
	[bflag:$0x2] =	sbarrier.arrive $0xFFFF  }
0x1b8: {  	p0 =	sne.s32 s0, $0x0;
	s0 =	rddreg [dreg:$0x4]  }
0x1b9: {  	s0 =	sadd.s32 @!p0 $0x100000, s0  }
0x1ba: {  	[sflag:s0] =	ssyncadd.tile.s32 @!p0 $0x1;
	_ =	shalt  }
.Lfunc_end2:
_tile_overlayer_lowered:
.L_overlay_start_2:
0x1bb: {  	(tag) =	ssettag $0x2  }
0x1bc: {  	s0 =	rddreg [dreg:$0x0];
	s2 =	stileid.u32  }
0x1bd: {  	s1 =	rddreg [dreg:$0x1];
	p0 =	sne.s32 s2, $0x0  }
0x1be: {  	s3 =	rddreg [dreg:$0x2];
	[bflag:$0x3] =	sbarrier.arrive $0xFFFF;
	s2 =	simm.s32 @!p0 $0x1C0C  }
0x1bf: {  	[timem:s3], [sflag:s2] =	dma.local @!p0 [hbm:s0], s1  }
0x1c0: {  	s0 =	simm.s32 @!p0 $0xC  }
0x1c1: {  	_ =	swait.ge @!p0 [sflag:s0], s1  }
0x1c2: {  	s1 =	ssub.s32 @!p0 $0x0, s1;
	[sflag:s0] =	ssyncset.done @!p0 $0x0  }
0x1c3: {  	[sflag:s0] =	ssyncadd.s32 @!p0 s1  }
0x1c4: {  	[bflag:$0x3] =	sbarrier.arrive $0xFFFF  }
0x1c5: {  	_ =	shalt  }

</sc_bundles>
